<compile_context>
chip_gen: v7x
topology: tpu7x:2x2x1
jax: 0.10.2.dev20260603
libtpu: 0.0.44.dev20260713+nightly
codegen_flags: <defaults>
</compile_context>

<pallas_src>
import functools

import jax
import jax.numpy as jnp
from jax import lax
from jax.experimental import pallas as pl
from jax.experimental.pallas import tpu as pltpu
from jax.experimental.pallas import tpu_sc as plsc

BETA = 0.1
NBINS = 256
LANES = 16
NW = 32
CH = 24576
STAT_BLK = 786432


def _stats_body(x_ref, min_ref, max_ref, sab_ref):
    i = pl.program_id(0)
    x = x_ref[...]
    bmin = jnp.min(x, keepdims=True)
    bmax = jnp.max(x, keepdims=True)
    bsum = jnp.sum(jnp.abs(x), keepdims=True)

    @pl.when(i == 0)
    def _():
        min_ref[...] = bmin
        max_ref[...] = bmax
        sab_ref[...] = bsum

    @pl.when(i != 0)
    def _():
        min_ref[...] = jnp.minimum(min_ref[...], bmin)
        max_ref[...] = jnp.maximum(max_ref[...], bmax)
        sab_ref[...] = sab_ref[...] + bsum


def _stats(x2, grid=8):
    rows, width = x2.shape
    blk = rows // grid
    out = pl.pallas_call(
        _stats_body,
        grid=(grid,),
        in_specs=[pl.BlockSpec((blk, width), lambda i: (i, 0))],
        out_specs=[pl.BlockSpec((1, 1), lambda i: (0, 0))] * 3,
        out_shape=[jax.ShapeDtypeStruct((1, 1), jnp.float32)] * 3,
    )(x2)
    return out[0][0, 0], out[1][0, 0], out[2][0, 0]


def _sc_stats(flat):
    per = int(flat.shape[0]) // NW
    nch = per // CH
    assert nch % 2 == 0
    mesh = plsc.VectorSubcoreMesh(core_axis_name="c", subcore_axis_name="s")

    def body(src, out, buf, st, sem0, sem1):
        cid = lax.axis_index("c")
        sid = lax.axis_index("s")
        wid = sid * 2 + cid
        base = wid * per
        sems = (sem0, sem1)

        pltpu.async_copy(src.at[pl.ds(base, CH)], buf.at[0], sem0)
        pltpu.async_copy(src.at[pl.ds(base + CH, CH)], buf.at[1], sem1)

        big = jnp.full((LANES,), 3.4028234e38, jnp.float32)
        zero = jnp.zeros((LANES,), jnp.float32)
        init = ((big,) * 8, ((-big),) * 8, (zero,) * 8)

        def _chunks(ci, carry):
            for b in (0, 1):
                pltpu.make_async_copy(
                    src.at[pl.ds(0, CH)], buf.at[b], sems[b]).wait()

                def _vecs(i, c):
                    mns, mxs, sas = c
                    mns, mxs, sas = list(mns), list(mxs), list(sas)
                    for u in range(8):
                        v = buf[b, pl.ds((i + u) * LANES, LANES)]
                        mns[u] = jnp.minimum(mns[u], v)
                        mxs[u] = jnp.maximum(mxs[u], v)
                        sas[u] = sas[u] + jnp.abs(v)
                    return (tuple(mns), tuple(mxs), tuple(sas))

                carry = pl.loop(0, CH // LANES, step=8,
                                init_carry=carry)(_vecs)

                nxt = ci + b + 2

                @pl.when(nxt < nch)
                def _():
                    pltpu.async_copy(src.at[pl.ds(base + nxt * CH, CH)],
                                     buf.at[b], sems[b])
            return carry

        mns, mxs, sas = pl.loop(0, nch, step=2, init_carry=init)(_chunks)
        mn, mx, sa = mns[0], mxs[0], sas[0]
        for u in range(1, 8):
            mn = jnp.minimum(mn, mns[u])
            mx = jnp.maximum(mx, mxs[u])
            sa = sa + sas[u]
        st[0, :] = mn
        st[1, :] = mx
        st[2, :] = sa
        pltpu.sync_copy(st, out.at[wid])

    kfn = pl.kernel(
        body,
        out_type=jax.ShapeDtypeStruct((NW, 3, LANES), jnp.float32),
        mesh=mesh,
        scratch_types=[
            pltpu.VMEM((2, CH), jnp.float32),
            pltpu.VMEM((3, LANES), jnp.float32),
            pltpu.SemaphoreType.DMA,
            pltpu.SemaphoreType.DMA,
        ],
        compiler_params=pltpu.CompilerParams(
            use_tc_tiling_on_sc=False, needs_layout_passes=False),
    )
    return kfn(flat)


def _histograms(flat_list, par):
    nt = len(flat_list)
    per_tiles = tuple(int(f.shape[0]) // NW for f in flat_list)
    mesh = plsc.VectorSubcoreMesh(core_axis_name="c", subcore_axis_name="s")

    def body(*refs):
        srcs = refs[:nt]
        par_ref = refs[nt]
        out = refs[nt + 1]
        buf = refs[nt + 2]
        hists = refs[nt + 3:nt + 3 + nt]
        pv = refs[nt + 3 + nt]
        sem0, sem1 = refs[nt + 4 + nt:nt + 6 + nt]

        cid = lax.axis_index("c")
        sid = lax.axis_index("s")
        wid = sid * 2 + cid

        zero16 = jnp.zeros((LANES,), jnp.float32)

        @pl.loop(0, NBINS)
        def _zero(r):
            for h in hists:
                h[r, :] = zero16

        pltpu.sync_copy(par_ref, pv)

        lanes = lax.iota(jnp.int32, LANES)
        ones = jnp.ones((LANES,), jnp.float32)
        sems = (sem0, sem1)

        for t in range(nt):
            src = srcs[t]
            hist = hists[t]
            per = per_tiles[t]
            nch = per // CH
            base = wid * per
            minv = pv[t, :]
            scv = pv[nt + t, :]

            pltpu.async_copy(src.at[pl.ds(base, CH)], buf.at[0], sem0)
            pltpu.async_copy(src.at[pl.ds(base + CH, CH)], buf.at[1], sem1)

            @pl.loop(0, nch, step=2)
            def _chunks(ci):
                for b in (0, 1):
                    cur = ci + b

                    @pl.when(cur < nch)
                    def _():
                        pltpu.make_async_copy(
                            src.at[pl.ds(0, CH)], buf.at[b], sems[b]).wait()

                        @plsc.parallel_loop(0, CH // LANES, unroll=8)
                        def _vecs(i):
                            v = buf[b, pl.ds(i * LANES, LANES)]
                            xf = (v - minv) * scv
                            bi = xf.astype(jnp.int32)
                            bi = jnp.minimum(bi, NBINS - 1)
                            plsc.addupdate_scatter(hist, [bi, lanes], ones)

                        nxt = cur + 2

                        @pl.when(nxt < nch)
                        def _():
                            pltpu.async_copy(
                                src.at[pl.ds(base + nxt * CH, CH)],
                                buf.at[b], sems[b])

        for t in range(nt):
            pltpu.sync_copy(hists[t], out.at[t, wid])

    kfn = pl.kernel(
        body,
        out_type=jax.ShapeDtypeStruct((nt, NW, NBINS, LANES), jnp.float32),
        mesh=mesh,
        scratch_types=(
            [pltpu.VMEM((2, CH), jnp.float32)]
            + [pltpu.VMEM((NBINS, LANES), jnp.float32)] * nt
            + [pltpu.VMEM((2 * nt, LANES), jnp.float32),
               pltpu.SemaphoreType.DMA,
               pltpu.SemaphoreType.DMA]),
        compiler_params=pltpu.CompilerParams(
            use_tc_tiling_on_sc=False, needs_layout_passes=False),
    )
    return kfn(*flat_list, par)


def _finish_body(ns, hc_ref, hab_ref, s_ref, o_ref):
    ent = jnp.float32(0.0)
    spars = jnp.float32(0.0)
    for t in range(3):
        n = jnp.float32(ns[t])
        href, k = (hab_ref, t) if t < 2 else (hc_ref, 0)
        h = jnp.sum(href[k], axis=1, keepdims=True)
        p = h / n
        ent = ent + (-jnp.sum(p * jnp.log2(p + 1e-08)))
        spars = spars + s_ref[0, t] / n
    o_ref[...] = jnp.reshape(spars / 3.0 + BETA * (ent / 3.0), (1, 1))


def _finish(hists_c, hists_ab, sums, ns):
    hc = hists_c.transpose(0, 2, 1, 3).reshape(1, NBINS, NW * LANES)
    hab = hists_ab.transpose(0, 2, 1, 3).reshape(2, NBINS, NW * LANES)
    out = pl.pallas_call(
        functools.partial(_finish_body, ns),
        out_shape=jax.ShapeDtypeStruct((1, 1), jnp.float32),
    )(hc, hab, sums.reshape(1, 3))
    return out[0, 0]


def _par(mins, maxs):
    scale = 256.0 / (maxs - mins + 1e-08)
    k = mins.shape[0]
    return jnp.concatenate(
        [jnp.broadcast_to(mins[:, None], (k, LANES)),
         jnp.broadcast_to(scale[:, None], (k, LANES))], axis=0)


def kernel(feat_a, feat_b, feat_c):
    flat_c = feat_c.reshape(-1)
    pc = _sc_stats(flat_c)
    mn_c = jnp.min(pc[:, 0, :])
    mx_c = jnp.max(pc[:, 1, :])
    sa_c = jnp.sum(pc[:, 2, :])
    hists_c = _histograms([flat_c], _par(jnp.stack([mn_c]),
                                         jnp.stack([mx_c])))

    view_a = feat_a.transpose(0, 2, 3, 1).reshape(-1, feat_a.shape[1])
    view_b = feat_b.transpose(0, 2, 3, 1).reshape(-1, feat_b.shape[1])
    mn_a, mx_a, sa_a = _stats(view_a)
    mn_b, mx_b, sa_b = _stats(view_b)
    flat_a = view_a.reshape(-1)
    flat_b = view_b.reshape(-1)
    par_ab = (_par(jnp.stack([mn_a, mn_b]), jnp.stack([mx_a, mx_b]))
              + hists_c[0, 0, 0, 0] * 0.0)
    hists_ab = _histograms([flat_a, flat_b], par_ab)

    ns = [flat_a.shape[0], flat_b.shape[0], flat_c.shape[0]]
    sums = jnp.stack([sa_a, sa_b, sa_c])
    return _finish(hists_c, hists_ab, sums, ns)

# --- scband reference (transcript-rebuilt; emitter-appended) ---
"""Pipeline reference for scband-compressed-feature-loss-32212254720562 (READ-ONLY COPY).

The authoritative reference and input builder live on the scoring server;
editing this copy changes nothing except your own understanding.
"""

import jax, jax.numpy as jnp
import numpy as np

BETA = 0.1


def _entropy(x):
    # torch: x = (x - x.min()) / (x.max() - x.min() + 1e-8)
    x = (x - x.min()) / (x.max() - x.min() + 1e-08)
    # torch.histc(x, bins=256, min=0, max=1): bin = floor(x*256), top edge inclusive
    idx = jnp.clip((x * 256.0).astype(jnp.int32), 0, 255)
    hist = jnp.bincount(idx.reshape(-1), length=256).astype(jnp.float32)
    p = hist / hist.sum()
    return -jnp.sum(p * jnp.log2(p + 1e-08))


def setup_inputs(seed: int = 0) -> dict:
    key = jax.random.key(seed)
    k1, k2, k3 = jax.random.split(key, 3)
    return {
        "feat_a": jax.random.normal(k1, (16, 768, 24, 24), dtype=jnp.float32),
        "feat_b": jax.random.normal(k2, (16, 384, 48, 48), dtype=jnp.float32),
        "feat_c": jax.random.normal(k3, (16, 192, 96, 96), dtype=jnp.float32),
    }


def reference(feat_a, feat_b, feat_c):
    feats = [feat_a, feat_b, feat_c]
    total_sparsity = 0.0
    total_entropy = 0.0
    for f in feats:
        total_sparsity = total_sparsity + jnp.mean(jnp.abs(f))
        total_entropy = total_entropy + _entropy(f)
    n = float(len(feats))
    avg_sparsity = total_sparsity / n
    avg_entropy = total_entropy / n
    return avg_sparsity + BETA * avg_entropy

if __name__ == "__main__":
    import jax
    _d = setup_inputs()
    print(jax.jit(kernel)(*tuple(_d.values())))

</pallas_src>

<mosaic_0001>
#map = affine_map<(d0, d1) -> (0)>
#map1 = affine_map<(d0, d1) -> (0, 0)>
#map2 = affine_map<(d0, d1) -> (0, 0, 0, 0)>
module attributes {stable_mosaic.version = 14 : i64} {
  func.func @body(%arg0: i32, %arg1: i32, %arg2: memref<28311552xf32, #tpu.memory_space<hbm>>, %arg3: memref<2x16xf32, #tpu.memory_space<hbm>>, %arg4: memref<1x32x256x16xf32, #tpu.memory_space<hbm>>, %arg5: memref<2x24576xf32, #tpu.memory_space<vmem>>, %arg6: memref<256x16xf32, #tpu.memory_space<vmem>>, %arg7: memref<2x16xf32, #tpu.memory_space<vmem>>, %arg8: memref<!tpu.dma_semaphore, #tpu.memory_space<semaphore_mem>>, %arg9: memref<!tpu.dma_semaphore, #tpu.memory_space<semaphore_mem>>) attributes {dimension_semantics = [#tpu.dimension_semantics<core_parallel>, #tpu.dimension_semantics<subcore_parallel>], iteration_bounds = array<i64: 2, 16>, scalar_prefetch = 0 : i64, scratch_operands = 5 : i64, tpu.core_type = #tpu.core_type<sc_vector_subcore>, window_params = [{transform_indices = #map}, {transform_indices = #map1}, {transform_indices = #map2}]} {
    %mul3A = arith.constant 2 : i32
    %mul3A_0 = arith.muli %arg1, %mul3A : i32
    %add3A = arith.addi %mul3A_0, %arg0 : i32
    %broadcast_in_dim3A = arith.constant 0.000000e+00 : f32
    %broadcast_in_dim3A_1 = vector.broadcast %broadcast_in_dim3A : f32 to vector<16xf32>
    %scan3A = arith.constant 0 : i32
    %scan3A_2 = arith.constant 256 : i32
    %scan3A_3 = arith.addi %scan3A, %scan3A_2 : i32
    %scan3A_4 = arith.constant 1 : i32
    scf.for %scan3A_41 = %scan3A to %scan3A_3 step %scan3A_4  : i32 {
      %mul3A_42 = arith.constant 1 : i32
      %mul3A_43 = arith.muli %scan3A_41, %mul3A_42 : i32
      %add3A_44 = arith.constant 0 : i32
      %add3A_45 = arith.addi %add3A_44, %mul3A_43 : i32
      %swap3A = arith.index_cast %add3A_45 : i32 to index
      %swap3A_46 = arith.constant 0 : index
      %swap3A_47 = tpu.vector_load %arg6[%swap3A, %swap3A_46] {strides = array<i32>} : memref<256x16xf32, #tpu.memory_space<vmem>>, vector<16xf32>,
      tpu.vector_store %arg6[%swap3A, %swap3A_46], %broadcast_in_dim3A_1 {strides = array<i32>} : memref<256x16xf32, #tpu.memory_space<vmem>>, vector<16xf32>,
    }
    %scan3A_5 = arith.constant 256 : i32
    "tpu.region"() ({
      %run_scoped3A_41 = tpu.sem_alloc : memref<!tpu.dma_semaphore, #tpu.memory_space<semaphore_mem>>
      tpu.enqueue_dma source(%arg3 : memref<2x16xf32, #tpu.memory_space<hbm>>) target(%arg7 : memref<2x16xf32, #tpu.memory_space<vmem>>) target_semaphore(%run_scoped3A_41 : memref<!tpu.dma_semaphore, #tpu.memory_space<semaphore_mem>>)
      tpu.wait_dma2 semaphore(%run_scoped3A_41 : memref<!tpu.dma_semaphore, #tpu.memory_space<semaphore_mem>>) src(%arg3 : memref<2x16xf32, #tpu.memory_space<hbm>>) dst(%arg7 : memref<2x16xf32, #tpu.memory_space<vmem>>)
      tpu.yield
    }) : () -> ()
    %iota3A = tpu.iota {dimensions = array<i32: 0>} : vector<16xi32>
    %broadcast_in_dim3A_6 = arith.constant 1.000000e+00 : f32
    %broadcast_in_dim3A_7 = vector.broadcast %broadcast_in_dim3A_6 : f32 to vector<16xf32>
    %mul3A_8 = arith.constant 884736 : i32
    %mul3A_9 = arith.muli %add3A, %mul3A_8 : i32
    %get3A = arith.constant 0 : i32
    %get3A_10 = arith.index_cast %get3A : i32 to index
    %get3A_11 = arith.constant 0 : index
    %get3A_12 = tpu.vector_load %arg7[%get3A_10, %get3A_11] {strides = array<i32>} : memref<2x16xf32, #tpu.memory_space<vmem>>, vector<16xf32>,
    %get3A_13 = arith.constant 1 : i32
    %get3A_14 = arith.index_cast %get3A_13 : i32 to index
    %get3A_15 = arith.constant 0 : index
    %get3A_16 = tpu.vector_load %arg7[%get3A_14, %get3A_15] {strides = array<i32>} : memref<2x16xf32, #tpu.memory_space<vmem>>, vector<16xf32>,
    %dma_start3A = arith.constant 0 : i32
    %dma_start3A_17 = arith.constant 0 : i32
    %dma_start3A_18 = tpu.memref_slice %arg5[%dma_start3A, %dma_start3A_17] : memref<2x24576xf32, #tpu.memory_space<vmem>> -> memref<1x24576xf32, #tpu.memory_space<vmem>>
    %dma_start3A_19 = tpu.memref_squeeze %dma_start3A_18 : memref<1x24576xf32, #tpu.memory_space<vmem>> -> memref<24576xf32, #tpu.memory_space<vmem>>
    %dma_start3A_20 = tpu.memref_slice %arg2[%mul3A_9] : memref<28311552xf32, #tpu.memory_space<hbm>> -> memref<24576xf32, #tpu.memory_space<hbm>>
    %dma_start3A_21 = arith.constant 0 : i32
    %dma_start3A_22 = tpu.memref_slice %arg5[%dma_start3A, %dma_start3A_21] : memref<2x24576xf32, #tpu.memory_space<vmem>> -> memref<1x24576xf32, #tpu.memory_space<vmem>>
    %dma_start3A_23 = tpu.memref_squeeze %dma_start3A_22 : memref<1x24576xf32, #tpu.memory_space<vmem>> -> memref<24576xf32, #tpu.memory_space<vmem>>
    %dma_start3A_24 = tpu.memref_slice %arg2[%mul3A_9] : memref<28311552xf32, #tpu.memory_space<hbm>> -> memref<24576xf32, #tpu.memory_space<hbm>>
    tpu.enqueue_dma source(%dma_start3A_24 : memref<24576xf32, #tpu.memory_space<hbm>>) target(%dma_start3A_23 : memref<24576xf32, #tpu.memory_space<vmem>>) target_semaphore(%arg8 : memref<!tpu.dma_semaphore, #tpu.memory_space<semaphore_mem>>)
    %add3A_25 = arith.constant 24576 : i32
    %add3A_26 = arith.addi %mul3A_9, %add3A_25 : i32
    %dma_start3A_27 = arith.constant 1 : i32
    %dma_start3A_28 = arith.constant 0 : i32
    %dma_start3A_29 = tpu.memref_slice %arg5[%dma_start3A_27, %dma_start3A_28] : memref<2x24576xf32, #tpu.memory_space<vmem>> -> memref<1x24576xf32, #tpu.memory_space<vmem>>
    %dma_start3A_30 = tpu.memref_squeeze %dma_start3A_29 : memref<1x24576xf32, #tpu.memory_space<vmem>> -> memref<24576xf32, #tpu.memory_space<vmem>>
    %dma_start3A_31 = tpu.memref_slice %arg2[%add3A_26] : memref<28311552xf32, #tpu.memory_space<hbm>> -> memref<24576xf32, #tpu.memory_space<hbm>>
    %dma_start3A_32 = arith.constant 0 : i32
    %dma_start3A_33 = tpu.memref_slice %arg5[%dma_start3A_27, %dma_start3A_32] : memref<2x24576xf32, #tpu.memory_space<vmem>> -> memref<1x24576xf32, #tpu.memory_space<vmem>>
    %dma_start3A_34 = tpu.memref_squeeze %dma_start3A_33 : memref<1x24576xf32, #tpu.memory_space<vmem>> -> memref<24576xf32, #tpu.memory_space<vmem>>
    %dma_start3A_35 = tpu.memref_slice %arg2[%add3A_26] : memref<28311552xf32, #tpu.memory_space<hbm>> -> memref<24576xf32, #tpu.memory_space<hbm>>
    tpu.enqueue_dma source(%dma_start3A_35 : memref<24576xf32, #tpu.memory_space<hbm>>) target(%dma_start3A_34 : memref<24576xf32, #tpu.memory_space<vmem>>) target_semaphore(%arg9 : memref<!tpu.dma_semaphore, #tpu.memory_space<semaphore_mem>>)
    %scan3A_36 = arith.constant 0 : i32
    %scan3A_37 = arith.constant 18 : i32
    %scan3A_38 = arith.addi %scan3A_36, %scan3A_37 : i32
    %scan3A_39 = arith.constant 1 : i32
    scf.for %scan3A_41 = %scan3A_36 to %scan3A_38 step %scan3A_39  : i32 {
      %mul3A_42 = arith.constant 2 : i32
      %mul3A_43 = arith.muli %scan3A_41, %mul3A_42 : i32
      %add3A_44 = arith.constant 0 : i32
      %add3A_45 = arith.addi %add3A_44, %mul3A_43 : i32
      %add3A_46 = arith.constant 0 : i32
      %add3A_47 = arith.addi %add3A_45, %add3A_46 : i32
      %lt3A = arith.constant 36 : i32
      %lt3A_48 = arith.cmpi slt, %add3A_47, %lt3A : i32
      %convert_element_type3A = arith.extui %lt3A_48 : i1 to i32
      %cond3A = arith.constant 0 : i32
      %cond3A_49 = arith.cmpi ne, %convert_element_type3A, %cond3A : i32
      scf.if %cond3A_49 {
        %dma_wait3A = arith.constant 0 : i32
        %dma_wait3A_57 = arith.constant 0 : i32
        %dma_wait3A_58 = tpu.memref_slice %arg5[%dma_wait3A, %dma_wait3A_57] : memref<2x24576xf32, #tpu.memory_space<vmem>> -> memref<1x24576xf32, #tpu.memory_space<vmem>>
        %dma_wait3A_59 = tpu.memref_squeeze %dma_wait3A_58 : memref<1x24576xf32, #tpu.memory_space<vmem>> -> memref<24576xf32, #tpu.memory_space<vmem>>
        %dma_wait3A_60 = arith.constant 0 : i32
        %dma_wait3A_61 = tpu.memref_slice %arg2[%dma_wait3A_60] : memref<28311552xf32, #tpu.memory_space<hbm>> -> memref<24576xf32, #tpu.memory_space<hbm>>
        %dma_wait3A_62 = arith.constant 0 : i32
        %dma_wait3A_63 = tpu.memref_slice %arg5[%dma_wait3A, %dma_wait3A_62] : memref<2x24576xf32, #tpu.memory_space<vmem>> -> memref<1x24576xf32, #tpu.memory_space<vmem>>
        %dma_wait3A_64 = tpu.memref_squeeze %dma_wait3A_63 : memref<1x24576xf32, #tpu.memory_space<vmem>> -> memref<24576xf32, #tpu.memory_space<vmem>>
        %dma_wait3A_65 = arith.constant 0 : i32
        %dma_wait3A_66 = tpu.memref_slice %arg2[%dma_wait3A_65] : memref<28311552xf32, #tpu.memory_space<hbm>> -> memref<24576xf32, #tpu.memory_space<hbm>>
        tpu.wait_dma2 semaphore(%arg8 : memref<!tpu.dma_semaphore, #tpu.memory_space<semaphore_mem>>) src(%dma_wait3A_66 : memref<24576xf32, #tpu.memory_space<hbm>>) dst(%dma_wait3A_64 : memref<24576xf32, #tpu.memory_space<vmem>>)
        %parallel_loop3A = arith.constant 0 : i32
        %parallel_loop3A_67 = arith.constant 1536 : i32
        %parallel_loop3A_68 = arith.constant 1 : i32
        scf.for %parallel_loop3A_76 = %parallel_loop3A to %parallel_loop3A_67 step %parallel_loop3A_68  : i32 {
          %parallel_loop3A_77 = arith.constant 16 : i32
          %parallel_loop3A_78 = arith.muli %parallel_loop3A_76, %parallel_loop3A_77 : i32
          %parallel_loop3A_79 = arith.constant 0 : i32
          %parallel_loop3A_80 = arith.index_cast %parallel_loop3A_79 : i32 to index
          %parallel_loop3A_81 = arith.index_cast %parallel_loop3A_78 : i32 to index
          %parallel_loop3A_82 = tpu.vector_load %arg5[%parallel_loop3A_80, %parallel_loop3A_81] {strides = array<i32>} : memref<2x24576xf32, #tpu.memory_space<vmem>>, vector<16xf32>,
          %parallel_loop3A_83 = arith.subf %parallel_loop3A_82, %get3A_12 : vector<16xf32>
          %parallel_loop3A_84 = arith.mulf %parallel_loop3A_83, %get3A_16 : vector<16xf32>
          %parallel_loop3A_85 = arith.fptosi %parallel_loop3A_84 : vector<16xf32> to vector<16xi32>
          %parallel_loop3A_86 = arith.constant 255 : i32
          %parallel_loop3A_87 = vector.broadcast %parallel_loop3A_86 : i32 to vector<16xi32>
          %parallel_loop3A_88 = arith.minsi %parallel_loop3A_85, %parallel_loop3A_87 : vector<16xi32>
          tpu.vector_store_idx %arg6[%parallel_loop3A_88, %iota3A], %broadcast_in_dim3A_7 {add = true} : memref<256x16xf32, #tpu.memory_space<vmem>>[vector<16xi32>, vector<16xi32>], vector<16xf32>,
        } {sc.loop_unroll_factor = 8 : i64, sc.parallel_access}
        %add3A_69 = arith.constant 2 : i32
        %add3A_70 = arith.addi %add3A_47, %add3A_69 : i32
        %lt3A_71 = arith.constant 36 : i32
        %lt3A_72 = arith.cmpi slt, %add3A_70, %lt3A_71 : i32
        %convert_element_type3A_73 = arith.extui %lt3A_72 : i1 to i32
        %cond3A_74 = arith.constant 0 : i32
        %cond3A_75 = arith.cmpi ne, %convert_element_type3A_73, %cond3A_74 : i32
        scf.if %cond3A_75 {
          %mul3A_76 = arith.constant 24576 : i32
          %mul3A_77 = arith.muli %add3A_70, %mul3A_76 : i32
          %add3A_78 = arith.addi %mul3A_9, %mul3A_77 : i32
          %dma_start3A_79 = arith.constant 0 : i32
          %dma_start3A_80 = arith.constant 0 : i32
          %dma_start3A_81 = tpu.memref_slice %arg5[%dma_start3A_79, %dma_start3A_80] : memref<2x24576xf32, #tpu.memory_space<vmem>> -> memref<1x24576xf32, #tpu.memory_space<vmem>>
          %dma_start3A_82 = tpu.memref_squeeze %dma_start3A_81 : memref<1x24576xf32, #tpu.memory_space<vmem>> -> memref<24576xf32, #tpu.memory_space<vmem>>
          %dma_start3A_83 = tpu.memref_slice %arg2[%add3A_78] : memref<28311552xf32, #tpu.memory_space<hbm>> -> memref<24576xf32, #tpu.memory_space<hbm>>
          %dma_start3A_84 = arith.constant 0 : i32
          %dma_start3A_85 = tpu.memref_slice %arg5[%dma_start3A_79, %dma_start3A_84] : memref<2x24576xf32, #tpu.memory_space<vmem>> -> memref<1x24576xf32, #tpu.memory_space<vmem>>
          %dma_start3A_86 = tpu.memref_squeeze %dma_start3A_85 : memref<1x24576xf32, #tpu.memory_space<vmem>> -> memref<24576xf32, #tpu.memory_space<vmem>>
          %dma_start3A_87 = tpu.memref_slice %arg2[%add3A_78] : memref<28311552xf32, #tpu.memory_space<hbm>> -> memref<24576xf32, #tpu.memory_space<hbm>>
          tpu.enqueue_dma source(%dma_start3A_87 : memref<24576xf32, #tpu.memory_space<hbm>>) target(%dma_start3A_86 : memref<24576xf32, #tpu.memory_space<vmem>>) target_semaphore(%arg8 : memref<!tpu.dma_semaphore, #tpu.memory_space<semaphore_mem>>)
        } else {
        }
      } else {
      }
      %add3A_50 = arith.constant 1 : i32
      %add3A_51 = arith.addi %add3A_45, %add3A_50 : i32
      %lt3A_52 = arith.constant 36 : i32
      %lt3A_53 = arith.cmpi slt, %add3A_51, %lt3A_52 : i32
      %convert_element_type3A_54 = arith.extui %lt3A_53 : i1 to i32
      %cond3A_55 = arith.constant 0 : i32
      %cond3A_56 = arith.cmpi ne, %convert_element_type3A_54, %cond3A_55 : i32
      scf.if %cond3A_56 {
        %dma_wait3A = arith.constant 1 : i32
        %dma_wait3A_57 = arith.constant 0 : i32
        %dma_wait3A_58 = tpu.memref_slice %arg5[%dma_wait3A, %dma_wait3A_57] : memref<2x24576xf32, #tpu.memory_space<vmem>> -> memref<1x24576xf32, #tpu.memory_space<vmem>>
        %dma_wait3A_59 = tpu.memref_squeeze %dma_wait3A_58 : memref<1x24576xf32, #tpu.memory_space<vmem>> -> memref<24576xf32, #tpu.memory_space<vmem>>
        %dma_wait3A_60 = arith.constant 0 : i32
        %dma_wait3A_61 = tpu.memref_slice %arg2[%dma_wait3A_60] : memref<28311552xf32, #tpu.memory_space<hbm>> -> memref<24576xf32, #tpu.memory_space<hbm>>
        %dma_wait3A_62 = arith.constant 0 : i32
        %dma_wait3A_63 = tpu.memref_slice %arg5[%dma_wait3A, %dma_wait3A_62] : memref<2x24576xf32, #tpu.memory_space<vmem>> -> memref<1x24576xf32, #tpu.memory_space<vmem>>
        %dma_wait3A_64 = tpu.memref_squeeze %dma_wait3A_63 : memref<1x24576xf32, #tpu.memory_space<vmem>> -> memref<24576xf32, #tpu.memory_space<vmem>>
        %dma_wait3A_65 = arith.constant 0 : i32
        %dma_wait3A_66 = tpu.memref_slice %arg2[%dma_wait3A_65] : memref<28311552xf32, #tpu.memory_space<hbm>> -> memref<24576xf32, #tpu.memory_space<hbm>>
        tpu.wait_dma2 semaphore(%arg9 : memref<!tpu.dma_semaphore, #tpu.memory_space<semaphore_mem>>) src(%dma_wait3A_66 : memref<24576xf32, #tpu.memory_space<hbm>>) dst(%dma_wait3A_64 : memref<24576xf32, #tpu.memory_space<vmem>>)
        %parallel_loop3A = arith.constant 0 : i32
        %parallel_loop3A_67 = arith.constant 1536 : i32
        %parallel_loop3A_68 = arith.constant 1 : i32
        scf.for %parallel_loop3A_76 = %parallel_loop3A to %parallel_loop3A_67 step %parallel_loop3A_68  : i32 {
          %parallel_loop3A_77 = arith.constant 16 : i32
          %parallel_loop3A_78 = arith.muli %parallel_loop3A_76, %parallel_loop3A_77 : i32
          %parallel_loop3A_79 = arith.constant 1 : i32
          %parallel_loop3A_80 = arith.index_cast %parallel_loop3A_79 : i32 to index
          %parallel_loop3A_81 = arith.index_cast %parallel_loop3A_78 : i32 to index
          %parallel_loop3A_82 = tpu.vector_load %arg5[%parallel_loop3A_80, %parallel_loop3A_81] {strides = array<i32>} : memref<2x24576xf32, #tpu.memory_space<vmem>>, vector<16xf32>,
          %parallel_loop3A_83 = arith.subf %parallel_loop3A_82, %get3A_12 : vector<16xf32>
          %parallel_loop3A_84 = arith.mulf %parallel_loop3A_83, %get3A_16 : vector<16xf32>
          %parallel_loop3A_85 = arith.fptosi %parallel_loop3A_84 : vector<16xf32> to vector<16xi32>
          %parallel_loop3A_86 = arith.constant 255 : i32
          %parallel_loop3A_87 = vector.broadcast %parallel_loop3A_86 : i32 to vector<16xi32>
          %parallel_loop3A_88 = arith.minsi %parallel_loop3A_85, %parallel_loop3A_87 : vector<16xi32>
          tpu.vector_store_idx %arg6[%parallel_loop3A_88, %iota3A], %broadcast_in_dim3A_7 {add = true} : memref<256x16xf32, #tpu.memory_space<vmem>>[vector<16xi32>, vector<16xi32>], vector<16xf32>,
        } {sc.loop_unroll_factor = 8 : i64, sc.parallel_access}
        %add3A_69 = arith.constant 2 : i32
        %add3A_70 = arith.addi %add3A_51, %add3A_69 : i32
        %lt3A_71 = arith.constant 36 : i32
        %lt3A_72 = arith.cmpi slt, %add3A_70, %lt3A_71 : i32
        %convert_element_type3A_73 = arith.extui %lt3A_72 : i1 to i32
        %cond3A_74 = arith.constant 0 : i32
        %cond3A_75 = arith.cmpi ne, %convert_element_type3A_73, %cond3A_74 : i32
        scf.if %cond3A_75 {
          %mul3A_76 = arith.constant 24576 : i32
          %mul3A_77 = arith.muli %add3A_70, %mul3A_76 : i32
          %add3A_78 = arith.addi %mul3A_9, %mul3A_77 : i32
          %dma_start3A_79 = arith.constant 1 : i32
          %dma_start3A_80 = arith.constant 0 : i32
          %dma_start3A_81 = tpu.memref_slice %arg5[%dma_start3A_79, %dma_start3A_80] : memref<2x24576xf32, #tpu.memory_space<vmem>> -> memref<1x24576xf32, #tpu.memory_space<vmem>>
          %dma_start3A_82 = tpu.memref_squeeze %dma_start3A_81 : memref<1x24576xf32, #tpu.memory_space<vmem>> -> memref<24576xf32, #tpu.memory_space<vmem>>
          %dma_start3A_83 = tpu.memref_slice %arg2[%add3A_78] : memref<28311552xf32, #tpu.memory_space<hbm>> -> memref<24576xf32, #tpu.memory_space<hbm>>
          %dma_start3A_84 = arith.constant 0 : i32
          %dma_start3A_85 = tpu.memref_slice %arg5[%dma_start3A_79, %dma_start3A_84] : memref<2x24576xf32, #tpu.memory_space<vmem>> -> memref<1x24576xf32, #tpu.memory_space<vmem>>
          %dma_start3A_86 = tpu.memref_squeeze %dma_start3A_85 : memref<1x24576xf32, #tpu.memory_space<vmem>> -> memref<24576xf32, #tpu.memory_space<vmem>>
          %dma_start3A_87 = tpu.memref_slice %arg2[%add3A_78] : memref<28311552xf32, #tpu.memory_space<hbm>> -> memref<24576xf32, #tpu.memory_space<hbm>>
          tpu.enqueue_dma source(%dma_start3A_87 : memref<24576xf32, #tpu.memory_space<hbm>>) target(%dma_start3A_86 : memref<24576xf32, #tpu.memory_space<vmem>>) target_semaphore(%arg9 : memref<!tpu.dma_semaphore, #tpu.memory_space<semaphore_mem>>)
        } else {
        }
      } else {
      }
    }
    %scan3A_40 = arith.constant 18 : i32
    %run_scoped3A = arith.constant 0 : i32
    "tpu.region"() ({
      %run_scoped3A_41 = tpu.sem_alloc : memref<!tpu.dma_semaphore, #tpu.memory_space<semaphore_mem>>
      %dma_start3A_42 = arith.constant 0 : i32
      %dma_start3A_43 = arith.constant 0 : i32
      %dma_start3A_44 = tpu.memref_slice %arg4[%run_scoped3A, %add3A, %dma_start3A_42, %dma_start3A_43] : memref<1x32x256x16xf32, #tpu.memory_space<hbm>> -> memref<1x1x256x16xf32, #tpu.memory_space<hbm>>
      %dma_start3A_45 = tpu.memref_squeeze %dma_start3A_44 : memref<1x1x256x16xf32, #tpu.memory_space<hbm>> -> memref<256x16xf32, #tpu.memory_space<hbm>>
      %dma_start3A_46 = arith.constant 0 : i32
      %dma_start3A_47 = arith.constant 0 : i32
      %dma_start3A_48 = tpu.memref_slice %arg4[%run_scoped3A, %add3A, %dma_start3A_46, %dma_start3A_47] : memref<1x32x256x16xf32, #tpu.memory_space<hbm>> -> memref<1x1x256x16xf32, #tpu.memory_space<hbm>>
      %dma_start3A_49 = tpu.memref_squeeze %dma_start3A_48 : memref<1x1x256x16xf32, #tpu.memory_space<hbm>> -> memref<256x16xf32, #tpu.memory_space<hbm>>
      tpu.enqueue_dma source(%arg6 : memref<256x16xf32, #tpu.memory_space<vmem>>) target(%dma_start3A_49 : memref<256x16xf32, #tpu.memory_space<hbm>>) target_semaphore(%run_scoped3A_41 : memref<!tpu.dma_semaphore, #tpu.memory_space<semaphore_mem>>)
      %dma_wait3A = arith.constant 0 : i32
      %dma_wait3A_50 = arith.constant 0 : i32
      %dma_wait3A_51 = tpu.memref_slice %arg4[%run_scoped3A, %add3A, %dma_wait3A, %dma_wait3A_50] : memref<1x32x256x16xf32, #tpu.memory_space<hbm>> -> memref<1x1x256x16xf32, #tpu.memory_space<hbm>>
      %dma_wait3A_52 = tpu.memref_squeeze %dma_wait3A_51 : memref<1x1x256x16xf32, #tpu.memory_space<hbm>> -> memref<256x16xf32, #tpu.memory_space<hbm>>
      %dma_wait3A_53 = arith.constant 0 : i32
      %dma_wait3A_54 = arith.constant 0 : i32
      %dma_wait3A_55 = tpu.memref_slice %arg4[%run_scoped3A, %add3A, %dma_wait3A_53, %dma_wait3A_54] : memref<1x32x256x16xf32, #tpu.memory_space<hbm>> -> memref<1x1x256x16xf32, #tpu.memory_space<hbm>>
      %dma_wait3A_56 = tpu.memref_squeeze %dma_wait3A_55 : memref<1x1x256x16xf32, #tpu.memory_space<hbm>> -> memref<256x16xf32, #tpu.memory_space<hbm>>
      tpu.wait_dma2 semaphore(%run_scoped3A_41 : memref<!tpu.dma_semaphore, #tpu.memory_space<semaphore_mem>>) src(%arg6 : memref<256x16xf32, #tpu.memory_space<vmem>>) dst(%dma_wait3A_56 : memref<256x16xf32, #tpu.memory_space<hbm>>)
      tpu.yield
    }) : () -> ()
    return
  }
}

#map = affine_map<(d0, d1) -> (0)>
#map1 = affine_map<(d0, d1) -> (0, 0, 0)>
module attributes {stable_mosaic.version = 14 : i64} {
  func.func @body(%arg0: i32, %arg1: i32, %arg2: memref<28311552xf32, #tpu.memory_space<hbm>>, %arg3: memref<32x3x16xf32, #tpu.memory_space<hbm>>, %arg4: memref<2x24576xf32, #tpu.memory_space<vmem>>, %arg5: memref<3x16xf32, #tpu.memory_space<vmem>>, %arg6: memref<!tpu.dma_semaphore, #tpu.memory_space<semaphore_mem>>, %arg7: memref<!tpu.dma_semaphore, #tpu.memory_space<semaphore_mem>>) attributes {dimension_semantics = [#tpu.dimension_semantics<core_parallel>, #tpu.dimension_semantics<subcore_parallel>], iteration_bounds = array<i64: 2, 16>, scalar_prefetch = 0 : i64, scratch_operands = 4 : i64, tpu.core_type = #tpu.core_type<sc_vector_subcore>, window_params = [{transform_indices = #map}, {transform_indices = #map1}]} {
    %mul3A = arith.constant 2 : i32
    %mul3A_0 = arith.muli %arg1, %mul3A : i32
    %add3A = arith.addi %mul3A_0, %arg0 : i32
    %mul3A_1 = arith.constant 884736 : i32
    %mul3A_2 = arith.muli %add3A, %mul3A_1 : i32
    %dma_start3A = arith.constant 0 : i32
    %dma_start3A_3 = arith.constant 0 : i32
    %dma_start3A_4 = tpu.memref_slice %arg4[%dma_start3A, %dma_start3A_3] : memref<2x24576xf32, #tpu.memory_space<vmem>> -> memref<1x24576xf32, #tpu.memory_space<vmem>>
    %dma_start3A_5 = tpu.memref_squeeze %dma_start3A_4 : memref<1x24576xf32, #tpu.memory_space<vmem>> -> memref<24576xf32, #tpu.memory_space<vmem>>
    %dma_start3A_6 = tpu.memref_slice %arg2[%mul3A_2] : memref<28311552xf32, #tpu.memory_space<hbm>> -> memref<24576xf32, #tpu.memory_space<hbm>>
    %dma_start3A_7 = arith.constant 0 : i32
    %dma_start3A_8 = tpu.memref_slice %arg4[%dma_start3A, %dma_start3A_7] : memref<2x24576xf32, #tpu.memory_space<vmem>> -> memref<1x24576xf32, #tpu.memory_space<vmem>>
    %dma_start3A_9 = tpu.memref_squeeze %dma_start3A_8 : memref<1x24576xf32, #tpu.memory_space<vmem>> -> memref<24576xf32, #tpu.memory_space<vmem>>
    %dma_start3A_10 = tpu.memref_slice %arg2[%mul3A_2] : memref<28311552xf32, #tpu.memory_space<hbm>> -> memref<24576xf32, #tpu.memory_space<hbm>>
    tpu.enqueue_dma source(%dma_start3A_10 : memref<24576xf32, #tpu.memory_space<hbm>>) target(%dma_start3A_9 : memref<24576xf32, #tpu.memory_space<vmem>>) target_semaphore(%arg6 : memref<!tpu.dma_semaphore, #tpu.memory_space<semaphore_mem>>)
    %add3A_11 = arith.constant 24576 : i32
    %add3A_12 = arith.addi %mul3A_2, %add3A_11 : i32
    %dma_start3A_13 = arith.constant 1 : i32
    %dma_start3A_14 = arith.constant 0 : i32
    %dma_start3A_15 = tpu.memref_slice %arg4[%dma_start3A_13, %dma_start3A_14] : memref<2x24576xf32, #tpu.memory_space<vmem>> -> memref<1x24576xf32, #tpu.memory_space<vmem>>
    %dma_start3A_16 = tpu.memref_squeeze %dma_start3A_15 : memref<1x24576xf32, #tpu.memory_space<vmem>> -> memref<24576xf32, #tpu.memory_space<vmem>>
    %dma_start3A_17 = tpu.memref_slice %arg2[%add3A_12] : memref<28311552xf32, #tpu.memory_space<hbm>> -> memref<24576xf32, #tpu.memory_space<hbm>>
    %dma_start3A_18 = arith.constant 0 : i32
    %dma_start3A_19 = tpu.memref_slice %arg4[%dma_start3A_13, %dma_start3A_18] : memref<2x24576xf32, #tpu.memory_space<vmem>> -> memref<1x24576xf32, #tpu.memory_space<vmem>>
    %dma_start3A_20 = tpu.memref_squeeze %dma_start3A_19 : memref<1x24576xf32, #tpu.memory_space<vmem>> -> memref<24576xf32, #tpu.memory_space<vmem>>
    %dma_start3A_21 = tpu.memref_slice %arg2[%add3A_12] : memref<28311552xf32, #tpu.memory_space<hbm>> -> memref<24576xf32, #tpu.memory_space<hbm>>
    tpu.enqueue_dma source(%dma_start3A_21 : memref<24576xf32, #tpu.memory_space<hbm>>) target(%dma_start3A_20 : memref<24576xf32, #tpu.memory_space<vmem>>) target_semaphore(%arg7 : memref<!tpu.dma_semaphore, #tpu.memory_space<semaphore_mem>>)
    %broadcast_in_dim3A = arith.constant 3.40282347E+38 : f32
    %broadcast_in_dim3A_22 = vector.broadcast %broadcast_in_dim3A : f32 to vector<16xf32>
    %broadcast_in_dim3A_23 = arith.constant 0.000000e+00 : f32
    %broadcast_in_dim3A_24 = vector.broadcast %broadcast_in_dim3A_23 : f32 to vector<16xf32>
    %neg3A = arith.constant 0.000000e+00 : f32
    %neg3A_25 = vector.broadcast %neg3A : f32 to vector<16xf32>
    %neg3A_26 = arith.subf %neg3A_25, %broadcast_in_dim3A_22 : vector<16xf32>
    %scan3A = arith.constant 0 : i32
    %scan3A_27 = arith.constant 18 : i32
    %scan3A_28 = arith.addi %scan3A, %scan3A_27 : i32
    %scan3A_29 = arith.constant 1 : i32
    %scan3A_30:24 = scf.for %scan3A_62 = %scan3A to %scan3A_28 step %scan3A_29 iter_args(%scan3A_63 = %broadcast_in_dim3A_22, %scan3A_64 = %broadcast_in_dim3A_22, %scan3A_65 = %broadcast_in_dim3A_22, %scan3A_66 = %broadcast_in_dim3A_22, %scan3A_67 = %broadcast_in_dim3A_22, %scan3A_68 = %broadcast_in_dim3A_22, %scan3A_69 = %broadcast_in_dim3A_22, %scan3A_70 = %broadcast_in_dim3A_22, %scan3A_71 = %neg3A_26, %scan3A_72 = %neg3A_26, %scan3A_73 = %neg3A_26, %scan3A_74 = %neg3A_26, %scan3A_75 = %neg3A_26, %scan3A_76 = %neg3A_26, %scan3A_77 = %neg3A_26, %scan3A_78 = %neg3A_26, %scan3A_79 = %broadcast_in_dim3A_24, %scan3A_80 = %broadcast_in_dim3A_24, %scan3A_81 = %broadcast_in_dim3A_24, %scan3A_82 = %broadcast_in_dim3A_24, %scan3A_83 = %broadcast_in_dim3A_24, %scan3A_84 = %broadcast_in_dim3A_24, %scan3A_85 = %broadcast_in_dim3A_24, %scan3A_86 = %broadcast_in_dim3A_24) -> (vector<16xf32>, vector<16xf32>, vector<16xf32>, vector<16xf32>, vector<16xf32>, vector<16xf32>, vector<16xf32>, vector<16xf32>, vector<16xf32>, vector<16xf32>, vector<16xf32>, vector<16xf32>, vector<16xf32>, vector<16xf32>, vector<16xf32>, vector<16xf32>, vector<16xf32>, vector<16xf32>, vector<16xf32>, vector<16xf32>, vector<16xf32>, vector<16xf32>, vector<16xf32>, vector<16xf32>)  : i32 {
      %mul3A_87 = arith.constant 2 : i32
      %mul3A_88 = arith.muli %scan3A_62, %mul3A_87 : i32
      %add3A_89 = arith.constant 0 : i32
      %add3A_90 = arith.addi %add3A_89, %mul3A_88 : i32
      %dma_wait3A = arith.constant 0 : i32
      %dma_wait3A_91 = arith.constant 0 : i32
      %dma_wait3A_92 = tpu.memref_slice %arg4[%dma_wait3A, %dma_wait3A_91] : memref<2x24576xf32, #tpu.memory_space<vmem>> -> memref<1x24576xf32, #tpu.memory_space<vmem>>
      %dma_wait3A_93 = tpu.memref_squeeze %dma_wait3A_92 : memref<1x24576xf32, #tpu.memory_space<vmem>> -> memref<24576xf32, #tpu.memory_space<vmem>>
      %dma_wait3A_94 = arith.constant 0 : i32
      %dma_wait3A_95 = tpu.memref_slice %arg2[%dma_wait3A_94] : memref<28311552xf32, #tpu.memory_space<hbm>> -> memref<24576xf32, #tpu.memory_space<hbm>>
      %dma_wait3A_96 = arith.constant 0 : i32
      %dma_wait3A_97 = tpu.memref_slice %arg4[%dma_wait3A, %dma_wait3A_96] : memref<2x24576xf32, #tpu.memory_space<vmem>> -> memref<1x24576xf32, #tpu.memory_space<vmem>>
      %dma_wait3A_98 = tpu.memref_squeeze %dma_wait3A_97 : memref<1x24576xf32, #tpu.memory_space<vmem>> -> memref<24576xf32, #tpu.memory_space<vmem>>
      %dma_wait3A_99 = arith.constant 0 : i32
      %dma_wait3A_100 = tpu.memref_slice %arg2[%dma_wait3A_99] : memref<28311552xf32, #tpu.memory_space<hbm>> -> memref<24576xf32, #tpu.memory_space<hbm>>
      tpu.wait_dma2 semaphore(%arg6 : memref<!tpu.dma_semaphore, #tpu.memory_space<semaphore_mem>>) src(%dma_wait3A_100 : memref<24576xf32, #tpu.memory_space<hbm>>) dst(%dma_wait3A_98 : memref<24576xf32, #tpu.memory_space<vmem>>)
      %scan3A_101 = arith.constant 0 : i32
      %scan3A_102 = arith.constant 192 : i32
      %scan3A_103 = arith.addi %scan3A_101, %scan3A_102 : i32
      %scan3A_104 = arith.constant 1 : i32
      %scan3A_105:24 = scf.for %scan3A_139 = %scan3A_101 to %scan3A_103 step %scan3A_104 iter_args(%scan3A_140 = %scan3A_63, %scan3A_141 = %scan3A_64, %scan3A_142 = %scan3A_65, %scan3A_143 = %scan3A_66, %scan3A_144 = %scan3A_67, %scan3A_145 = %scan3A_68, %scan3A_146 = %scan3A_69, %scan3A_147 = %scan3A_70, %scan3A_148 = %scan3A_71, %scan3A_149 = %scan3A_72, %scan3A_150 = %scan3A_73, %scan3A_151 = %scan3A_74, %scan3A_152 = %scan3A_75, %scan3A_153 = %scan3A_76, %scan3A_154 = %scan3A_77, %scan3A_155 = %scan3A_78, %scan3A_156 = %scan3A_79, %scan3A_157 = %scan3A_80, %scan3A_158 = %scan3A_81, %scan3A_159 = %scan3A_82, %scan3A_160 = %scan3A_83, %scan3A_161 = %scan3A_84, %scan3A_162 = %scan3A_85, %scan3A_163 = %scan3A_86) -> (vector<16xf32>, vector<16xf32>, vector<16xf32>, vector<16xf32>, vector<16xf32>, vector<16xf32>, vector<16xf32>, vector<16xf32>, vector<16xf32>, vector<16xf32>, vector<16xf32>, vector<16xf32>, vector<16xf32>, vector<16xf32>, vector<16xf32>, vector<16xf32>, vector<16xf32>, vector<16xf32>, vector<16xf32>, vector<16xf32>, vector<16xf32>, vector<16xf32>, vector<16xf32>, vector<16xf32>)  : i32 {
        %mul3A_164 = arith.constant 8 : i32
        %mul3A_165 = arith.muli %scan3A_139, %mul3A_164 : i32
        %add3A_166 = arith.constant 0 : i32
        %add3A_167 = arith.addi %add3A_166, %mul3A_165 : i32
        %add3A_168 = arith.constant 0 : i32
        %add3A_169 = arith.addi %add3A_167, %add3A_168 : i32
        %mul3A_170 = arith.constant 16 : i32
        %mul3A_171 = arith.muli %add3A_169, %mul3A_170 : i32
        %get3A = arith.constant 0 : i32
        %get3A_172 = arith.index_cast %get3A : i32 to index
        %get3A_173 = arith.index_cast %mul3A_171 : i32 to index
        %get3A_174 = tpu.vector_load %arg4[%get3A_172, %get3A_173] {strides = array<i32>} : memref<2x24576xf32, #tpu.memory_space<vmem>>, vector<16xf32>,
        %min3A_175 = arith.minimumf %scan3A_140, %get3A_174 : vector<16xf32>
        %max3A_176 = arith.maximumf %scan3A_148, %get3A_174 : vector<16xf32>
        %abs3A = math.absf %get3A_174 : vector<16xf32>
        %add3A_177 = arith.addf %scan3A_156, %abs3A : vector<16xf32>
        %add3A_178 = arith.constant 1 : i32
        %add3A_179 = arith.addi %add3A_167, %add3A_178 : i32
        %mul3A_180 = arith.constant 16 : i32
        %mul3A_181 = arith.muli %add3A_179, %mul3A_180 : i32
        %get3A_182 = arith.constant 0 : i32
        %get3A_183 = arith.index_cast %get3A_182 : i32 to index
        %get3A_184 = arith.index_cast %mul3A_181 : i32 to index
        %get3A_185 = tpu.vector_load %arg4[%get3A_183, %get3A_184] {strides = array<i32>} : memref<2x24576xf32, #tpu.memory_space<vmem>>, vector<16xf32>,
        %min3A_186 = arith.minimumf %scan3A_141, %get3A_185 : vector<16xf32>
        %max3A_187 = arith.maximumf %scan3A_149, %get3A_185 : vector<16xf32>
        %abs3A_188 = math.absf %get3A_185 : vector<16xf32>
        %add3A_189 = arith.addf %scan3A_157, %abs3A_188 : vector<16xf32>
        %add3A_190 = arith.constant 2 : i32
        %add3A_191 = arith.addi %add3A_167, %add3A_190 : i32
        %mul3A_192 = arith.constant 16 : i32
        %mul3A_193 = arith.muli %add3A_191, %mul3A_192 : i32
        %get3A_194 = arith.constant 0 : i32
        %get3A_195 = arith.index_cast %get3A_194 : i32 to index
        %get3A_196 = arith.index_cast %mul3A_193 : i32 to index
        %get3A_197 = tpu.vector_load %arg4[%get3A_195, %get3A_196] {strides = array<i32>} : memref<2x24576xf32, #tpu.memory_space<vmem>>, vector<16xf32>,
        %min3A_198 = arith.minimumf %scan3A_142, %get3A_197 : vector<16xf32>
        %max3A_199 = arith.maximumf %scan3A_150, %get3A_197 : vector<16xf32>
        %abs3A_200 = math.absf %get3A_197 : vector<16xf32>
        %add3A_201 = arith.addf %scan3A_158, %abs3A_200 : vector<16xf32>
        %add3A_202 = arith.constant 3 : i32
        %add3A_203 = arith.addi %add3A_167, %add3A_202 : i32
        %mul3A_204 = arith.constant 16 : i32
        %mul3A_205 = arith.muli %add3A_203, %mul3A_204 : i32
        %get3A_206 = arith.constant 0 : i32
        %get3A_207 = arith.index_cast %get3A_206 : i32 to index
        %get3A_208 = arith.index_cast %mul3A_205 : i32 to index
        %get3A_209 = tpu.vector_load %arg4[%get3A_207, %get3A_208] {strides = array<i32>} : memref<2x24576xf32, #tpu.memory_space<vmem>>, vector<16xf32>,
        %min3A_210 = arith.minimumf %scan3A_143, %get3A_209 : vector<16xf32>
        %max3A_211 = arith.maximumf %scan3A_151, %get3A_209 : vector<16xf32>
        %abs3A_212 = math.absf %get3A_209 : vector<16xf32>
        %add3A_213 = arith.addf %scan3A_159, %abs3A_212 : vector<16xf32>
        %add3A_214 = arith.constant 4 : i32
        %add3A_215 = arith.addi %add3A_167, %add3A_214 : i32
        %mul3A_216 = arith.constant 16 : i32
        %mul3A_217 = arith.muli %add3A_215, %mul3A_216 : i32
        %get3A_218 = arith.constant 0 : i32
        %get3A_219 = arith.index_cast %get3A_218 : i32 to index
        %get3A_220 = arith.index_cast %mul3A_217 : i32 to index
        %get3A_221 = tpu.vector_load %arg4[%get3A_219, %get3A_220] {strides = array<i32>} : memref<2x24576xf32, #tpu.memory_space<vmem>>, vector<16xf32>,
        %min3A_222 = arith.minimumf %scan3A_144, %get3A_221 : vector<16xf32>
        %max3A_223 = arith.maximumf %scan3A_152, %get3A_221 : vector<16xf32>
        %abs3A_224 = math.absf %get3A_221 : vector<16xf32>
        %add3A_225 = arith.addf %scan3A_160, %abs3A_224 : vector<16xf32>
        %add3A_226 = arith.constant 5 : i32
        %add3A_227 = arith.addi %add3A_167, %add3A_226 : i32
        %mul3A_228 = arith.constant 16 : i32
        %mul3A_229 = arith.muli %add3A_227, %mul3A_228 : i32
        %get3A_230 = arith.constant 0 : i32
        %get3A_231 = arith.index_cast %get3A_230 : i32 to index
        %get3A_232 = arith.index_cast %mul3A_229 : i32 to index
        %get3A_233 = tpu.vector_load %arg4[%get3A_231, %get3A_232] {strides = array<i32>} : memref<2x24576xf32, #tpu.memory_space<vmem>>, vector<16xf32>,
        %min3A_234 = arith.minimumf %scan3A_145, %get3A_233 : vector<16xf32>
        %max3A_235 = arith.maximumf %scan3A_153, %get3A_233 : vector<16xf32>
        %abs3A_236 = math.absf %get3A_233 : vector<16xf32>
        %add3A_237 = arith.addf %scan3A_161, %abs3A_236 : vector<16xf32>
        %add3A_238 = arith.constant 6 : i32
        %add3A_239 = arith.addi %add3A_167, %add3A_238 : i32
        %mul3A_240 = arith.constant 16 : i32
        %mul3A_241 = arith.muli %add3A_239, %mul3A_240 : i32
        %get3A_242 = arith.constant 0 : i32
        %get3A_243 = arith.index_cast %get3A_242 : i32 to index
        %get3A_244 = arith.index_cast %mul3A_241 : i32 to index
        %get3A_245 = tpu.vector_load %arg4[%get3A_243, %get3A_244] {strides = array<i32>} : memref<2x24576xf32, #tpu.memory_space<vmem>>, vector<16xf32>,
        %min3A_246 = arith.minimumf %scan3A_146, %get3A_245 : vector<16xf32>
        %max3A_247 = arith.maximumf %scan3A_154, %get3A_245 : vector<16xf32>
        %abs3A_248 = math.absf %get3A_245 : vector<16xf32>
        %add3A_249 = arith.addf %scan3A_162, %abs3A_248 : vector<16xf32>
        %add3A_250 = arith.constant 7 : i32
        %add3A_251 = arith.addi %add3A_167, %add3A_250 : i32
        %mul3A_252 = arith.constant 16 : i32
        %mul3A_253 = arith.muli %add3A_251, %mul3A_252 : i32
        %get3A_254 = arith.constant 0 : i32
        %get3A_255 = arith.index_cast %get3A_254 : i32 to index
        %get3A_256 = arith.index_cast %mul3A_253 : i32 to index
        %get3A_257 = tpu.vector_load %arg4[%get3A_255, %get3A_256] {strides = array<i32>} : memref<2x24576xf32, #tpu.memory_space<vmem>>, vector<16xf32>,
        %min3A_258 = arith.minimumf %scan3A_147, %get3A_257 : vector<16xf32>
        %max3A_259 = arith.maximumf %scan3A_155, %get3A_257 : vector<16xf32>
        %abs3A_260 = math.absf %get3A_257 : vector<16xf32>
        %add3A_261 = arith.addf %scan3A_163, %abs3A_260 : vector<16xf32>
        scf.yield %min3A_175, %min3A_186, %min3A_198, %min3A_210, %min3A_222, %min3A_234, %min3A_246, %min3A_258, %max3A_176, %max3A_187, %max3A_199, %max3A_211, %max3A_223, %max3A_235, %max3A_247, %max3A_259, %add3A_177, %add3A_189, %add3A_201, %add3A_213, %add3A_225, %add3A_237, %add3A_249, %add3A_261 : vector<16xf32>, vector<16xf32>, vector<16xf32>, vector<16xf32>, vector<16xf32>, vector<16xf32>, vector<16xf32>, vector<16xf32>, vector<16xf32>, vector<16xf32>, vector<16xf32>, vector<16xf32>, vector<16xf32>, vector<16xf32>, vector<16xf32>, vector<16xf32>, vector<16xf32>, vector<16xf32>, vector<16xf32>, vector<16xf32>, vector<16xf32>, vector<16xf32>, vector<16xf32>, vector<16xf32>
      }
      %scan3A_106 = arith.constant 192 : i32
      %add3A_107 = arith.constant 0 : i32
      %add3A_108 = arith.addi %add3A_90, %add3A_107 : i32
      %add3A_109 = arith.constant 2 : i32
      %add3A_110 = arith.addi %add3A_108, %add3A_109 : i32
      %lt3A = arith.constant 36 : i32
      %lt3A_111 = arith.cmpi slt, %add3A_110, %lt3A : i32
      %convert_element_type3A = arith.extui %lt3A_111 : i1 to i32
      %cond3A = arith.constant 0 : i32
      %cond3A_112 = arith.cmpi ne, %convert_element_type3A, %cond3A : i32
      scf.if %cond3A_112 {
        %mul3A_139 = arith.constant 24576 : i32
        %mul3A_140 = arith.muli %add3A_110, %mul3A_139 : i32
        %add3A_141 = arith.addi %mul3A_2, %mul3A_140 : i32
        %dma_start3A_142 = arith.constant 0 : i32
        %dma_start3A_143 = arith.constant 0 : i32
        %dma_start3A_144 = tpu.memref_slice %arg4[%dma_start3A_142, %dma_start3A_143] : memref<2x24576xf32, #tpu.memory_space<vmem>> -> memref<1x24576xf32, #tpu.memory_space<vmem>>
        %dma_start3A_145 = tpu.memref_squeeze %dma_start3A_144 : memref<1x24576xf32, #tpu.memory_space<vmem>> -> memref<24576xf32, #tpu.memory_space<vmem>>
        %dma_start3A_146 = tpu.memref_slice %arg2[%add3A_141] : memref<28311552xf32, #tpu.memory_space<hbm>> -> memref<24576xf32, #tpu.memory_space<hbm>>
        %dma_start3A_147 = arith.constant 0 : i32
        %dma_start3A_148 = tpu.memref_slice %arg4[%dma_start3A_142, %dma_start3A_147] : memref<2x24576xf32, #tpu.memory_space<vmem>> -> memref<1x24576xf32, #tpu.memory_space<vmem>>
        %dma_start3A_149 = tpu.memref_squeeze %dma_start3A_148 : memref<1x24576xf32, #tpu.memory_space<vmem>> -> memref<24576xf32, #tpu.memory_space<vmem>>
        %dma_start3A_150 = tpu.memref_slice %arg2[%add3A_141] : memref<28311552xf32, #tpu.memory_space<hbm>> -> memref<24576xf32, #tpu.memory_space<hbm>>
        tpu.enqueue_dma source(%dma_start3A_150 : memref<24576xf32, #tpu.memory_space<hbm>>) target(%dma_start3A_149 : memref<24576xf32, #tpu.memory_space<vmem>>) target_semaphore(%arg6 : memref<!tpu.dma_semaphore, #tpu.memory_space<semaphore_mem>>)
      } else {
      }
      %dma_wait3A_113 = arith.constant 1 : i32
      %dma_wait3A_114 = arith.constant 0 : i32
      %dma_wait3A_115 = tpu.memref_slice %arg4[%dma_wait3A_113, %dma_wait3A_114] : memref<2x24576xf32, #tpu.memory_space<vmem>> -> memref<1x24576xf32, #tpu.memory_space<vmem>>
      %dma_wait3A_116 = tpu.memref_squeeze %dma_wait3A_115 : memref<1x24576xf32, #tpu.memory_space<vmem>> -> memref<24576xf32, #tpu.memory_space<vmem>>
      %dma_wait3A_117 = arith.constant 0 : i32
      %dma_wait3A_118 = tpu.memref_slice %arg2[%dma_wait3A_117] : memref<28311552xf32, #tpu.memory_space<hbm>> -> memref<24576xf32, #tpu.memory_space<hbm>>
      %dma_wait3A_119 = arith.constant 0 : i32
      %dma_wait3A_120 = tpu.memref_slice %arg4[%dma_wait3A_113, %dma_wait3A_119] : memref<2x24576xf32, #tpu.memory_space<vmem>> -> memref<1x24576xf32, #tpu.memory_space<vmem>>
      %dma_wait3A_121 = tpu.memref_squeeze %dma_wait3A_120 : memref<1x24576xf32, #tpu.memory_space<vmem>> -> memref<24576xf32, #tpu.memory_space<vmem>>
      %dma_wait3A_122 = arith.constant 0 : i32
      %dma_wait3A_123 = tpu.memref_slice %arg2[%dma_wait3A_122] : memref<28311552xf32, #tpu.memory_space<hbm>> -> memref<24576xf32, #tpu.memory_space<hbm>>
      tpu.wait_dma2 semaphore(%arg7 : memref<!tpu.dma_semaphore, #tpu.memory_space<semaphore_mem>>) src(%dma_wait3A_123 : memref<24576xf32, #tpu.memory_space<hbm>>) dst(%dma_wait3A_121 : memref<24576xf32, #tpu.memory_space<vmem>>)
      %scan3A_124 = arith.constant 0 : i32
      %scan3A_125 = arith.constant 192 : i32
      %scan3A_126 = arith.addi %scan3A_124, %scan3A_125 : i32
      %scan3A_127 = arith.constant 1 : i32
      %scan3A_128:24 = scf.for %scan3A_139 = %scan3A_124 to %scan3A_126 step %scan3A_127 iter_args(%scan3A_140 = %scan3A_105#0, %scan3A_141 = %scan3A_105#1, %scan3A_142 = %scan3A_105#2, %scan3A_143 = %scan3A_105#3, %scan3A_144 = %scan3A_105#4, %scan3A_145 = %scan3A_105#5, %scan3A_146 = %scan3A_105#6, %scan3A_147 = %scan3A_105#7, %scan3A_148 = %scan3A_105#8, %scan3A_149 = %scan3A_105#9, %scan3A_150 = %scan3A_105#10, %scan3A_151 = %scan3A_105#11, %scan3A_152 = %scan3A_105#12, %scan3A_153 = %scan3A_105#13, %scan3A_154 = %scan3A_105#14, %scan3A_155 = %scan3A_105#15, %scan3A_156 = %scan3A_105#16, %scan3A_157 = %scan3A_105#17, %scan3A_158 = %scan3A_105#18, %scan3A_159 = %scan3A_105#19, %scan3A_160 = %scan3A_105#20, %scan3A_161 = %scan3A_105#21, %scan3A_162 = %scan3A_105#22, %scan3A_163 = %scan3A_105#23) -> (vector<16xf32>, vector<16xf32>, vector<16xf32>, vector<16xf32>, vector<16xf32>, vector<16xf32>, vector<16xf32>, vector<16xf32>, vector<16xf32>, vector<16xf32>, vector<16xf32>, vector<16xf32>, vector<16xf32>, vector<16xf32>, vector<16xf32>, vector<16xf32>, vector<16xf32>, vector<16xf32>, vector<16xf32>, vector<16xf32>, vector<16xf32>, vector<16xf32>, vector<16xf32>, vector<16xf32>)  : i32 {
        %mul3A_164 = arith.constant 8 : i32
        %mul3A_165 = arith.muli %scan3A_139, %mul3A_164 : i32
        %add3A_166 = arith.constant 0 : i32
        %add3A_167 = arith.addi %add3A_166, %mul3A_165 : i32
        %add3A_168 = arith.constant 0 : i32
        %add3A_169 = arith.addi %add3A_167, %add3A_168 : i32
        %mul3A_170 = arith.constant 16 : i32
        %mul3A_171 = arith.muli %add3A_169, %mul3A_170 : i32
        %get3A = arith.constant 1 : i32
        %get3A_172 = arith.index_cast %get3A : i32 to index
        %get3A_173 = arith.index_cast %mul3A_171 : i32 to index
        %get3A_174 = tpu.vector_load %arg4[%get3A_172, %get3A_173] {strides = array<i32>} : memref<2x24576xf32, #tpu.memory_space<vmem>>, vector<16xf32>,
        %min3A_175 = arith.minimumf %scan3A_140, %get3A_174 : vector<16xf32>
        %max3A_176 = arith.maximumf %scan3A_148, %get3A_174 : vector<16xf32>
        %abs3A = math.absf %get3A_174 : vector<16xf32>
        %add3A_177 = arith.addf %scan3A_156, %abs3A : vector<16xf32>
        %add3A_178 = arith.constant 1 : i32
        %add3A_179 = arith.addi %add3A_167, %add3A_178 : i32
        %mul3A_180 = arith.constant 16 : i32
        %mul3A_181 = arith.muli %add3A_179, %mul3A_180 : i32
        %get3A_182 = arith.constant 1 : i32
        %get3A_183 = arith.index_cast %get3A_182 : i32 to index
        %get3A_184 = arith.index_cast %mul3A_181 : i32 to index
        %get3A_185 = tpu.vector_load %arg4[%get3A_183, %get3A_184] {strides = array<i32>} : memref<2x24576xf32, #tpu.memory_space<vmem>>, vector<16xf32>,
        %min3A_186 = arith.minimumf %scan3A_141, %get3A_185 : vector<16xf32>
        %max3A_187 = arith.maximumf %scan3A_149, %get3A_185 : vector<16xf32>
        %abs3A_188 = math.absf %get3A_185 : vector<16xf32>
        %add3A_189 = arith.addf %scan3A_157, %abs3A_188 : vector<16xf32>
        %add3A_190 = arith.constant 2 : i32
        %add3A_191 = arith.addi %add3A_167, %add3A_190 : i32
        %mul3A_192 = arith.constant 16 : i32
        %mul3A_193 = arith.muli %add3A_191, %mul3A_192 : i32
        %get3A_194 = arith.constant 1 : i32
        %get3A_195 = arith.index_cast %get3A_194 : i32 to index
        %get3A_196 = arith.index_cast %mul3A_193 : i32 to index
        %get3A_197 = tpu.vector_load %arg4[%get3A_195, %get3A_196] {strides = array<i32>} : memref<2x24576xf32, #tpu.memory_space<vmem>>, vector<16xf32>,
        %min3A_198 = arith.minimumf %scan3A_142, %get3A_197 : vector<16xf32>
        %max3A_199 = arith.maximumf %scan3A_150, %get3A_197 : vector<16xf32>
        %abs3A_200 = math.absf %get3A_197 : vector<16xf32>
        %add3A_201 = arith.addf %scan3A_158, %abs3A_200 : vector<16xf32>
        %add3A_202 = arith.constant 3 : i32
        %add3A_203 = arith.addi %add3A_167, %add3A_202 : i32
        %mul3A_204 = arith.constant 16 : i32
        %mul3A_205 = arith.muli %add3A_203, %mul3A_204 : i32
        %get3A_206 = arith.constant 1 : i32
        %get3A_207 = arith.index_cast %get3A_206 : i32 to index
        %get3A_208 = arith.index_cast %mul3A_205 : i32 to index
        %get3A_209 = tpu.vector_load %arg4[%get3A_207, %get3A_208] {strides = array<i32>} : memref<2x24576xf32, #tpu.memory_space<vmem>>, vector<16xf32>,
        %min3A_210 = arith.minimumf %scan3A_143, %get3A_209 : vector<16xf32>
        %max3A_211 = arith.maximumf %scan3A_151, %get3A_209 : vector<16xf32>
        %abs3A_212 = math.absf %get3A_209 : vector<16xf32>
        %add3A_213 = arith.addf %scan3A_159, %abs3A_212 : vector<16xf32>
        %add3A_214 = arith.constant 4 : i32
        %add3A_215 = arith.addi %add3A_167, %add3A_214 : i32
        %mul3A_216 = arith.constant 16 : i32
        %mul3A_217 = arith.muli %add3A_215, %mul3A_216 : i32
        %get3A_218 = arith.constant 1 : i32
        %get3A_219 = arith.index_cast %get3A_218 : i32 to index
        %get3A_220 = arith.index_cast %mul3A_217 : i32 to index
        %get3A_221 = tpu.vector_load %arg4[%get3A_219, %get3A_220] {strides = array<i32>} : memref<2x24576xf32, #tpu.memory_space<vmem>>, vector<16xf32>,
        %min3A_222 = arith.minimumf %scan3A_144, %get3A_221 : vector<16xf32>
        %max3A_223 = arith.maximumf %scan3A_152, %get3A_221 : vector<16xf32>
        %abs3A_224 = math.absf %get3A_221 : vector<16xf32>
        %add3A_225 = arith.addf %scan3A_160, %abs3A_224 : vector<16xf32>
        %add3A_226 = arith.constant 5 : i32
        %add3A_227 = arith.addi %add3A_167, %add3A_226 : i32
        %mul3A_228 = arith.constant 16 : i32
        %mul3A_229 = arith.muli %add3A_227, %mul3A_228 : i32
        %get3A_230 = arith.constant 1 : i32
        %get3A_231 = arith.index_cast %get3A_230 : i32 to index
        %get3A_232 = arith.index_cast %mul3A_229 : i32 to index
        %get3A_233 = tpu.vector_load %arg4[%get3A_231, %get3A_232] {strides = array<i32>} : memref<2x24576xf32, #tpu.memory_space<vmem>>, vector<16xf32>,
        %min3A_234 = arith.minimumf %scan3A_145, %get3A_233 : vector<16xf32>
        %max3A_235 = arith.maximumf %scan3A_153, %get3A_233 : vector<16xf32>
        %abs3A_236 = math.absf %get3A_233 : vector<16xf32>
        %add3A_237 = arith.addf %scan3A_161, %abs3A_236 : vector<16xf32>
        %add3A_238 = arith.constant 6 : i32
        %add3A_239 = arith.addi %add3A_167, %add3A_238 : i32
        %mul3A_240 = arith.constant 16 : i32
        %mul3A_241 = arith.muli %add3A_239, %mul3A_240 : i32
        %get3A_242 = arith.constant 1 : i32
        %get3A_243 = arith.index_cast %get3A_242 : i32 to index
        %get3A_244 = arith.index_cast %mul3A_241 : i32 to index
        %get3A_245 = tpu.vector_load %arg4[%get3A_243, %get3A_244] {strides = array<i32>} : memref<2x24576xf32, #tpu.memory_space<vmem>>, vector<16xf32>,
        %min3A_246 = arith.minimumf %scan3A_146, %get3A_245 : vector<16xf32>
        %max3A_247 = arith.maximumf %scan3A_154, %get3A_245 : vector<16xf32>
        %abs3A_248 = math.absf %get3A_245 : vector<16xf32>
        %add3A_249 = arith.addf %scan3A_162, %abs3A_248 : vector<16xf32>
        %add3A_250 = arith.constant 7 : i32
        %add3A_251 = arith.addi %add3A_167, %add3A_250 : i32
        %mul3A_252 = arith.constant 16 : i32
        %mul3A_253 = arith.muli %add3A_251, %mul3A_252 : i32
        %get3A_254 = arith.constant 1 : i32
        %get3A_255 = arith.index_cast %get3A_254 : i32 to index
        %get3A_256 = arith.index_cast %mul3A_253 : i32 to index
        %get3A_257 = tpu.vector_load %arg4[%get3A_255, %get3A_256] {strides = array<i32>} : memref<2x24576xf32, #tpu.memory_space<vmem>>, vector<16xf32>,
        %min3A_258 = arith.minimumf %scan3A_147, %get3A_257 : vector<16xf32>
        %max3A_259 = arith.maximumf %scan3A_155, %get3A_257 : vector<16xf32>
        %abs3A_260 = math.absf %get3A_257 : vector<16xf32>
        %add3A_261 = arith.addf %scan3A_163, %abs3A_260 : vector<16xf32>
        scf.yield %min3A_175, %min3A_186, %min3A_198, %min3A_210, %min3A_222, %min3A_234, %min3A_246, %min3A_258, %max3A_176, %max3A_187, %max3A_199, %max3A_211, %max3A_223, %max3A_235, %max3A_247, %max3A_259, %add3A_177, %add3A_189, %add3A_201, %add3A_213, %add3A_225, %add3A_237, %add3A_249, %add3A_261 : vector<16xf32>, vector<16xf32>, vector<16xf32>, vector<16xf32>, vector<16xf32>, vector<16xf32>, vector<16xf32>, vector<16xf32>, vector<16xf32>, vector<16xf32>, vector<16xf32>, vector<16xf32>, vector<16xf32>, vector<16xf32>, vector<16xf32>, vector<16xf32>, vector<16xf32>, vector<16xf32>, vector<16xf32>, vector<16xf32>, vector<16xf32>, vector<16xf32>, vector<16xf32>, vector<16xf32>
      }
      %scan3A_129 = arith.constant 192 : i32
      %add3A_130 = arith.constant 1 : i32
      %add3A_131 = arith.addi %add3A_90, %add3A_130 : i32
      %add3A_132 = arith.constant 2 : i32
      %add3A_133 = arith.addi %add3A_131, %add3A_132 : i32
      %lt3A_134 = arith.constant 36 : i32
      %lt3A_135 = arith.cmpi slt, %add3A_133, %lt3A_134 : i32
      %convert_element_type3A_136 = arith.extui %lt3A_135 : i1 to i32
      %cond3A_137 = arith.constant 0 : i32
      %cond3A_138 = arith.cmpi ne, %convert_element_type3A_136, %cond3A_137 : i32
      scf.if %cond3A_138 {
        %mul3A_139 = arith.constant 24576 : i32
        %mul3A_140 = arith.muli %add3A_133, %mul3A_139 : i32
        %add3A_141 = arith.addi %mul3A_2, %mul3A_140 : i32
        %dma_start3A_142 = arith.constant 1 : i32
        %dma_start3A_143 = arith.constant 0 : i32
        %dma_start3A_144 = tpu.memref_slice %arg4[%dma_start3A_142, %dma_start3A_143] : memref<2x24576xf32, #tpu.memory_space<vmem>> -> memref<1x24576xf32, #tpu.memory_space<vmem>>
        %dma_start3A_145 = tpu.memref_squeeze %dma_start3A_144 : memref<1x24576xf32, #tpu.memory_space<vmem>> -> memref<24576xf32, #tpu.memory_space<vmem>>
        %dma_start3A_146 = tpu.memref_slice %arg2[%add3A_141] : memref<28311552xf32, #tpu.memory_space<hbm>> -> memref<24576xf32, #tpu.memory_space<hbm>>
        %dma_start3A_147 = arith.constant 0 : i32
        %dma_start3A_148 = tpu.memref_slice %arg4[%dma_start3A_142, %dma_start3A_147] : memref<2x24576xf32, #tpu.memory_space<vmem>> -> memref<1x24576xf32, #tpu.memory_space<vmem>>
        %dma_start3A_149 = tpu.memref_squeeze %dma_start3A_148 : memref<1x24576xf32, #tpu.memory_space<vmem>> -> memref<24576xf32, #tpu.memory_space<vmem>>
        %dma_start3A_150 = tpu.memref_slice %arg2[%add3A_141] : memref<28311552xf32, #tpu.memory_space<hbm>> -> memref<24576xf32, #tpu.memory_space<hbm>>
        tpu.enqueue_dma source(%dma_start3A_150 : memref<24576xf32, #tpu.memory_space<hbm>>) target(%dma_start3A_149 : memref<24576xf32, #tpu.memory_space<vmem>>) target_semaphore(%arg7 : memref<!tpu.dma_semaphore, #tpu.memory_space<semaphore_mem>>)
      } else {
      }
      scf.yield %scan3A_128#0, %scan3A_128#1, %scan3A_128#2, %scan3A_128#3, %scan3A_128#4, %scan3A_128#5, %scan3A_128#6, %scan3A_128#7, %scan3A_128#8, %scan3A_128#9, %scan3A_128#10, %scan3A_128#11, %scan3A_128#12, %scan3A_128#13, %scan3A_128#14, %scan3A_128#15, %scan3A_128#16, %scan3A_128#17, %scan3A_128#18, %scan3A_128#19, %scan3A_128#20, %scan3A_128#21, %scan3A_128#22, %scan3A_128#23 : vector<16xf32>, vector<16xf32>, vector<16xf32>, vector<16xf32>, vector<16xf32>, vector<16xf32>, vector<16xf32>, vector<16xf32>, vector<16xf32>, vector<16xf32>, vector<16xf32>, vector<16xf32>, vector<16xf32>, vector<16xf32>, vector<16xf32>, vector<16xf32>, vector<16xf32>, vector<16xf32>, vector<16xf32>, vector<16xf32>, vector<16xf32>, vector<16xf32>, vector<16xf32>, vector<16xf32>
    }
    %scan3A_31 = arith.constant 18 : i32
    %min3A = arith.minimumf %scan3A_30#0, %scan3A_30#1 : vector<16xf32>
    %max3A = arith.maximumf %scan3A_30#8, %scan3A_30#9 : vector<16xf32>
    %add3A_32 = arith.addf %scan3A_30#16, %scan3A_30#17 : vector<16xf32>
    %min3A_33 = arith.minimumf %min3A, %scan3A_30#2 : vector<16xf32>
    %max3A_34 = arith.maximumf %max3A, %scan3A_30#10 : vector<16xf32>
    %add3A_35 = arith.addf %add3A_32, %scan3A_30#18 : vector<16xf32>
    %min3A_36 = arith.minimumf %min3A_33, %scan3A_30#3 : vector<16xf32>
    %max3A_37 = arith.maximumf %max3A_34, %scan3A_30#11 : vector<16xf32>
    %add3A_38 = arith.addf %add3A_35, %scan3A_30#19 : vector<16xf32>
    %min3A_39 = arith.minimumf %min3A_36, %scan3A_30#4 : vector<16xf32>
    %max3A_40 = arith.maximumf %max3A_37, %scan3A_30#12 : vector<16xf32>
    %add3A_41 = arith.addf %add3A_38, %scan3A_30#20 : vector<16xf32>
    %min3A_42 = arith.minimumf %min3A_39, %scan3A_30#5 : vector<16xf32>
    %max3A_43 = arith.maximumf %max3A_40, %scan3A_30#13 : vector<16xf32>
    %add3A_44 = arith.addf %add3A_41, %scan3A_30#21 : vector<16xf32>
    %min3A_45 = arith.minimumf %min3A_42, %scan3A_30#6 : vector<16xf32>
    %max3A_46 = arith.maximumf %max3A_43, %scan3A_30#14 : vector<16xf32>
    %add3A_47 = arith.addf %add3A_44, %scan3A_30#22 : vector<16xf32>
    %min3A_48 = arith.minimumf %min3A_45, %scan3A_30#7 : vector<16xf32>
    %max3A_49 = arith.maximumf %max3A_46, %scan3A_30#15 : vector<16xf32>
    %add3A_50 = arith.addf %add3A_47, %scan3A_30#23 : vector<16xf32>
    %swap3A = arith.constant 0 : i32
    %swap3A_51 = arith.index_cast %swap3A : i32 to index
    %swap3A_52 = arith.constant 0 : index
    %swap3A_53 = tpu.vector_load %arg5[%swap3A_51, %swap3A_52] {strides = array<i32>} : memref<3x16xf32, #tpu.memory_space<vmem>>, vector<16xf32>,
    tpu.vector_store %arg5[%swap3A_51, %swap3A_52], %min3A_48 {strides = array<i32>} : memref<3x16xf32, #tpu.memory_space<vmem>>, vector<16xf32>,
    %swap3A_54 = arith.constant 1 : i32
    %swap3A_55 = arith.index_cast %swap3A_54 : i32 to index
    %swap3A_56 = arith.constant 0 : index
    %swap3A_57 = tpu.vector_load %arg5[%swap3A_55, %swap3A_56] {strides = array<i32>} : memref<3x16xf32, #tpu.memory_space<vmem>>, vector<16xf32>,
    tpu.vector_store %arg5[%swap3A_55, %swap3A_56], %max3A_49 {strides = array<i32>} : memref<3x16xf32, #tpu.memory_space<vmem>>, vector<16xf32>,
    %swap3A_58 = arith.constant 2 : i32
    %swap3A_59 = arith.index_cast %swap3A_58 : i32 to index
    %swap3A_60 = arith.constant 0 : index
    %swap3A_61 = tpu.vector_load %arg5[%swap3A_59, %swap3A_60] {strides = array<i32>} : memref<3x16xf32, #tpu.memory_space<vmem>>, vector<16xf32>,
    tpu.vector_store %arg5[%swap3A_59, %swap3A_60], %add3A_50 {strides = array<i32>} : memref<3x16xf32, #tpu.memory_space<vmem>>, vector<16xf32>,
    "tpu.region"() ({
      %run_scoped3A = tpu.sem_alloc : memref<!tpu.dma_semaphore, #tpu.memory_space<semaphore_mem>>
      %dma_start3A_62 = arith.constant 0 : i32
      %dma_start3A_63 = arith.constant 0 : i32
      %dma_start3A_64 = tpu.memref_slice %arg3[%add3A, %dma_start3A_62, %dma_start3A_63] : memref<32x3x16xf32, #tpu.memory_space<hbm>> -> memref<1x3x16xf32, #tpu.memory_space<hbm>>
      %dma_start3A_65 = tpu.memref_squeeze %dma_start3A_64 : memref<1x3x16xf32, #tpu.memory_space<hbm>> -> memref<3x16xf32, #tpu.memory_space<hbm>>
      %dma_start3A_66 = arith.constant 0 : i32
      %dma_start3A_67 = arith.constant 0 : i32
      %dma_start3A_68 = tpu.memref_slice %arg3[%add3A, %dma_start3A_66, %dma_start3A_67] : memref<32x3x16xf32, #tpu.memory_space<hbm>> -> memref<1x3x16xf32, #tpu.memory_space<hbm>>
      %dma_start3A_69 = tpu.memref_squeeze %dma_start3A_68 : memref<1x3x16xf32, #tpu.memory_space<hbm>> -> memref<3x16xf32, #tpu.memory_space<hbm>>
      tpu.enqueue_dma source(%arg5 : memref<3x16xf32, #tpu.memory_space<vmem>>) target(%dma_start3A_69 : memref<3x16xf32, #tpu.memory_space<hbm>>) target_semaphore(%run_scoped3A : memref<!tpu.dma_semaphore, #tpu.memory_space<semaphore_mem>>)
      %dma_wait3A = arith.constant 0 : i32
      %dma_wait3A_70 = arith.constant 0 : i32
      %dma_wait3A_71 = tpu.memref_slice %arg3[%add3A, %dma_wait3A, %dma_wait3A_70] : memref<32x3x16xf32, #tpu.memory_space<hbm>> -> memref<1x3x16xf32, #tpu.memory_space<hbm>>
      %dma_wait3A_72 = tpu.memref_squeeze %dma_wait3A_71 : memref<1x3x16xf32, #tpu.memory_space<hbm>> -> memref<3x16xf32, #tpu.memory_space<hbm>>
      %dma_wait3A_73 = arith.constant 0 : i32
      %dma_wait3A_74 = arith.constant 0 : i32
      %dma_wait3A_75 = tpu.memref_slice %arg3[%add3A, %dma_wait3A_73, %dma_wait3A_74] : memref<32x3x16xf32, #tpu.memory_space<hbm>> -> memref<1x3x16xf32, #tpu.memory_space<hbm>>
      %dma_wait3A_76 = tpu.memref_squeeze %dma_wait3A_75 : memref<1x3x16xf32, #tpu.memory_space<hbm>> -> memref<3x16xf32, #tpu.memory_space<hbm>>
      tpu.wait_dma2 semaphore(%run_scoped3A : memref<!tpu.dma_semaphore, #tpu.memory_space<semaphore_mem>>) src(%arg5 : memref<3x16xf32, #tpu.memory_space<vmem>>) dst(%dma_wait3A_76 : memref<3x16xf32, #tpu.memory_space<hbm>>)
      tpu.yield
    }) : () -> ()
    return
  }
}

#map = affine_map<(d0, d1) -> (0)>
#map1 = affine_map<(d0, d1) -> (0, 0)>
#map2 = affine_map<(d0, d1) -> (0, 0, 0, 0)>
module attributes {stable_mosaic.version = 14 : i64} {
  func.func @body(%arg0: i32, %arg1: i32, %arg2: memref<7077888xf32, #tpu.memory_space<hbm>>, %arg3: memref<14155776xf32, #tpu.memory_space<hbm>>, %arg4: memref<4x16xf32, #tpu.memory_space<hbm>>, %arg5: memref<2x32x256x16xf32, #tpu.memory_space<hbm>>, %arg6: memref<2x24576xf32, #tpu.memory_space<vmem>>, %arg7: memref<256x16xf32, #tpu.memory_space<vmem>>, %arg8: memref<256x16xf32, #tpu.memory_space<vmem>>, %arg9: memref<4x16xf32, #tpu.memory_space<vmem>>, %arg10: memref<!tpu.dma_semaphore, #tpu.memory_space<semaphore_mem>>, %arg11: memref<!tpu.dma_semaphore, #tpu.memory_space<semaphore_mem>>) attributes {dimension_semantics = [#tpu.dimension_semantics<core_parallel>, #tpu.dimension_semantics<subcore_parallel>], iteration_bounds = array<i64: 2, 16>, scalar_prefetch = 0 : i64, scratch_operands = 6 : i64, tpu.core_type = #tpu.core_type<sc_vector_subcore>, window_params = [{transform_indices = #map}, {transform_indices = #map}, {transform_indices = #map1}, {transform_indices = #map2}]} {
    %mul3A = arith.constant 2 : i32
    %mul3A_0 = arith.muli %arg1, %mul3A : i32
    %add3A = arith.addi %mul3A_0, %arg0 : i32
    %broadcast_in_dim3A = arith.constant 0.000000e+00 : f32
    %broadcast_in_dim3A_1 = vector.broadcast %broadcast_in_dim3A : f32 to vector<16xf32>
    %scan3A = arith.constant 0 : i32
    %scan3A_2 = arith.constant 256 : i32
    %scan3A_3 = arith.addi %scan3A, %scan3A_2 : i32
    %scan3A_4 = arith.constant 1 : i32
    scf.for %scan3A_77 = %scan3A to %scan3A_3 step %scan3A_4  : i32 {
      %mul3A_78 = arith.constant 1 : i32
      %mul3A_79 = arith.muli %scan3A_77, %mul3A_78 : i32
      %add3A_80 = arith.constant 0 : i32
      %add3A_81 = arith.addi %add3A_80, %mul3A_79 : i32
      %swap3A = arith.index_cast %add3A_81 : i32 to index
      %swap3A_82 = arith.constant 0 : index
      %swap3A_83 = tpu.vector_load %arg7[%swap3A, %swap3A_82] {strides = array<i32>} : memref<256x16xf32, #tpu.memory_space<vmem>>, vector<16xf32>,
      tpu.vector_store %arg7[%swap3A, %swap3A_82], %broadcast_in_dim3A_1 {strides = array<i32>} : memref<256x16xf32, #tpu.memory_space<vmem>>, vector<16xf32>,
      %swap3A_84 = arith.index_cast %add3A_81 : i32 to index
      %swap3A_85 = arith.constant 0 : index
      %swap3A_86 = tpu.vector_load %arg8[%swap3A_84, %swap3A_85] {strides = array<i32>} : memref<256x16xf32, #tpu.memory_space<vmem>>, vector<16xf32>,
      tpu.vector_store %arg8[%swap3A_84, %swap3A_85], %broadcast_in_dim3A_1 {strides = array<i32>} : memref<256x16xf32, #tpu.memory_space<vmem>>, vector<16xf32>,
    }
    %scan3A_5 = arith.constant 256 : i32
    "tpu.region"() ({
      %run_scoped3A_77 = tpu.sem_alloc : memref<!tpu.dma_semaphore, #tpu.memory_space<semaphore_mem>>
      tpu.enqueue_dma source(%arg4 : memref<4x16xf32, #tpu.memory_space<hbm>>) target(%arg9 : memref<4x16xf32, #tpu.memory_space<vmem>>) target_semaphore(%run_scoped3A_77 : memref<!tpu.dma_semaphore, #tpu.memory_space<semaphore_mem>>)
      tpu.wait_dma2 semaphore(%run_scoped3A_77 : memref<!tpu.dma_semaphore, #tpu.memory_space<semaphore_mem>>) src(%arg4 : memref<4x16xf32, #tpu.memory_space<hbm>>) dst(%arg9 : memref<4x16xf32, #tpu.memory_space<vmem>>)
      tpu.yield
    }) : () -> ()
    %iota3A = tpu.iota {dimensions = array<i32: 0>} : vector<16xi32>
    %broadcast_in_dim3A_6 = arith.constant 1.000000e+00 : f32
    %broadcast_in_dim3A_7 = vector.broadcast %broadcast_in_dim3A_6 : f32 to vector<16xf32>
    %mul3A_8 = arith.constant 221184 : i32
    %mul3A_9 = arith.muli %add3A, %mul3A_8 : i32
    %get3A = arith.constant 0 : i32
    %get3A_10 = arith.index_cast %get3A : i32 to index
    %get3A_11 = arith.constant 0 : index
    %get3A_12 = tpu.vector_load %arg9[%get3A_10, %get3A_11] {strides = array<i32>} : memref<4x16xf32, #tpu.memory_space<vmem>>, vector<16xf32>,
    %get3A_13 = arith.constant 2 : i32
    %get3A_14 = arith.index_cast %get3A_13 : i32 to index
    %get3A_15 = arith.constant 0 : index
    %get3A_16 = tpu.vector_load %arg9[%get3A_14, %get3A_15] {strides = array<i32>} : memref<4x16xf32, #tpu.memory_space<vmem>>, vector<16xf32>,
    %dma_start3A = arith.constant 0 : i32
    %dma_start3A_17 = arith.constant 0 : i32
    %dma_start3A_18 = tpu.memref_slice %arg6[%dma_start3A, %dma_start3A_17] : memref<2x24576xf32, #tpu.memory_space<vmem>> -> memref<1x24576xf32, #tpu.memory_space<vmem>>
    %dma_start3A_19 = tpu.memref_squeeze %dma_start3A_18 : memref<1x24576xf32, #tpu.memory_space<vmem>> -> memref<24576xf32, #tpu.memory_space<vmem>>
    %dma_start3A_20 = tpu.memref_slice %arg2[%mul3A_9] : memref<7077888xf32, #tpu.memory_space<hbm>> -> memref<24576xf32, #tpu.memory_space<hbm>>
    %dma_start3A_21 = arith.constant 0 : i32
    %dma_start3A_22 = tpu.memref_slice %arg6[%dma_start3A, %dma_start3A_21] : memref<2x24576xf32, #tpu.memory_space<vmem>> -> memref<1x24576xf32, #tpu.memory_space<vmem>>
    %dma_start3A_23 = tpu.memref_squeeze %dma_start3A_22 : memref<1x24576xf32, #tpu.memory_space<vmem>> -> memref<24576xf32, #tpu.memory_space<vmem>>
    %dma_start3A_24 = tpu.memref_slice %arg2[%mul3A_9] : memref<7077888xf32, #tpu.memory_space<hbm>> -> memref<24576xf32, #tpu.memory_space<hbm>>
    tpu.enqueue_dma source(%dma_start3A_24 : memref<24576xf32, #tpu.memory_space<hbm>>) target(%dma_start3A_23 : memref<24576xf32, #tpu.memory_space<vmem>>) target_semaphore(%arg10 : memref<!tpu.dma_semaphore, #tpu.memory_space<semaphore_mem>>)
    %add3A_25 = arith.constant 24576 : i32
    %add3A_26 = arith.addi %mul3A_9, %add3A_25 : i32
    %dma_start3A_27 = arith.constant 1 : i32
    %dma_start3A_28 = arith.constant 0 : i32
    %dma_start3A_29 = tpu.memref_slice %arg6[%dma_start3A_27, %dma_start3A_28] : memref<2x24576xf32, #tpu.memory_space<vmem>> -> memref<1x24576xf32, #tpu.memory_space<vmem>>
    %dma_start3A_30 = tpu.memref_squeeze %dma_start3A_29 : memref<1x24576xf32, #tpu.memory_space<vmem>> -> memref<24576xf32, #tpu.memory_space<vmem>>
    %dma_start3A_31 = tpu.memref_slice %arg2[%add3A_26] : memref<7077888xf32, #tpu.memory_space<hbm>> -> memref<24576xf32, #tpu.memory_space<hbm>>
    %dma_start3A_32 = arith.constant 0 : i32
    %dma_start3A_33 = tpu.memref_slice %arg6[%dma_start3A_27, %dma_start3A_32] : memref<2x24576xf32, #tpu.memory_space<vmem>> -> memref<1x24576xf32, #tpu.memory_space<vmem>>
    %dma_start3A_34 = tpu.memref_squeeze %dma_start3A_33 : memref<1x24576xf32, #tpu.memory_space<vmem>> -> memref<24576xf32, #tpu.memory_space<vmem>>
    %dma_start3A_35 = tpu.memref_slice %arg2[%add3A_26] : memref<7077888xf32, #tpu.memory_space<hbm>> -> memref<24576xf32, #tpu.memory_space<hbm>>
    tpu.enqueue_dma source(%dma_start3A_35 : memref<24576xf32, #tpu.memory_space<hbm>>) target(%dma_start3A_34 : memref<24576xf32, #tpu.memory_space<vmem>>) target_semaphore(%arg11 : memref<!tpu.dma_semaphore, #tpu.memory_space<semaphore_mem>>)
    %scan3A_36 = arith.constant 0 : i32
    %scan3A_37 = arith.constant 5 : i32
    %scan3A_38 = arith.addi %scan3A_36, %scan3A_37 : i32
    %scan3A_39 = arith.constant 1 : i32
    scf.for %scan3A_77 = %scan3A_36 to %scan3A_38 step %scan3A_39  : i32 {
      %mul3A_78 = arith.constant 2 : i32
      %mul3A_79 = arith.muli %scan3A_77, %mul3A_78 : i32
      %add3A_80 = arith.constant 0 : i32
      %add3A_81 = arith.addi %add3A_80, %mul3A_79 : i32
      %add3A_82 = arith.constant 0 : i32
      %add3A_83 = arith.addi %add3A_81, %add3A_82 : i32
      %lt3A = arith.constant 9 : i32
      %lt3A_84 = arith.cmpi slt, %add3A_83, %lt3A : i32
      %convert_element_type3A = arith.extui %lt3A_84 : i1 to i32
      %cond3A = arith.constant 0 : i32
      %cond3A_85 = arith.cmpi ne, %convert_element_type3A, %cond3A : i32
      scf.if %cond3A_85 {
        %dma_wait3A = arith.constant 0 : i32
        %dma_wait3A_93 = arith.constant 0 : i32
        %dma_wait3A_94 = tpu.memref_slice %arg6[%dma_wait3A, %dma_wait3A_93] : memref<2x24576xf32, #tpu.memory_space<vmem>> -> memref<1x24576xf32, #tpu.memory_space<vmem>>
        %dma_wait3A_95 = tpu.memref_squeeze %dma_wait3A_94 : memref<1x24576xf32, #tpu.memory_space<vmem>> -> memref<24576xf32, #tpu.memory_space<vmem>>
        %dma_wait3A_96 = arith.constant 0 : i32
        %dma_wait3A_97 = tpu.memref_slice %arg2[%dma_wait3A_96] : memref<7077888xf32, #tpu.memory_space<hbm>> -> memref<24576xf32, #tpu.memory_space<hbm>>
        %dma_wait3A_98 = arith.constant 0 : i32
        %dma_wait3A_99 = tpu.memref_slice %arg6[%dma_wait3A, %dma_wait3A_98] : memref<2x24576xf32, #tpu.memory_space<vmem>> -> memref<1x24576xf32, #tpu.memory_space<vmem>>
        %dma_wait3A_100 = tpu.memref_squeeze %dma_wait3A_99 : memref<1x24576xf32, #tpu.memory_space<vmem>> -> memref<24576xf32, #tpu.memory_space<vmem>>
        %dma_wait3A_101 = arith.constant 0 : i32
        %dma_wait3A_102 = tpu.memref_slice %arg2[%dma_wait3A_101] : memref<7077888xf32, #tpu.memory_space<hbm>> -> memref<24576xf32, #tpu.memory_space<hbm>>
        tpu.wait_dma2 semaphore(%arg10 : memref<!tpu.dma_semaphore, #tpu.memory_space<semaphore_mem>>) src(%dma_wait3A_102 : memref<24576xf32, #tpu.memory_space<hbm>>) dst(%dma_wait3A_100 : memref<24576xf32, #tpu.memory_space<vmem>>)
        %parallel_loop3A = arith.constant 0 : i32
        %parallel_loop3A_103 = arith.constant 1536 : i32
        %parallel_loop3A_104 = arith.constant 1 : i32
        scf.for %parallel_loop3A_112 = %parallel_loop3A to %parallel_loop3A_103 step %parallel_loop3A_104  : i32 {
          %parallel_loop3A_113 = arith.constant 16 : i32
          %parallel_loop3A_114 = arith.muli %parallel_loop3A_112, %parallel_loop3A_113 : i32
          %parallel_loop3A_115 = arith.constant 0 : i32
          %parallel_loop3A_116 = arith.index_cast %parallel_loop3A_115 : i32 to index
          %parallel_loop3A_117 = arith.index_cast %parallel_loop3A_114 : i32 to index
          %parallel_loop3A_118 = tpu.vector_load %arg6[%parallel_loop3A_116, %parallel_loop3A_117] {strides = array<i32>} : memref<2x24576xf32, #tpu.memory_space<vmem>>, vector<16xf32>,
          %parallel_loop3A_119 = arith.subf %parallel_loop3A_118, %get3A_12 : vector<16xf32>
          %parallel_loop3A_120 = arith.mulf %parallel_loop3A_119, %get3A_16 : vector<16xf32>
          %parallel_loop3A_121 = arith.fptosi %parallel_loop3A_120 : vector<16xf32> to vector<16xi32>
          %parallel_loop3A_122 = arith.constant 255 : i32
          %parallel_loop3A_123 = vector.broadcast %parallel_loop3A_122 : i32 to vector<16xi32>
          %parallel_loop3A_124 = arith.minsi %parallel_loop3A_121, %parallel_loop3A_123 : vector<16xi32>
          tpu.vector_store_idx %arg7[%parallel_loop3A_124, %iota3A], %broadcast_in_dim3A_7 {add = true} : memref<256x16xf32, #tpu.memory_space<vmem>>[vector<16xi32>, vector<16xi32>], vector<16xf32>,
        } {sc.loop_unroll_factor = 8 : i64, sc.parallel_access}
        %add3A_105 = arith.constant 2 : i32
        %add3A_106 = arith.addi %add3A_83, %add3A_105 : i32
        %lt3A_107 = arith.constant 9 : i32
        %lt3A_108 = arith.cmpi slt, %add3A_106, %lt3A_107 : i32
        %convert_element_type3A_109 = arith.extui %lt3A_108 : i1 to i32
        %cond3A_110 = arith.constant 0 : i32
        %cond3A_111 = arith.cmpi ne, %convert_element_type3A_109, %cond3A_110 : i32
        scf.if %cond3A_111 {
          %mul3A_112 = arith.constant 24576 : i32
          %mul3A_113 = arith.muli %add3A_106, %mul3A_112 : i32
          %add3A_114 = arith.addi %mul3A_9, %mul3A_113 : i32
          %dma_start3A_115 = arith.constant 0 : i32
          %dma_start3A_116 = arith.constant 0 : i32
          %dma_start3A_117 = tpu.memref_slice %arg6[%dma_start3A_115, %dma_start3A_116] : memref<2x24576xf32, #tpu.memory_space<vmem>> -> memref<1x24576xf32, #tpu.memory_space<vmem>>
          %dma_start3A_118 = tpu.memref_squeeze %dma_start3A_117 : memref<1x24576xf32, #tpu.memory_space<vmem>> -> memref<24576xf32, #tpu.memory_space<vmem>>
          %dma_start3A_119 = tpu.memref_slice %arg2[%add3A_114] : memref<7077888xf32, #tpu.memory_space<hbm>> -> memref<24576xf32, #tpu.memory_space<hbm>>
          %dma_start3A_120 = arith.constant 0 : i32
          %dma_start3A_121 = tpu.memref_slice %arg6[%dma_start3A_115, %dma_start3A_120] : memref<2x24576xf32, #tpu.memory_space<vmem>> -> memref<1x24576xf32, #tpu.memory_space<vmem>>
          %dma_start3A_122 = tpu.memref_squeeze %dma_start3A_121 : memref<1x24576xf32, #tpu.memory_space<vmem>> -> memref<24576xf32, #tpu.memory_space<vmem>>
          %dma_start3A_123 = tpu.memref_slice %arg2[%add3A_114] : memref<7077888xf32, #tpu.memory_space<hbm>> -> memref<24576xf32, #tpu.memory_space<hbm>>
          tpu.enqueue_dma source(%dma_start3A_123 : memref<24576xf32, #tpu.memory_space<hbm>>) target(%dma_start3A_122 : memref<24576xf32, #tpu.memory_space<vmem>>) target_semaphore(%arg10 : memref<!tpu.dma_semaphore, #tpu.memory_space<semaphore_mem>>)
        } else {
        }
      } else {
      }
      %add3A_86 = arith.constant 1 : i32
      %add3A_87 = arith.addi %add3A_81, %add3A_86 : i32
      %lt3A_88 = arith.constant 9 : i32
      %lt3A_89 = arith.cmpi slt, %add3A_87, %lt3A_88 : i32
      %convert_element_type3A_90 = arith.extui %lt3A_89 : i1 to i32
      %cond3A_91 = arith.constant 0 : i32
      %cond3A_92 = arith.cmpi ne, %convert_element_type3A_90, %cond3A_91 : i32
      scf.if %cond3A_92 {
        %dma_wait3A = arith.constant 1 : i32
        %dma_wait3A_93 = arith.constant 0 : i32
        %dma_wait3A_94 = tpu.memref_slice %arg6[%dma_wait3A, %dma_wait3A_93] : memref<2x24576xf32, #tpu.memory_space<vmem>> -> memref<1x24576xf32, #tpu.memory_space<vmem>>
        %dma_wait3A_95 = tpu.memref_squeeze %dma_wait3A_94 : memref<1x24576xf32, #tpu.memory_space<vmem>> -> memref<24576xf32, #tpu.memory_space<vmem>>
        %dma_wait3A_96 = arith.constant 0 : i32
        %dma_wait3A_97 = tpu.memref_slice %arg2[%dma_wait3A_96] : memref<7077888xf32, #tpu.memory_space<hbm>> -> memref<24576xf32, #tpu.memory_space<hbm>>
        %dma_wait3A_98 = arith.constant 0 : i32
        %dma_wait3A_99 = tpu.memref_slice %arg6[%dma_wait3A, %dma_wait3A_98] : memref<2x24576xf32, #tpu.memory_space<vmem>> -> memref<1x24576xf32, #tpu.memory_space<vmem>>
        %dma_wait3A_100 = tpu.memref_squeeze %dma_wait3A_99 : memref<1x24576xf32, #tpu.memory_space<vmem>> -> memref<24576xf32, #tpu.memory_space<vmem>>
        %dma_wait3A_101 = arith.constant 0 : i32
        %dma_wait3A_102 = tpu.memref_slice %arg2[%dma_wait3A_101] : memref<7077888xf32, #tpu.memory_space<hbm>> -> memref<24576xf32, #tpu.memory_space<hbm>>
        tpu.wait_dma2 semaphore(%arg11 : memref<!tpu.dma_semaphore, #tpu.memory_space<semaphore_mem>>) src(%dma_wait3A_102 : memref<24576xf32, #tpu.memory_space<hbm>>) dst(%dma_wait3A_100 : memref<24576xf32, #tpu.memory_space<vmem>>)
        %parallel_loop3A = arith.constant 0 : i32
        %parallel_loop3A_103 = arith.constant 1536 : i32
        %parallel_loop3A_104 = arith.constant 1 : i32
        scf.for %parallel_loop3A_112 = %parallel_loop3A to %parallel_loop3A_103 step %parallel_loop3A_104  : i32 {
          %parallel_loop3A_113 = arith.constant 16 : i32
          %parallel_loop3A_114 = arith.muli %parallel_loop3A_112, %parallel_loop3A_113 : i32
          %parallel_loop3A_115 = arith.constant 1 : i32
          %parallel_loop3A_116 = arith.index_cast %parallel_loop3A_115 : i32 to index
          %parallel_loop3A_117 = arith.index_cast %parallel_loop3A_114 : i32 to index
          %parallel_loop3A_118 = tpu.vector_load %arg6[%parallel_loop3A_116, %parallel_loop3A_117] {strides = array<i32>} : memref<2x24576xf32, #tpu.memory_space<vmem>>, vector<16xf32>,
          %parallel_loop3A_119 = arith.subf %parallel_loop3A_118, %get3A_12 : vector<16xf32>
          %parallel_loop3A_120 = arith.mulf %parallel_loop3A_119, %get3A_16 : vector<16xf32>
          %parallel_loop3A_121 = arith.fptosi %parallel_loop3A_120 : vector<16xf32> to vector<16xi32>
          %parallel_loop3A_122 = arith.constant 255 : i32
          %parallel_loop3A_123 = vector.broadcast %parallel_loop3A_122 : i32 to vector<16xi32>
          %parallel_loop3A_124 = arith.minsi %parallel_loop3A_121, %parallel_loop3A_123 : vector<16xi32>
          tpu.vector_store_idx %arg7[%parallel_loop3A_124, %iota3A], %broadcast_in_dim3A_7 {add = true} : memref<256x16xf32, #tpu.memory_space<vmem>>[vector<16xi32>, vector<16xi32>], vector<16xf32>,
        } {sc.loop_unroll_factor = 8 : i64, sc.parallel_access}
        %add3A_105 = arith.constant 2 : i32
        %add3A_106 = arith.addi %add3A_87, %add3A_105 : i32
        %lt3A_107 = arith.constant 9 : i32
        %lt3A_108 = arith.cmpi slt, %add3A_106, %lt3A_107 : i32
        %convert_element_type3A_109 = arith.extui %lt3A_108 : i1 to i32
        %cond3A_110 = arith.constant 0 : i32
        %cond3A_111 = arith.cmpi ne, %convert_element_type3A_109, %cond3A_110 : i32
        scf.if %cond3A_111 {
          %mul3A_112 = arith.constant 24576 : i32
          %mul3A_113 = arith.muli %add3A_106, %mul3A_112 : i32
          %add3A_114 = arith.addi %mul3A_9, %mul3A_113 : i32
          %dma_start3A_115 = arith.constant 1 : i32
          %dma_start3A_116 = arith.constant 0 : i32
          %dma_start3A_117 = tpu.memref_slice %arg6[%dma_start3A_115, %dma_start3A_116] : memref<2x24576xf32, #tpu.memory_space<vmem>> -> memref<1x24576xf32, #tpu.memory_space<vmem>>
          %dma_start3A_118 = tpu.memref_squeeze %dma_start3A_117 : memref<1x24576xf32, #tpu.memory_space<vmem>> -> memref<24576xf32, #tpu.memory_space<vmem>>
          %dma_start3A_119 = tpu.memref_slice %arg2[%add3A_114] : memref<7077888xf32, #tpu.memory_space<hbm>> -> memref<24576xf32, #tpu.memory_space<hbm>>
          %dma_start3A_120 = arith.constant 0 : i32
          %dma_start3A_121 = tpu.memref_slice %arg6[%dma_start3A_115, %dma_start3A_120] : memref<2x24576xf32, #tpu.memory_space<vmem>> -> memref<1x24576xf32, #tpu.memory_space<vmem>>
          %dma_start3A_122 = tpu.memref_squeeze %dma_start3A_121 : memref<1x24576xf32, #tpu.memory_space<vmem>> -> memref<24576xf32, #tpu.memory_space<vmem>>
          %dma_start3A_123 = tpu.memref_slice %arg2[%add3A_114] : memref<7077888xf32, #tpu.memory_space<hbm>> -> memref<24576xf32, #tpu.memory_space<hbm>>
          tpu.enqueue_dma source(%dma_start3A_123 : memref<24576xf32, #tpu.memory_space<hbm>>) target(%dma_start3A_122 : memref<24576xf32, #tpu.memory_space<vmem>>) target_semaphore(%arg11 : memref<!tpu.dma_semaphore, #tpu.memory_space<semaphore_mem>>)
        } else {
        }
      } else {
      }
    }
    %scan3A_40 = arith.constant 5 : i32
    %mul3A_41 = arith.constant 442368 : i32
    %mul3A_42 = arith.muli %add3A, %mul3A_41 : i32
    %get3A_43 = arith.constant 1 : i32
    %get3A_44 = arith.index_cast %get3A_43 : i32 to index
    %get3A_45 = arith.constant 0 : index
    %get3A_46 = tpu.vector_load %arg9[%get3A_44, %get3A_45] {strides = array<i32>} : memref<4x16xf32, #tpu.memory_space<vmem>>, vector<16xf32>,
    %get3A_47 = arith.constant 3 : i32
    %get3A_48 = arith.index_cast %get3A_47 : i32 to index
    %get3A_49 = arith.constant 0 : index
    %get3A_50 = tpu.vector_load %arg9[%get3A_48, %get3A_49] {strides = array<i32>} : memref<4x16xf32, #tpu.memory_space<vmem>>, vector<16xf32>,
    %dma_start3A_51 = arith.constant 0 : i32
    %dma_start3A_52 = arith.constant 0 : i32
    %dma_start3A_53 = tpu.memref_slice %arg6[%dma_start3A_51, %dma_start3A_52] : memref<2x24576xf32, #tpu.memory_space<vmem>> -> memref<1x24576xf32, #tpu.memory_space<vmem>>
    %dma_start3A_54 = tpu.memref_squeeze %dma_start3A_53 : memref<1x24576xf32, #tpu.memory_space<vmem>> -> memref<24576xf32, #tpu.memory_space<vmem>>
    %dma_start3A_55 = tpu.memref_slice %arg3[%mul3A_42] : memref<14155776xf32, #tpu.memory_space<hbm>> -> memref<24576xf32, #tpu.memory_space<hbm>>
    %dma_start3A_56 = arith.constant 0 : i32
    %dma_start3A_57 = tpu.memref_slice %arg6[%dma_start3A_51, %dma_start3A_56] : memref<2x24576xf32, #tpu.memory_space<vmem>> -> memref<1x24576xf32, #tpu.memory_space<vmem>>
    %dma_start3A_58 = tpu.memref_squeeze %dma_start3A_57 : memref<1x24576xf32, #tpu.memory_space<vmem>> -> memref<24576xf32, #tpu.memory_space<vmem>>
    %dma_start3A_59 = tpu.memref_slice %arg3[%mul3A_42] : memref<14155776xf32, #tpu.memory_space<hbm>> -> memref<24576xf32, #tpu.memory_space<hbm>>
    tpu.enqueue_dma source(%dma_start3A_59 : memref<24576xf32, #tpu.memory_space<hbm>>) target(%dma_start3A_58 : memref<24576xf32, #tpu.memory_space<vmem>>) target_semaphore(%arg10 : memref<!tpu.dma_semaphore, #tpu.memory_space<semaphore_mem>>)
    %add3A_60 = arith.constant 24576 : i32
    %add3A_61 = arith.addi %mul3A_42, %add3A_60 : i32
    %dma_start3A_62 = arith.constant 1 : i32
    %dma_start3A_63 = arith.constant 0 : i32
    %dma_start3A_64 = tpu.memref_slice %arg6[%dma_start3A_62, %dma_start3A_63] : memref<2x24576xf32, #tpu.memory_space<vmem>> -> memref<1x24576xf32, #tpu.memory_space<vmem>>
    %dma_start3A_65 = tpu.memref_squeeze %dma_start3A_64 : memref<1x24576xf32, #tpu.memory_space<vmem>> -> memref<24576xf32, #tpu.memory_space<vmem>>
    %dma_start3A_66 = tpu.memref_slice %arg3[%add3A_61] : memref<14155776xf32, #tpu.memory_space<hbm>> -> memref<24576xf32, #tpu.memory_space<hbm>>
    %dma_start3A_67 = arith.constant 0 : i32
    %dma_start3A_68 = tpu.memref_slice %arg6[%dma_start3A_62, %dma_start3A_67] : memref<2x24576xf32, #tpu.memory_space<vmem>> -> memref<1x24576xf32, #tpu.memory_space<vmem>>
    %dma_start3A_69 = tpu.memref_squeeze %dma_start3A_68 : memref<1x24576xf32, #tpu.memory_space<vmem>> -> memref<24576xf32, #tpu.memory_space<vmem>>
    %dma_start3A_70 = tpu.memref_slice %arg3[%add3A_61] : memref<14155776xf32, #tpu.memory_space<hbm>> -> memref<24576xf32, #tpu.memory_space<hbm>>
    tpu.enqueue_dma source(%dma_start3A_70 : memref<24576xf32, #tpu.memory_space<hbm>>) target(%dma_start3A_69 : memref<24576xf32, #tpu.memory_space<vmem>>) target_semaphore(%arg11 : memref<!tpu.dma_semaphore, #tpu.memory_space<semaphore_mem>>)
    %scan3A_71 = arith.constant 0 : i32
    %scan3A_72 = arith.constant 9 : i32
    %scan3A_73 = arith.addi %scan3A_71, %scan3A_72 : i32
    %scan3A_74 = arith.constant 1 : i32
    scf.for %scan3A_77 = %scan3A_71 to %scan3A_73 step %scan3A_74  : i32 {
      %mul3A_78 = arith.constant 2 : i32
      %mul3A_79 = arith.muli %scan3A_77, %mul3A_78 : i32
      %add3A_80 = arith.constant 0 : i32
      %add3A_81 = arith.addi %add3A_80, %mul3A_79 : i32
      %add3A_82 = arith.constant 0 : i32
      %add3A_83 = arith.addi %add3A_81, %add3A_82 : i32
      %lt3A = arith.constant 18 : i32
      %lt3A_84 = arith.cmpi slt, %add3A_83, %lt3A : i32
      %convert_element_type3A = arith.extui %lt3A_84 : i1 to i32
      %cond3A = arith.constant 0 : i32
      %cond3A_85 = arith.cmpi ne, %convert_element_type3A, %cond3A : i32
      scf.if %cond3A_85 {
        %dma_wait3A = arith.constant 0 : i32
        %dma_wait3A_93 = arith.constant 0 : i32
        %dma_wait3A_94 = tpu.memref_slice %arg6[%dma_wait3A, %dma_wait3A_93] : memref<2x24576xf32, #tpu.memory_space<vmem>> -> memref<1x24576xf32, #tpu.memory_space<vmem>>
        %dma_wait3A_95 = tpu.memref_squeeze %dma_wait3A_94 : memref<1x24576xf32, #tpu.memory_space<vmem>> -> memref<24576xf32, #tpu.memory_space<vmem>>
        %dma_wait3A_96 = arith.constant 0 : i32
        %dma_wait3A_97 = tpu.memref_slice %arg3[%dma_wait3A_96] : memref<14155776xf32, #tpu.memory_space<hbm>> -> memref<24576xf32, #tpu.memory_space<hbm>>
        %dma_wait3A_98 = arith.constant 0 : i32
        %dma_wait3A_99 = tpu.memref_slice %arg6[%dma_wait3A, %dma_wait3A_98] : memref<2x24576xf32, #tpu.memory_space<vmem>> -> memref<1x24576xf32, #tpu.memory_space<vmem>>
        %dma_wait3A_100 = tpu.memref_squeeze %dma_wait3A_99 : memref<1x24576xf32, #tpu.memory_space<vmem>> -> memref<24576xf32, #tpu.memory_space<vmem>>
        %dma_wait3A_101 = arith.constant 0 : i32
        %dma_wait3A_102 = tpu.memref_slice %arg3[%dma_wait3A_101] : memref<14155776xf32, #tpu.memory_space<hbm>> -> memref<24576xf32, #tpu.memory_space<hbm>>
        tpu.wait_dma2 semaphore(%arg10 : memref<!tpu.dma_semaphore, #tpu.memory_space<semaphore_mem>>) src(%dma_wait3A_102 : memref<24576xf32, #tpu.memory_space<hbm>>) dst(%dma_wait3A_100 : memref<24576xf32, #tpu.memory_space<vmem>>)
        %parallel_loop3A = arith.constant 0 : i32
        %parallel_loop3A_103 = arith.constant 1536 : i32
        %parallel_loop3A_104 = arith.constant 1 : i32
        scf.for %parallel_loop3A_112 = %parallel_loop3A to %parallel_loop3A_103 step %parallel_loop3A_104  : i32 {
          %parallel_loop3A_113 = arith.constant 16 : i32
          %parallel_loop3A_114 = arith.muli %parallel_loop3A_112, %parallel_loop3A_113 : i32
          %parallel_loop3A_115 = arith.constant 0 : i32
          %parallel_loop3A_116 = arith.index_cast %parallel_loop3A_115 : i32 to index
          %parallel_loop3A_117 = arith.index_cast %parallel_loop3A_114 : i32 to index
          %parallel_loop3A_118 = tpu.vector_load %arg6[%parallel_loop3A_116, %parallel_loop3A_117] {strides = array<i32>} : memref<2x24576xf32, #tpu.memory_space<vmem>>, vector<16xf32>,
          %parallel_loop3A_119 = arith.subf %parallel_loop3A_118, %get3A_46 : vector<16xf32>
          %parallel_loop3A_120 = arith.mulf %parallel_loop3A_119, %get3A_50 : vector<16xf32>
          %parallel_loop3A_121 = arith.fptosi %parallel_loop3A_120 : vector<16xf32> to vector<16xi32>
          %parallel_loop3A_122 = arith.constant 255 : i32
          %parallel_loop3A_123 = vector.broadcast %parallel_loop3A_122 : i32 to vector<16xi32>
          %parallel_loop3A_124 = arith.minsi %parallel_loop3A_121, %parallel_loop3A_123 : vector<16xi32>
          tpu.vector_store_idx %arg8[%parallel_loop3A_124, %iota3A], %broadcast_in_dim3A_7 {add = true} : memref<256x16xf32, #tpu.memory_space<vmem>>[vector<16xi32>, vector<16xi32>], vector<16xf32>,
        } {sc.loop_unroll_factor = 8 : i64, sc.parallel_access}
        %add3A_105 = arith.constant 2 : i32
        %add3A_106 = arith.addi %add3A_83, %add3A_105 : i32
        %lt3A_107 = arith.constant 18 : i32
        %lt3A_108 = arith.cmpi slt, %add3A_106, %lt3A_107 : i32
        %convert_element_type3A_109 = arith.extui %lt3A_108 : i1 to i32
        %cond3A_110 = arith.constant 0 : i32
        %cond3A_111 = arith.cmpi ne, %convert_element_type3A_109, %cond3A_110 : i32
        scf.if %cond3A_111 {
          %mul3A_112 = arith.constant 24576 : i32
          %mul3A_113 = arith.muli %add3A_106, %mul3A_112 : i32
          %add3A_114 = arith.addi %mul3A_42, %mul3A_113 : i32
          %dma_start3A_115 = arith.constant 0 : i32
          %dma_start3A_116 = arith.constant 0 : i32
          %dma_start3A_117 = tpu.memref_slice %arg6[%dma_start3A_115, %dma_start3A_116] : memref<2x24576xf32, #tpu.memory_space<vmem>> -> memref<1x24576xf32, #tpu.memory_space<vmem>>
          %dma_start3A_118 = tpu.memref_squeeze %dma_start3A_117 : memref<1x24576xf32, #tpu.memory_space<vmem>> -> memref<24576xf32, #tpu.memory_space<vmem>>
          %dma_start3A_119 = tpu.memref_slice %arg3[%add3A_114] : memref<14155776xf32, #tpu.memory_space<hbm>> -> memref<24576xf32, #tpu.memory_space<hbm>>
          %dma_start3A_120 = arith.constant 0 : i32
          %dma_start3A_121 = tpu.memref_slice %arg6[%dma_start3A_115, %dma_start3A_120] : memref<2x24576xf32, #tpu.memory_space<vmem>> -> memref<1x24576xf32, #tpu.memory_space<vmem>>
          %dma_start3A_122 = tpu.memref_squeeze %dma_start3A_121 : memref<1x24576xf32, #tpu.memory_space<vmem>> -> memref<24576xf32, #tpu.memory_space<vmem>>
          %dma_start3A_123 = tpu.memref_slice %arg3[%add3A_114] : memref<14155776xf32, #tpu.memory_space<hbm>> -> memref<24576xf32, #tpu.memory_space<hbm>>
          tpu.enqueue_dma source(%dma_start3A_123 : memref<24576xf32, #tpu.memory_space<hbm>>) target(%dma_start3A_122 : memref<24576xf32, #tpu.memory_space<vmem>>) target_semaphore(%arg10 : memref<!tpu.dma_semaphore, #tpu.memory_space<semaphore_mem>>)
        } else {
        }
      } else {
      }
      %add3A_86 = arith.constant 1 : i32
      %add3A_87 = arith.addi %add3A_81, %add3A_86 : i32
      %lt3A_88 = arith.constant 18 : i32
      %lt3A_89 = arith.cmpi slt, %add3A_87, %lt3A_88 : i32
      %convert_element_type3A_90 = arith.extui %lt3A_89 : i1 to i32
      %cond3A_91 = arith.constant 0 : i32
      %cond3A_92 = arith.cmpi ne, %convert_element_type3A_90, %cond3A_91 : i32
      scf.if %cond3A_92 {
        %dma_wait3A = arith.constant 1 : i32
        %dma_wait3A_93 = arith.constant 0 : i32
        %dma_wait3A_94 = tpu.memref_slice %arg6[%dma_wait3A, %dma_wait3A_93] : memref<2x24576xf32, #tpu.memory_space<vmem>> -> memref<1x24576xf32, #tpu.memory_space<vmem>>
        %dma_wait3A_95 = tpu.memref_squeeze %dma_wait3A_94 : memref<1x24576xf32, #tpu.memory_space<vmem>> -> memref<24576xf32, #tpu.memory_space<vmem>>
        %dma_wait3A_96 = arith.constant 0 : i32
        %dma_wait3A_97 = tpu.memref_slice %arg3[%dma_wait3A_96] : memref<14155776xf32, #tpu.memory_space<hbm>> -> memref<24576xf32, #tpu.memory_space<hbm>>
        %dma_wait3A_98 = arith.constant 0 : i32
        %dma_wait3A_99 = tpu.memref_slice %arg6[%dma_wait3A, %dma_wait3A_98] : memref<2x24576xf32, #tpu.memory_space<vmem>> -> memref<1x24576xf32, #tpu.memory_space<vmem>>
        %dma_wait3A_100 = tpu.memref_squeeze %dma_wait3A_99 : memref<1x24576xf32, #tpu.memory_space<vmem>> -> memref<24576xf32, #tpu.memory_space<vmem>>
        %dma_wait3A_101 = arith.constant 0 : i32
        %dma_wait3A_102 = tpu.memref_slice %arg3[%dma_wait3A_101] : memref<14155776xf32, #tpu.memory_space<hbm>> -> memref<24576xf32, #tpu.memory_space<hbm>>
        tpu.wait_dma2 semaphore(%arg11 : memref<!tpu.dma_semaphore, #tpu.memory_space<semaphore_mem>>) src(%dma_wait3A_102 : memref<24576xf32, #tpu.memory_space<hbm>>) dst(%dma_wait3A_100 : memref<24576xf32, #tpu.memory_space<vmem>>)
        %parallel_loop3A = arith.constant 0 : i32
        %parallel_loop3A_103 = arith.constant 1536 : i32
        %parallel_loop3A_104 = arith.constant 1 : i32
        scf.for %parallel_loop3A_112 = %parallel_loop3A to %parallel_loop3A_103 step %parallel_loop3A_104  : i32 {
          %parallel_loop3A_113 = arith.constant 16 : i32
          %parallel_loop3A_114 = arith.muli %parallel_loop3A_112, %parallel_loop3A_113 : i32
          %parallel_loop3A_115 = arith.constant 1 : i32
          %parallel_loop3A_116 = arith.index_cast %parallel_loop3A_115 : i32 to index
          %parallel_loop3A_117 = arith.index_cast %parallel_loop3A_114 : i32 to index
          %parallel_loop3A_118 = tpu.vector_load %arg6[%parallel_loop3A_116, %parallel_loop3A_117] {strides = array<i32>} : memref<2x24576xf32, #tpu.memory_space<vmem>>, vector<16xf32>,
          %parallel_loop3A_119 = arith.subf %parallel_loop3A_118, %get3A_46 : vector<16xf32>
          %parallel_loop3A_120 = arith.mulf %parallel_loop3A_119, %get3A_50 : vector<16xf32>
          %parallel_loop3A_121 = arith.fptosi %parallel_loop3A_120 : vector<16xf32> to vector<16xi32>
          %parallel_loop3A_122 = arith.constant 255 : i32
          %parallel_loop3A_123 = vector.broadcast %parallel_loop3A_122 : i32 to vector<16xi32>
          %parallel_loop3A_124 = arith.minsi %parallel_loop3A_121, %parallel_loop3A_123 : vector<16xi32>
          tpu.vector_store_idx %arg8[%parallel_loop3A_124, %iota3A], %broadcast_in_dim3A_7 {add = true} : memref<256x16xf32, #tpu.memory_space<vmem>>[vector<16xi32>, vector<16xi32>], vector<16xf32>,
        } {sc.loop_unroll_factor = 8 : i64, sc.parallel_access}
        %add3A_105 = arith.constant 2 : i32
        %add3A_106 = arith.addi %add3A_87, %add3A_105 : i32
        %lt3A_107 = arith.constant 18 : i32
        %lt3A_108 = arith.cmpi slt, %add3A_106, %lt3A_107 : i32
        %convert_element_type3A_109 = arith.extui %lt3A_108 : i1 to i32
        %cond3A_110 = arith.constant 0 : i32
        %cond3A_111 = arith.cmpi ne, %convert_element_type3A_109, %cond3A_110 : i32
        scf.if %cond3A_111 {
          %mul3A_112 = arith.constant 24576 : i32
          %mul3A_113 = arith.muli %add3A_106, %mul3A_112 : i32
          %add3A_114 = arith.addi %mul3A_42, %mul3A_113 : i32
          %dma_start3A_115 = arith.constant 1 : i32
          %dma_start3A_116 = arith.constant 0 : i32
          %dma_start3A_117 = tpu.memref_slice %arg6[%dma_start3A_115, %dma_start3A_116] : memref<2x24576xf32, #tpu.memory_space<vmem>> -> memref<1x24576xf32, #tpu.memory_space<vmem>>
          %dma_start3A_118 = tpu.memref_squeeze %dma_start3A_117 : memref<1x24576xf32, #tpu.memory_space<vmem>> -> memref<24576xf32, #tpu.memory_space<vmem>>
          %dma_start3A_119 = tpu.memref_slice %arg3[%add3A_114] : memref<14155776xf32, #tpu.memory_space<hbm>> -> memref<24576xf32, #tpu.memory_space<hbm>>
          %dma_start3A_120 = arith.constant 0 : i32
          %dma_start3A_121 = tpu.memref_slice %arg6[%dma_start3A_115, %dma_start3A_120] : memref<2x24576xf32, #tpu.memory_space<vmem>> -> memref<1x24576xf32, #tpu.memory_space<vmem>>
          %dma_start3A_122 = tpu.memref_squeeze %dma_start3A_121 : memref<1x24576xf32, #tpu.memory_space<vmem>> -> memref<24576xf32, #tpu.memory_space<vmem>>
          %dma_start3A_123 = tpu.memref_slice %arg3[%add3A_114] : memref<14155776xf32, #tpu.memory_space<hbm>> -> memref<24576xf32, #tpu.memory_space<hbm>>
          tpu.enqueue_dma source(%dma_start3A_123 : memref<24576xf32, #tpu.memory_space<hbm>>) target(%dma_start3A_122 : memref<24576xf32, #tpu.memory_space<vmem>>) target_semaphore(%arg11 : memref<!tpu.dma_semaphore, #tpu.memory_space<semaphore_mem>>)
        } else {
        }
      } else {
      }
    }
    %scan3A_75 = arith.constant 9 : i32
    %run_scoped3A = arith.constant 0 : i32
    "tpu.region"() ({
      %run_scoped3A_77 = tpu.sem_alloc : memref<!tpu.dma_semaphore, #tpu.memory_space<semaphore_mem>>
      %dma_start3A_78 = arith.constant 0 : i32
      %dma_start3A_79 = arith.constant 0 : i32
      %dma_start3A_80 = tpu.memref_slice %arg5[%run_scoped3A, %add3A, %dma_start3A_78, %dma_start3A_79] : memref<2x32x256x16xf32, #tpu.memory_space<hbm>> -> memref<1x1x256x16xf32, #tpu.memory_space<hbm>>
      %dma_start3A_81 = tpu.memref_squeeze %dma_start3A_80 : memref<1x1x256x16xf32, #tpu.memory_space<hbm>> -> memref<256x16xf32, #tpu.memory_space<hbm>>
      %dma_start3A_82 = arith.constant 0 : i32
      %dma_start3A_83 = arith.constant 0 : i32
      %dma_start3A_84 = tpu.memref_slice %arg5[%run_scoped3A, %add3A, %dma_start3A_82, %dma_start3A_83] : memref<2x32x256x16xf32, #tpu.memory_space<hbm>> -> memref<1x1x256x16xf32, #tpu.memory_space<hbm>>
      %dma_start3A_85 = tpu.memref_squeeze %dma_start3A_84 : memref<1x1x256x16xf32, #tpu.memory_space<hbm>> -> memref<256x16xf32, #tpu.memory_space<hbm>>
      tpu.enqueue_dma source(%arg7 : memref<256x16xf32, #tpu.memory_space<vmem>>) target(%dma_start3A_85 : memref<256x16xf32, #tpu.memory_space<hbm>>) target_semaphore(%run_scoped3A_77 : memref<!tpu.dma_semaphore, #tpu.memory_space<semaphore_mem>>)
      %dma_wait3A = arith.constant 0 : i32
      %dma_wait3A_86 = arith.constant 0 : i32
      %dma_wait3A_87 = tpu.memref_slice %arg5[%run_scoped3A, %add3A, %dma_wait3A, %dma_wait3A_86] : memref<2x32x256x16xf32, #tpu.memory_space<hbm>> -> memref<1x1x256x16xf32, #tpu.memory_space<hbm>>
      %dma_wait3A_88 = tpu.memref_squeeze %dma_wait3A_87 : memref<1x1x256x16xf32, #tpu.memory_space<hbm>> -> memref<256x16xf32, #tpu.memory_space<hbm>>
      %dma_wait3A_89 = arith.constant 0 : i32
      %dma_wait3A_90 = arith.constant 0 : i32
      %dma_wait3A_91 = tpu.memref_slice %arg5[%run_scoped3A, %add3A, %dma_wait3A_89, %dma_wait3A_90] : memref<2x32x256x16xf32, #tpu.memory_space<hbm>> -> memref<1x1x256x16xf32, #tpu.memory_space<hbm>>
      %dma_wait3A_92 = tpu.memref_squeeze %dma_wait3A_91 : memref<1x1x256x16xf32, #tpu.memory_space<hbm>> -> memref<256x16xf32, #tpu.memory_space<hbm>>
      tpu.wait_dma2 semaphore(%run_scoped3A_77 : memref<!tpu.dma_semaphore, #tpu.memory_space<semaphore_mem>>) src(%arg7 : memref<256x16xf32, #tpu.memory_space<vmem>>) dst(%dma_wait3A_92 : memref<256x16xf32, #tpu.memory_space<hbm>>)
      tpu.yield
    }) : () -> ()
    %run_scoped3A_76 = arith.constant 1 : i32
    "tpu.region"() ({
      %run_scoped3A_77 = tpu.sem_alloc : memref<!tpu.dma_semaphore, #tpu.memory_space<semaphore_mem>>
      %dma_start3A_78 = arith.constant 0 : i32
      %dma_start3A_79 = arith.constant 0 : i32
      %dma_start3A_80 = tpu.memref_slice %arg5[%run_scoped3A_76, %add3A, %dma_start3A_78, %dma_start3A_79] : memref<2x32x256x16xf32, #tpu.memory_space<hbm>> -> memref<1x1x256x16xf32, #tpu.memory_space<hbm>>
      %dma_start3A_81 = tpu.memref_squeeze %dma_start3A_80 : memref<1x1x256x16xf32, #tpu.memory_space<hbm>> -> memref<256x16xf32, #tpu.memory_space<hbm>>
      %dma_start3A_82 = arith.constant 0 : i32
      %dma_start3A_83 = arith.constant 0 : i32
      %dma_start3A_84 = tpu.memref_slice %arg5[%run_scoped3A_76, %add3A, %dma_start3A_82, %dma_start3A_83] : memref<2x32x256x16xf32, #tpu.memory_space<hbm>> -> memref<1x1x256x16xf32, #tpu.memory_space<hbm>>
      %dma_start3A_85 = tpu.memref_squeeze %dma_start3A_84 : memref<1x1x256x16xf32, #tpu.memory_space<hbm>> -> memref<256x16xf32, #tpu.memory_space<hbm>>
      tpu.enqueue_dma source(%arg8 : memref<256x16xf32, #tpu.memory_space<vmem>>) target(%dma_start3A_85 : memref<256x16xf32, #tpu.memory_space<hbm>>) target_semaphore(%run_scoped3A_77 : memref<!tpu.dma_semaphore, #tpu.memory_space<semaphore_mem>>)
      %dma_wait3A = arith.constant 0 : i32
      %dma_wait3A_86 = arith.constant 0 : i32
      %dma_wait3A_87 = tpu.memref_slice %arg5[%run_scoped3A_76, %add3A, %dma_wait3A, %dma_wait3A_86] : memref<2x32x256x16xf32, #tpu.memory_space<hbm>> -> memref<1x1x256x16xf32, #tpu.memory_space<hbm>>
      %dma_wait3A_88 = tpu.memref_squeeze %dma_wait3A_87 : memref<1x1x256x16xf32, #tpu.memory_space<hbm>> -> memref<256x16xf32, #tpu.memory_space<hbm>>
      %dma_wait3A_89 = arith.constant 0 : i32
      %dma_wait3A_90 = arith.constant 0 : i32
      %dma_wait3A_91 = tpu.memref_slice %arg5[%run_scoped3A_76, %add3A, %dma_wait3A_89, %dma_wait3A_90] : memref<2x32x256x16xf32, #tpu.memory_space<hbm>> -> memref<1x1x256x16xf32, #tpu.memory_space<hbm>>
      %dma_wait3A_92 = tpu.memref_squeeze %dma_wait3A_91 : memref<1x1x256x16xf32, #tpu.memory_space<hbm>> -> memref<256x16xf32, #tpu.memory_space<hbm>>
      tpu.wait_dma2 semaphore(%run_scoped3A_77 : memref<!tpu.dma_semaphore, #tpu.memory_space<semaphore_mem>>) src(%arg8 : memref<256x16xf32, #tpu.memory_space<vmem>>) dst(%dma_wait3A_92 : memref<256x16xf32, #tpu.memory_space<hbm>>)
      tpu.yield
    }) : () -> ()
    return
  }
}

module attributes {stable_mosaic.version = 14 : i64} {
  func.func @_stats_body(%arg0: i32, %arg1: memref<1152x768xf32, #tpu.memory_space<vmem>>, %arg2: memref<1x1xf32, #tpu.memory_space<vmem>>, %arg3: memref<1x1xf32, #tpu.memory_space<vmem>>, %arg4: memref<1x1xf32, #tpu.memory_space<vmem>>) attributes {dimension_semantics = [#tpu.dimension_semantics<arbitrary>], iteration_bounds = array<i64: 8>, scalar_prefetch = 0 : i64, scratch_operands = 0 : i64, tpu.core_type = #tpu.core_type<tc>, window_params = [{transform_indices = @transform_0, window_bounds = array<i64: 1152, 768>}, {pipeline_mode = #tpu.pipeline_mode<synchronous>, transform_indices = @transform_1, window_bounds = array<i64: 1, 1>}, {pipeline_mode = #tpu.pipeline_mode<synchronous>, transform_indices = @transform_2, window_bounds = array<i64: 1, 1>}, {pipeline_mode = #tpu.pipeline_mode<synchronous>, transform_indices = @transform_3, window_bounds = array<i64: 1, 1>}]} {
    %get3A = arith.constant 0 : index
    %get3A_0 = arith.constant 0 : index
    %get3A_1 = vector.load %arg1[%get3A, %get3A_0] : memref<1152x768xf32, #tpu.memory_space<vmem>>, vector<1152x768xf32>
    %reduce_min3A = vector.shape_cast %get3A_1 : vector<1152x768xf32> to vector<1x1152x768xf32>
    %reduce_min3A_2 = arith.constant dense<0x7F800000> : vector<1xf32>
    %reduce_min3A_3 = vector.multi_reduction <minimumf>, %reduce_min3A, %reduce_min3A_2 [1, 2] : vector<1x1152x768xf32> to vector<1xf32>
    %reduce_min3A_4 = vector.shape_cast %reduce_min3A_3 : vector<1xf32> to vector<1x1x1xf32>
    %reduce_min3A_5 = vector.extract %reduce_min3A_4[0, 0, 0] : f32 from vector<1x1x1xf32>
    %broadcast_in_dim3A = vector.broadcast %reduce_min3A_5 : f32 to vector<1x1xf32>
    %reduce_max3A = vector.shape_cast %get3A_1 : vector<1152x768xf32> to vector<1x1152x768xf32>
    %reduce_max3A_6 = arith.constant dense<0xFF800000> : vector<1xf32>
    %reduce_max3A_7 = vector.multi_reduction <maximumf>, %reduce_max3A, %reduce_max3A_6 [1, 2] : vector<1x1152x768xf32> to vector<1xf32>
    %reduce_max3A_8 = vector.shape_cast %reduce_max3A_7 : vector<1xf32> to vector<1x1x1xf32>
    %reduce_max3A_9 = vector.extract %reduce_max3A_8[0, 0, 0] : f32 from vector<1x1x1xf32>
    %broadcast_in_dim3A_10 = vector.broadcast %reduce_max3A_9 : f32 to vector<1x1xf32>
    %abs3A = math.absf %get3A_1 : vector<1152x768xf32>
    %reduce_sum3A = vector.shape_cast %abs3A : vector<1152x768xf32> to vector<1x1152x768xf32>
    %reduce_sum3A_11 = arith.constant dense<0.000000e+00> : vector<1xf32>
    %reduce_sum3A_12 = vector.multi_reduction <add>, %reduce_sum3A, %reduce_sum3A_11 [1, 2] : vector<1x1152x768xf32> to vector<1xf32>
    %reduce_sum3A_13 = vector.shape_cast %reduce_sum3A_12 : vector<1xf32> to vector<1x1x1xf32>
    %reduce_sum3A_14 = vector.extract %reduce_sum3A_13[0, 0, 0] : f32 from vector<1x1x1xf32>
    %broadcast_in_dim3A_15 = vector.broadcast %reduce_sum3A_14 : f32 to vector<1x1xf32>
    %eq3A = arith.constant 0 : i32
    %eq3A_16 = arith.cmpi eq, %arg0, %eq3A : i32
    %convert_element_type3A = arith.extui %eq3A_16 : i1 to i32
    %cond3A = arith.constant 0 : i32
    %cond3A_17 = arith.cmpi ne, %convert_element_type3A, %cond3A : i32
    scf.if %cond3A_17 {
      %swap3A = arith.constant 0 : index
      %swap3A_22 = arith.constant 0 : index
      %swap3A_23 = vector.load %arg2[%swap3A, %swap3A_22] : memref<1x1xf32, #tpu.memory_space<vmem>>, vector<1x1xf32>
      tpu.vector_store %arg2[%swap3A, %swap3A_22], %broadcast_in_dim3A {strides = array<i32>} : memref<1x1xf32, #tpu.memory_space<vmem>>, vector<1x1xf32>,
      %swap3A_24 = arith.constant 0 : index
      %swap3A_25 = arith.constant 0 : index
      %swap3A_26 = vector.load %arg3[%swap3A_24, %swap3A_25] : memref<1x1xf32, #tpu.memory_space<vmem>>, vector<1x1xf32>
      tpu.vector_store %arg3[%swap3A_24, %swap3A_25], %broadcast_in_dim3A_10 {strides = array<i32>} : memref<1x1xf32, #tpu.memory_space<vmem>>, vector<1x1xf32>,
      %swap3A_27 = arith.constant 0 : index
      %swap3A_28 = arith.constant 0 : index
      %swap3A_29 = vector.load %arg4[%swap3A_27, %swap3A_28] : memref<1x1xf32, #tpu.memory_space<vmem>>, vector<1x1xf32>
      tpu.vector_store %arg4[%swap3A_27, %swap3A_28], %broadcast_in_dim3A_15 {strides = array<i32>} : memref<1x1xf32, #tpu.memory_space<vmem>>, vector<1x1xf32>,
    } else {
    }
    %ne3A = arith.constant 0 : i32
    %ne3A_18 = arith.cmpi ne, %arg0, %ne3A : i32
    %convert_element_type3A_19 = arith.extui %ne3A_18 : i1 to i32
    %cond3A_20 = arith.constant 0 : i32
    %cond3A_21 = arith.cmpi ne, %convert_element_type3A_19, %cond3A_20 : i32
    scf.if %cond3A_21 {
      %get3A_22 = arith.constant 0 : index
      %get3A_23 = arith.constant 0 : index
      %get3A_24 = vector.load %arg2[%get3A_22, %get3A_23] : memref<1x1xf32, #tpu.memory_space<vmem>>, vector<1x1xf32>
      %min3A = arith.minimumf %get3A_24, %broadcast_in_dim3A : vector<1x1xf32>
      %swap3A = arith.constant 0 : index
      %swap3A_25 = arith.constant 0 : index
      %swap3A_26 = vector.load %arg2[%swap3A, %swap3A_25] : memref<1x1xf32, #tpu.memory_space<vmem>>, vector<1x1xf32>
      tpu.vector_store %arg2[%swap3A, %swap3A_25], %min3A {strides = array<i32>} : memref<1x1xf32, #tpu.memory_space<vmem>>, vector<1x1xf32>,
      %get3A_27 = arith.constant 0 : index
      %get3A_28 = arith.constant 0 : index
      %get3A_29 = vector.load %arg3[%get3A_27, %get3A_28] : memref<1x1xf32, #tpu.memory_space<vmem>>, vector<1x1xf32>
      %max3A = arith.maximumf %get3A_29, %broadcast_in_dim3A_10 : vector<1x1xf32>
      %swap3A_30 = arith.constant 0 : index
      %swap3A_31 = arith.constant 0 : index
      %swap3A_32 = vector.load %arg3[%swap3A_30, %swap3A_31] : memref<1x1xf32, #tpu.memory_space<vmem>>, vector<1x1xf32>
      tpu.vector_store %arg3[%swap3A_30, %swap3A_31], %max3A {strides = array<i32>} : memref<1x1xf32, #tpu.memory_space<vmem>>, vector<1x1xf32>,
      %get3A_33 = arith.constant 0 : index
      %get3A_34 = arith.constant 0 : index
      %get3A_35 = vector.load %arg4[%get3A_33, %get3A_34] : memref<1x1xf32, #tpu.memory_space<vmem>>, vector<1x1xf32>
      %add3A = arith.addf %get3A_35, %broadcast_in_dim3A_15 : vector<1x1xf32>
      %swap3A_36 = arith.constant 0 : index
      %swap3A_37 = arith.constant 0 : index
      %swap3A_38 = vector.load %arg4[%swap3A_36, %swap3A_37] : memref<1x1xf32, #tpu.memory_space<vmem>>, vector<1x1xf32>
      tpu.vector_store %arg4[%swap3A_36, %swap3A_37], %add3A {strides = array<i32>} : memref<1x1xf32, #tpu.memory_space<vmem>>, vector<1x1xf32>,
    } else {
    }
    return
  }
  func.func @transform_0(%arg0: i32) -> (i32, i32) {
    %c0_i32 = arith.constant 0 : i32
    %c0_i32_0 = arith.constant 0 : i32
    return %arg0, %c0_i32 : i32, i32
  }
  func.func @transform_1(%arg0: i32) -> (i32, i32) {
    %c0_i32 = arith.constant 0 : i32
    %c0_i32_0 = arith.constant 0 : i32
    %c0_i32_1 = arith.constant 0 : i32
    return %c0_i32, %c0_i32_0 : i32, i32
  }
  func.func @transform_2(%arg0: i32) -> (i32, i32) {
    %c0_i32 = arith.constant 0 : i32
    %c0_i32_0 = arith.constant 0 : i32
    %c0_i32_1 = arith.constant 0 : i32
    return %c0_i32, %c0_i32_0 : i32, i32
  }
  func.func @transform_3(%arg0: i32) -> (i32, i32) {
    %c0_i32 = arith.constant 0 : i32
    %c0_i32_0 = arith.constant 0 : i32
    %c0_i32_1 = arith.constant 0 : i32
    return %c0_i32, %c0_i32_0 : i32, i32
  }
}

module attributes {stable_mosaic.version = 14 : i64} {
  func.func @_stats_body(%arg0: i32, %arg1: memref<4608x384xf32, #tpu.memory_space<vmem>>, %arg2: memref<1x1xf32, #tpu.memory_space<vmem>>, %arg3: memref<1x1xf32, #tpu.memory_space<vmem>>, %arg4: memref<1x1xf32, #tpu.memory_space<vmem>>) attributes {dimension_semantics = [#tpu.dimension_semantics<arbitrary>], iteration_bounds = array<i64: 8>, scalar_prefetch = 0 : i64, scratch_operands = 0 : i64, tpu.core_type = #tpu.core_type<tc>, window_params = [{transform_indices = @transform_0, window_bounds = array<i64: 4608, 384>}, {pipeline_mode = #tpu.pipeline_mode<synchronous>, transform_indices = @transform_1, window_bounds = array<i64: 1, 1>}, {pipeline_mode = #tpu.pipeline_mode<synchronous>, transform_indices = @transform_2, window_bounds = array<i64: 1, 1>}, {pipeline_mode = #tpu.pipeline_mode<synchronous>, transform_indices = @transform_3, window_bounds = array<i64: 1, 1>}]} {
    %get3A = arith.constant 0 : index
    %get3A_0 = arith.constant 0 : index
    %get3A_1 = vector.load %arg1[%get3A, %get3A_0] : memref<4608x384xf32, #tpu.memory_space<vmem>>, vector<4608x384xf32>
    %reduce_min3A = vector.shape_cast %get3A_1 : vector<4608x384xf32> to vector<1x4608x384xf32>
    %reduce_min3A_2 = arith.constant dense<0x7F800000> : vector<1xf32>
    %reduce_min3A_3 = vector.multi_reduction <minimumf>, %reduce_min3A, %reduce_min3A_2 [1, 2] : vector<1x4608x384xf32> to vector<1xf32>
    %reduce_min3A_4 = vector.shape_cast %reduce_min3A_3 : vector<1xf32> to vector<1x1x1xf32>
    %reduce_min3A_5 = vector.extract %reduce_min3A_4[0, 0, 0] : f32 from vector<1x1x1xf32>
    %broadcast_in_dim3A = vector.broadcast %reduce_min3A_5 : f32 to vector<1x1xf32>
    %reduce_max3A = vector.shape_cast %get3A_1 : vector<4608x384xf32> to vector<1x4608x384xf32>
    %reduce_max3A_6 = arith.constant dense<0xFF800000> : vector<1xf32>
    %reduce_max3A_7 = vector.multi_reduction <maximumf>, %reduce_max3A, %reduce_max3A_6 [1, 2] : vector<1x4608x384xf32> to vector<1xf32>
    %reduce_max3A_8 = vector.shape_cast %reduce_max3A_7 : vector<1xf32> to vector<1x1x1xf32>
    %reduce_max3A_9 = vector.extract %reduce_max3A_8[0, 0, 0] : f32 from vector<1x1x1xf32>
    %broadcast_in_dim3A_10 = vector.broadcast %reduce_max3A_9 : f32 to vector<1x1xf32>
    %abs3A = math.absf %get3A_1 : vector<4608x384xf32>
    %reduce_sum3A = vector.shape_cast %abs3A : vector<4608x384xf32> to vector<1x4608x384xf32>
    %reduce_sum3A_11 = arith.constant dense<0.000000e+00> : vector<1xf32>
    %reduce_sum3A_12 = vector.multi_reduction <add>, %reduce_sum3A, %reduce_sum3A_11 [1, 2] : vector<1x4608x384xf32> to vector<1xf32>
    %reduce_sum3A_13 = vector.shape_cast %reduce_sum3A_12 : vector<1xf32> to vector<1x1x1xf32>
    %reduce_sum3A_14 = vector.extract %reduce_sum3A_13[0, 0, 0] : f32 from vector<1x1x1xf32>
    %broadcast_in_dim3A_15 = vector.broadcast %reduce_sum3A_14 : f32 to vector<1x1xf32>
    %eq3A = arith.constant 0 : i32
    %eq3A_16 = arith.cmpi eq, %arg0, %eq3A : i32
    %convert_element_type3A = arith.extui %eq3A_16 : i1 to i32
    %cond3A = arith.constant 0 : i32
    %cond3A_17 = arith.cmpi ne, %convert_element_type3A, %cond3A : i32
    scf.if %cond3A_17 {
      %swap3A = arith.constant 0 : index
      %swap3A_22 = arith.constant 0 : index
      %swap3A_23 = vector.load %arg2[%swap3A, %swap3A_22] : memref<1x1xf32, #tpu.memory_space<vmem>>, vector<1x1xf32>
      tpu.vector_store %arg2[%swap3A, %swap3A_22], %broadcast_in_dim3A {strides = array<i32>} : memref<1x1xf32, #tpu.memory_space<vmem>>, vector<1x1xf32>,
      %swap3A_24 = arith.constant 0 : index
      %swap3A_25 = arith.constant 0 : index
      %swap3A_26 = vector.load %arg3[%swap3A_24, %swap3A_25] : memref<1x1xf32, #tpu.memory_space<vmem>>, vector<1x1xf32>
      tpu.vector_store %arg3[%swap3A_24, %swap3A_25], %broadcast_in_dim3A_10 {strides = array<i32>} : memref<1x1xf32, #tpu.memory_space<vmem>>, vector<1x1xf32>,
      %swap3A_27 = arith.constant 0 : index
      %swap3A_28 = arith.constant 0 : index
      %swap3A_29 = vector.load %arg4[%swap3A_27, %swap3A_28] : memref<1x1xf32, #tpu.memory_space<vmem>>, vector<1x1xf32>
      tpu.vector_store %arg4[%swap3A_27, %swap3A_28], %broadcast_in_dim3A_15 {strides = array<i32>} : memref<1x1xf32, #tpu.memory_space<vmem>>, vector<1x1xf32>,
    } else {
    }
    %ne3A = arith.constant 0 : i32
    %ne3A_18 = arith.cmpi ne, %arg0, %ne3A : i32
    %convert_element_type3A_19 = arith.extui %ne3A_18 : i1 to i32
    %cond3A_20 = arith.constant 0 : i32
    %cond3A_21 = arith.cmpi ne, %convert_element_type3A_19, %cond3A_20 : i32
    scf.if %cond3A_21 {
      %get3A_22 = arith.constant 0 : index
      %get3A_23 = arith.constant 0 : index
      %get3A_24 = vector.load %arg2[%get3A_22, %get3A_23] : memref<1x1xf32, #tpu.memory_space<vmem>>, vector<1x1xf32>
      %min3A = arith.minimumf %get3A_24, %broadcast_in_dim3A : vector<1x1xf32>
      %swap3A = arith.constant 0 : index
      %swap3A_25 = arith.constant 0 : index
      %swap3A_26 = vector.load %arg2[%swap3A, %swap3A_25] : memref<1x1xf32, #tpu.memory_space<vmem>>, vector<1x1xf32>
      tpu.vector_store %arg2[%swap3A, %swap3A_25], %min3A {strides = array<i32>} : memref<1x1xf32, #tpu.memory_space<vmem>>, vector<1x1xf32>,
      %get3A_27 = arith.constant 0 : index
      %get3A_28 = arith.constant 0 : index
      %get3A_29 = vector.load %arg3[%get3A_27, %get3A_28] : memref<1x1xf32, #tpu.memory_space<vmem>>, vector<1x1xf32>
      %max3A = arith.maximumf %get3A_29, %broadcast_in_dim3A_10 : vector<1x1xf32>
      %swap3A_30 = arith.constant 0 : index
      %swap3A_31 = arith.constant 0 : index
      %swap3A_32 = vector.load %arg3[%swap3A_30, %swap3A_31] : memref<1x1xf32, #tpu.memory_space<vmem>>, vector<1x1xf32>
      tpu.vector_store %arg3[%swap3A_30, %swap3A_31], %max3A {strides = array<i32>} : memref<1x1xf32, #tpu.memory_space<vmem>>, vector<1x1xf32>,
      %get3A_33 = arith.constant 0 : index
      %get3A_34 = arith.constant 0 : index
      %get3A_35 = vector.load %arg4[%get3A_33, %get3A_34] : memref<1x1xf32, #tpu.memory_space<vmem>>, vector<1x1xf32>
      %add3A = arith.addf %get3A_35, %broadcast_in_dim3A_15 : vector<1x1xf32>
      %swap3A_36 = arith.constant 0 : index
      %swap3A_37 = arith.constant 0 : index
      %swap3A_38 = vector.load %arg4[%swap3A_36, %swap3A_37] : memref<1x1xf32, #tpu.memory_space<vmem>>, vector<1x1xf32>
      tpu.vector_store %arg4[%swap3A_36, %swap3A_37], %add3A {strides = array<i32>} : memref<1x1xf32, #tpu.memory_space<vmem>>, vector<1x1xf32>,
    } else {
    }
    return
  }
  func.func @transform_0(%arg0: i32) -> (i32, i32) {
    %c0_i32 = arith.constant 0 : i32
    %c0_i32_0 = arith.constant 0 : i32
    return %arg0, %c0_i32 : i32, i32
  }
  func.func @transform_1(%arg0: i32) -> (i32, i32) {
    %c0_i32 = arith.constant 0 : i32
    %c0_i32_0 = arith.constant 0 : i32
    %c0_i32_1 = arith.constant 0 : i32
    return %c0_i32, %c0_i32_0 : i32, i32
  }
  func.func @transform_2(%arg0: i32) -> (i32, i32) {
    %c0_i32 = arith.constant 0 : i32
    %c0_i32_0 = arith.constant 0 : i32
    %c0_i32_1 = arith.constant 0 : i32
    return %c0_i32, %c0_i32_0 : i32, i32
  }
  func.func @transform_3(%arg0: i32) -> (i32, i32) {
    %c0_i32 = arith.constant 0 : i32
    %c0_i32_0 = arith.constant 0 : i32
    %c0_i32_1 = arith.constant 0 : i32
    return %c0_i32, %c0_i32_0 : i32, i32
  }
}

module attributes {stable_mosaic.version = 14 : i64} {
  func.func @_finish_body(%arg0: memref<1x256x512xf32, #tpu.memory_space<vmem>>, %arg1: memref<2x256x512xf32, #tpu.memory_space<vmem>>, %arg2: memref<1x3xf32, #tpu.memory_space<vmem>>, %arg3: memref<1x1xf32, #tpu.memory_space<vmem>>) attributes {dimension_semantics = [], scalar_prefetch = 0 : i64, scratch_operands = 0 : i64, tpu.core_type = #tpu.core_type<tc>} {
    %get3A = arith.constant 0 : index
    %get3A_0 = arith.constant 0 : index
    %get3A_1 = arith.constant 0 : index
    %get3A_2 = vector.load %arg1[%get3A, %get3A_0, %get3A_1] : memref<2x256x512xf32, #tpu.memory_space<vmem>>, vector<1x256x512xf32>
    %get3A_3 = vector.shape_cast %get3A_2 : vector<1x256x512xf32> to vector<256x512xf32>
    %reduce_sum3A = arith.constant dense<0.000000e+00> : vector<256xf32>
    %reduce_sum3A_4 = vector.multi_reduction <add>, %get3A_3, %reduce_sum3A [1] : vector<256x512xf32> to vector<256xf32>
    %broadcast_in_dim3A = vector.shape_cast %reduce_sum3A_4 : vector<256xf32> to vector<256x1xf32>
    %div3A = arith.constant 0x4AD80000 : f32
    %div3A_5 = vector.broadcast %div3A : f32 to vector<256x1xf32>
    %div3A_6 = arith.divf %broadcast_in_dim3A, %div3A_5 : vector<256x1xf32>
    %add3A = arith.constant 9.99999993E-9 : f32
    %add3A_7 = vector.broadcast %add3A : f32 to vector<256x1xf32>
    %add3A_8 = arith.addf %div3A_6, %add3A_7 : vector<256x1xf32>
    %log3A = math.log %add3A_8 : vector<256x1xf32>
    %log3A_9 = arith.constant 2.000000e+00 : f32
    %log3A_10 = math.log %log3A_9 : f32
    %div3A_11 = vector.broadcast %log3A_10 : f32 to vector<256x1xf32>
    %div3A_12 = arith.divf %log3A, %div3A_11 : vector<256x1xf32>
    %mul3A = arith.mulf %div3A_6, %div3A_12 : vector<256x1xf32>
    %reduce_sum3A_13 = vector.shape_cast %mul3A : vector<256x1xf32> to vector<1x256x1xf32>
    %reduce_sum3A_14 = arith.constant dense<0.000000e+00> : vector<1xf32>
    %reduce_sum3A_15 = vector.multi_reduction <add>, %reduce_sum3A_13, %reduce_sum3A_14 [1, 2] : vector<1x256x1xf32> to vector<1xf32>
    %reduce_sum3A_16 = vector.shape_cast %reduce_sum3A_15 : vector<1xf32> to vector<1x1x1xf32>
    %reduce_sum3A_17 = vector.extract %reduce_sum3A_16[0, 0, 0] : f32 from vector<1x1x1xf32>
    %neg3A = arith.constant 0.000000e+00 : f32
    %neg3A_18 = arith.subf %neg3A, %reduce_sum3A_17 : f32
    %add3A_19 = arith.constant 0.000000e+00 : f32
    %add3A_20 = arith.addf %add3A_19, %neg3A_18 : f32
    %get3A_21 = arith.constant 0 : index
    %get3A_22 = arith.constant 0 : index
    %get3A_23 = vector.load %arg2[%get3A_21, %get3A_22] : memref<1x3xf32, #tpu.memory_space<vmem>>, vector<1x1xf32>
    %get3A_24 = vector.extract %get3A_23[0, 0] : f32 from vector<1x1xf32>
    %div3A_25 = arith.constant 0x4AD80000 : f32
    %div3A_26 = arith.divf %get3A_24, %div3A_25 : f32
    %add3A_27 = arith.constant 0.000000e+00 : f32
    %add3A_28 = arith.addf %add3A_27, %div3A_26 : f32
    %get3A_29 = arith.constant 1 : index
    %get3A_30 = arith.constant 0 : index
    %get3A_31 = arith.constant 0 : index
    %get3A_32 = vector.load %arg1[%get3A_29, %get3A_30, %get3A_31] : memref<2x256x512xf32, #tpu.memory_space<vmem>>, vector<1x256x512xf32>
    %get3A_33 = vector.shape_cast %get3A_32 : vector<1x256x512xf32> to vector<256x512xf32>
    %reduce_sum3A_34 = arith.constant dense<0.000000e+00> : vector<256xf32>
    %reduce_sum3A_35 = vector.multi_reduction <add>, %get3A_33, %reduce_sum3A_34 [1] : vector<256x512xf32> to vector<256xf32>
    %broadcast_in_dim3A_36 = vector.shape_cast %reduce_sum3A_35 : vector<256xf32> to vector<256x1xf32>
    %div3A_37 = arith.constant 0x4B580000 : f32
    %div3A_38 = vector.broadcast %div3A_37 : f32 to vector<256x1xf32>
    %div3A_39 = arith.divf %broadcast_in_dim3A_36, %div3A_38 : vector<256x1xf32>
    %add3A_40 = arith.constant 9.99999993E-9 : f32
    %add3A_41 = vector.broadcast %add3A_40 : f32 to vector<256x1xf32>
    %add3A_42 = arith.addf %div3A_39, %add3A_41 : vector<256x1xf32>
    %log3A_43 = math.log %add3A_42 : vector<256x1xf32>
    %log3A_44 = arith.constant 2.000000e+00 : f32
    %log3A_45 = math.log %log3A_44 : f32
    %div3A_46 = vector.broadcast %log3A_45 : f32 to vector<256x1xf32>
    %div3A_47 = arith.divf %log3A_43, %div3A_46 : vector<256x1xf32>
    %mul3A_48 = arith.mulf %div3A_39, %div3A_47 : vector<256x1xf32>
    %reduce_sum3A_49 = vector.shape_cast %mul3A_48 : vector<256x1xf32> to vector<1x256x1xf32>
    %reduce_sum3A_50 = arith.constant dense<0.000000e+00> : vector<1xf32>
    %reduce_sum3A_51 = vector.multi_reduction <add>, %reduce_sum3A_49, %reduce_sum3A_50 [1, 2] : vector<1x256x1xf32> to vector<1xf32>
    %reduce_sum3A_52 = vector.shape_cast %reduce_sum3A_51 : vector<1xf32> to vector<1x1x1xf32>
    %reduce_sum3A_53 = vector.extract %reduce_sum3A_52[0, 0, 0] : f32 from vector<1x1x1xf32>
    %neg3A_54 = arith.constant 0.000000e+00 : f32
    %neg3A_55 = arith.subf %neg3A_54, %reduce_sum3A_53 : f32
    %add3A_56 = arith.addf %add3A_20, %neg3A_55 : f32
    %get3A_57 = arith.constant 0 : index
    %get3A_58 = arith.constant 1 : index
    %get3A_59 = vector.load %arg2[%get3A_57, %get3A_58] : memref<1x3xf32, #tpu.memory_space<vmem>>, vector<1x1xf32>
    %get3A_60 = vector.extract %get3A_59[0, 0] : f32 from vector<1x1xf32>
    %div3A_61 = arith.constant 0x4B580000 : f32
    %div3A_62 = arith.divf %get3A_60, %div3A_61 : f32
    %add3A_63 = arith.addf %add3A_28, %div3A_62 : f32
    %get3A_64 = arith.constant 0 : index
    %get3A_65 = arith.constant 0 : index
    %get3A_66 = arith.constant 0 : index
    %get3A_67 = vector.load %arg0[%get3A_64, %get3A_65, %get3A_66] : memref<1x256x512xf32, #tpu.memory_space<vmem>>, vector<1x256x512xf32>
    %get3A_68 = vector.shape_cast %get3A_67 : vector<1x256x512xf32> to vector<256x512xf32>
    %reduce_sum3A_69 = arith.constant dense<0.000000e+00> : vector<256xf32>
    %reduce_sum3A_70 = vector.multi_reduction <add>, %get3A_68, %reduce_sum3A_69 [1] : vector<256x512xf32> to vector<256xf32>
    %broadcast_in_dim3A_71 = vector.shape_cast %reduce_sum3A_70 : vector<256xf32> to vector<256x1xf32>
    %div3A_72 = arith.constant 0x4BD80000 : f32
    %div3A_73 = vector.broadcast %div3A_72 : f32 to vector<256x1xf32>
    %div3A_74 = arith.divf %broadcast_in_dim3A_71, %div3A_73 : vector<256x1xf32>
    %add3A_75 = arith.constant 9.99999993E-9 : f32
    %add3A_76 = vector.broadcast %add3A_75 : f32 to vector<256x1xf32>
    %add3A_77 = arith.addf %div3A_74, %add3A_76 : vector<256x1xf32>
    %log3A_78 = math.log %add3A_77 : vector<256x1xf32>
    %log3A_79 = arith.constant 2.000000e+00 : f32
    %log3A_80 = math.log %log3A_79 : f32
    %div3A_81 = vector.broadcast %log3A_80 : f32 to vector<256x1xf32>
    %div3A_82 = arith.divf %log3A_78, %div3A_81 : vector<256x1xf32>
    %mul3A_83 = arith.mulf %div3A_74, %div3A_82 : vector<256x1xf32>
    %reduce_sum3A_84 = vector.shape_cast %mul3A_83 : vector<256x1xf32> to vector<1x256x1xf32>
    %reduce_sum3A_85 = arith.constant dense<0.000000e+00> : vector<1xf32>
    %reduce_sum3A_86 = vector.multi_reduction <add>, %reduce_sum3A_84, %reduce_sum3A_85 [1, 2] : vector<1x256x1xf32> to vector<1xf32>
    %reduce_sum3A_87 = vector.shape_cast %reduce_sum3A_86 : vector<1xf32> to vector<1x1x1xf32>
    %reduce_sum3A_88 = vector.extract %reduce_sum3A_87[0, 0, 0] : f32 from vector<1x1x1xf32>
    %neg3A_89 = arith.constant 0.000000e+00 : f32
    %neg3A_90 = arith.subf %neg3A_89, %reduce_sum3A_88 : f32
    %add3A_91 = arith.addf %add3A_56, %neg3A_90 : f32
    %get3A_92 = arith.constant 0 : index
    %get3A_93 = arith.constant 2 : index
    %get3A_94 = vector.load %arg2[%get3A_92, %get3A_93] : memref<1x3xf32, #tpu.memory_space<vmem>>, vector<1x1xf32>
    %get3A_95 = vector.extract %get3A_94[0, 0] : f32 from vector<1x1xf32>
    %div3A_96 = arith.constant 0x4BD80000 : f32
    %div3A_97 = arith.divf %get3A_95, %div3A_96 : f32
    %add3A_98 = arith.addf %add3A_63, %div3A_97 : f32
    %div3A_99 = arith.constant 3.000000e+00 : f32
    %div3A_100 = arith.divf %add3A_98, %div3A_99 : f32
    %div3A_101 = arith.constant 3.000000e+00 : f32
    %div3A_102 = arith.divf %add3A_91, %div3A_101 : f32
    %mul3A_103 = arith.constant 1.000000e-01 : f32
    %mul3A_104 = arith.mulf %mul3A_103, %div3A_102 : f32
    %add3A_105 = arith.addf %div3A_100, %mul3A_104 : f32
    %reshape3A = vector.broadcast %add3A_105 : f32 to vector<1x1xf32>
    %swap3A = arith.constant 0 : index
    %swap3A_106 = arith.constant 0 : index
    %swap3A_107 = vector.load %arg3[%swap3A, %swap3A_106] : memref<1x1xf32, #tpu.memory_space<vmem>>, vector<1x1xf32>
    tpu.vector_store %arg3[%swap3A, %swap3A_106], %reshape3A {strides = array<i32>} : memref<1x1xf32, #tpu.memory_space<vmem>>, vector<1x1xf32>,
    return
  }
}

</mosaic_0001>

<sc_bundles>
// kernel: kernel.11.cloned.1.call-start
scs
__scs_entry_jumppad:
0x0: {  	(pc) =	sbr.rel $0x88, $3  }
0x1: {  	(tag) =	ssettag $0x0;
	lr =	simm.s32 $0x1  }
0x2: {  	[smem:$0x3F9E] =	sst lr;
	_ =	strace $0xD0000000  }
0x3: {  	_ = 	snop  }
0x4: {  	_ = 	snop  }
0x5: {  	_ = 	snop  }
0x6: {  	_ = 	snop  }
0x7: {  	_ = 	snop  }
__scs_overlays_trampoline_lowered:
0x8: {  	[smem:$0x3FAD] =	sst s0  }
0x9: {  	[smem:$0x3FAE] =	sst s1  }
0xa: {  	[smem:$0x3FAF] =	sst s2  }
0xb: {  	[smem:$0x3FB0] =	sst s3  }
0xc: {  	[smem:$0x3FB1] =	sst s4  }
0xd: {  	[smem:$0x3FB2] =	sst s5  }
0xe: {  	[smem:$0x3FB3] =	sst s6  }
0xf: {  	[smem:$0x3FB4] =	sst s7  }
0x10: {  	[smem:$0x3FB5] =	sst s8  }
0x11: {  	[smem:$0x3FB6] =	sst s9;
	s0 =	simm.s32 @!p0 $0x0  }
0x12: {  	s1 =	sld [smem:$0x3F9C];
	s0 =	simm.s32 @p0 $0x1  }
0x13: {  	[smem:$0x3FB7] =	sst s0;
	s0 =	simm.s32 @!p1 $0x0  }
0x14: {  	s2 =	sld [smem:$0x3F9B];
	s0 =	simm.s32 @p1 $0x1  }
0x15: {  	[smem:$0x3FB8] =	sst s0;
	s0 =	simm.s32 @!p2 $0x0  }
0x16: {  	s3 =	sld [smem:$0x3FDB];
	s0 =	simm.s32 @p2 $0x1  }
0x17: {  	s4 =	simm.s32 $0x1BF5;
	[smem:$0x3FBA] =	sst s0  }
0x18: {  	s0 =	sld [smem:$0x3F9D];
	_ =	swait.ge [sflag:s4], $0x0  }
0x19: {  	s7 =	sld [smem:$0x3F9E]  }
0x1a: {  	s8 =	sadd.s32 $0xFFFFE003, lr  }
0x1b: {  	s9 =	sadd.s32 $0xFFFFFEF7, lr;
	s5 =	simm.s32 $0xFFFFFFFF;
	p2 =	slt.u32 s8, $0xFFFFF086  }
0x1c: {  	p1 =	slt.u32 s9, $0xF7A;
	s5 =	simm.s32 @!p2 $0x0  }
0x1d: {  	s5 =	simm.s32 @p1 $0x1;
	p0 =	seq.s32 s7, s2  }
0x1e: {  	s7 =	smul.u32 @!p0 $0xF7A, s2;
	p2 =	seq.s32 @!p0 s5, $0x0  }
0x1f: {  	s9 =	smul.u32 $0xF7A, s1;
	s8 =	simm.s32 @!p0 $0x1BF5;
	p2 =	por !p2, p0  }
0x20: {  	[sflag:s8] =	ssyncset.s32 @!p0 $0xFFFFF086;
	s6 =	sadd.s32 @!p0 s3, s7;
	s7 =	simm.s32 @!p0 $0x108  }
0x21: {  	s3 =	sadd.s32 s3, s9;
	s6 =	sadd.s32 @!p0 $0x88, s6;
	s7 =	simm.s32 @p2 $0x1082  }
0x22: {  	[simem:s7], [sflag:s8] =	dma.local @!p0 [hbm:s6], $0xF7A  }
0x23: {  	s9 =	sor.u32 $0xD0000000, s2;
	s6 =	simm.s32 $0x108;
	_ =	swait.ge @!p0 [sflag:s8], $0x0  }
0x24: {  	s3 =	sadd.s32 $0x88, s3;
	s6 =	simm.s32 @!p1 $0x1082;
	[sflag:s4] =	ssyncset.s32 $0xFFFFF086  }
0x25: {  	[simem:s6], [sflag:s4] =	dma.local [hbm:s3], $0xF7A  }
0x26: {  	[smem:$0x3F9E] =	sst s1;
	(tag) =	ssettag s2;
	_ =	strace s9  }
0x27: {  	s1 =	sld [smem:$0x3FAE]  }
0x28: {  	s2 =	sld [smem:$0x3FAF]  }
0x29: {  	s4 =	sld [smem:$0x3FB1]  }
0x2a: {  	p0 =	seq.s32 s5, $0x0;
	s5 =	sld [smem:$0x3FB2]  }
0x2b: {  	s6 =	sld [smem:$0x3FB3]  }
0x2c: {  	s7 =	sld [smem:$0x3FB4]  }
0x2d: {  	s3 =	simm.s32 $0x108;
	s8 =	sld [smem:$0x3FB5]  }
0x2e: {  	s3 =	simm.s32 @!p0 $0x1082;
	s9 =	sld [smem:$0x3FB6]  }
0x2f: {  	lr =	sadd.s32 s0, s3;
	s0 =	sld [smem:$0x3FAD]  }
0x30: {  	s3 =	sld [smem:$0x3FB0]  }
0x31: {  	[smem:$0x3FB9] =	sst s10  }
0x32: {  	s10 =	sld [smem:$0x3FB7];
	_ =	sdelay $0x3  }
0x33: {  	p0 =	seq.s32 s10, $0x1;
	s10 =	sld [smem:$0x3FB9];
	_ =	sdelay $0x3  }
0x34: {  	[smem:$0x3FB9] =	sst s10  }
0x35: {  	s10 =	sld [smem:$0x3FB8];
	_ =	sdelay $0x3  }
0x36: {  	p1 =	seq.s32 s10, $0x1;
	s10 =	sld [smem:$0x3FB9];
	_ =	sdelay $0x3  }
0x37: {  	[smem:$0x3FB9] =	sst s10  }
0x38: {  	s10 =	sld [smem:$0x3FBA]  }
0x39: {  	_ = 	snop;
	(pc) =	sbr.ind lr, $3  }
0x3a: {  	_ = 	snop  }
0x3b: {  	_ = 	snop  }
0x3c: {  	p2 =	seq.s32 s10, $0x1;
	s10 =	sld [smem:$0x3FB9]  }
0x3d: {  	_ =	shalt  }
0x3e: {  	_ =	shalt  }
0x3f: {  	_ =	shalt  }
0x40: {  	_ =	shalt  }
0x41: {  	_ =	shalt  }
0x42: {  	_ =	shalt  }
0x43: {  	_ =	shalt  }
0x44: {  	_ =	shalt  }
0x45: {  	_ =	shalt  }
0x46: {  	_ =	shalt  }
0x47: {  	_ =	shalt  }
0x48: {  	_ =	shalt  }
0x49: {  	_ =	shalt  }
0x4a: {  	_ =	shalt  }
0x4b: {  	_ =	shalt  }
0x4c: {  	_ =	shalt  }
0x4d: {  	_ =	shalt  }
0x4e: {  	_ =	shalt  }
0x4f: {  	_ =	shalt  }
0x50: {  	_ =	shalt  }
0x51: {  	_ =	shalt  }
0x52: {  	_ =	shalt  }
0x53: {  	_ =	shalt  }
0x54: {  	_ =	shalt  }
0x55: {  	_ =	shalt  }
0x56: {  	_ =	shalt  }
0x57: {  	_ =	shalt  }
0x58: {  	_ =	shalt  }
0x59: {  	_ =	shalt  }
0x5a: {  	_ =	shalt  }
0x5b: {  	_ =	shalt  }
0x5c: {  	_ =	shalt  }
0x5d: {  	_ =	shalt  }
0x5e: {  	_ =	shalt  }
0x5f: {  	_ =	shalt  }
0x60: {  	_ =	shalt  }
0x61: {  	_ =	shalt  }
0x62: {  	_ =	shalt  }
0x63: {  	_ =	shalt  }
0x64: {  	_ =	shalt  }
0x65: {  	_ =	shalt  }
0x66: {  	_ =	shalt  }
0x67: {  	_ =	shalt  }
0x68: {  	_ =	shalt  }
0x69: {  	_ =	shalt  }
0x6a: {  	_ =	shalt  }
0x6b: {  	_ =	shalt  }
0x6c: {  	_ =	shalt  }
0x6d: {  	_ =	shalt  }
0x6e: {  	_ =	shalt  }
0x6f: {  	_ =	shalt  }
0x70: {  	_ =	shalt  }
0x71: {  	_ =	shalt  }
0x72: {  	_ =	shalt  }
0x73: {  	_ =	shalt  }
0x74: {  	_ =	shalt  }
0x75: {  	_ =	shalt  }
0x76: {  	_ =	shalt  }
0x77: {  	_ =	shalt  }
0x78: {  	_ =	shalt  }
0x79: {  	_ =	shalt  }
0x7a: {  	_ =	shalt  }
0x7b: {  	_ =	shalt  }
0x7c: {  	_ =	shalt  }
0x7d: {  	_ =	shalt  }
0x7e: {  	_ =	shalt  }
0x7f: {  	_ =	shalt  }
0x80: {  	_ =	shalt  }
0x81: {  	_ =	shalt  }
0x82: {  	_ =	shalt  }
0x83: {  	_ =	shalt  }
0x84: {  	_ =	shalt  }
0x85: {  	_ =	shalt  }
0x86: {  	_ =	shalt  }
0x87: {  	_ =	shalt  }
.Lfunc_end0:
.L_simem_size_0:
called_computation.1_lowered:
.L_overlay_start_0:
0x88: {  	s2 =	sld [smem:$0x3FD9]  }
0x89: {  	s3 =	sld [smem:$0x3FFE];
	_ =	sdelay $0x1  }
0x8a: {  	s1 =	srdreg.scid  }
0x8b: {  	s0 =	sand.u32 $0x1, s1  }
0x8c: {  	s16 =	sshll.u32 s0, $0xA;
	s2 =	sadd.s32 s3, s2  }
0x8d: {  	s2 =	sadd.s32 s2, s16  }
0x8e: {  	[smem:$0x3FC5] =	sst s2  }
0x8f: {  	_ = 	snop  }
0x90: {  	(tm) =	ssettm $0x1  }
0x91: {  	s17 =	sld [smem:$0x3FFB];
	_ =	sdelay $0x3  }
0x92: {  	_ =	strace s17  }
0x93: {  	s2 =	sld [smem:$0x3FFC];
	_ =	sdelay $0x3  }
0x94: {  	_ =	strace s2  }
0x95: {  	s2 =	sld [smem:$0x3FFD];
	_ =	sdelay $0x3  }
0x96: {  	_ =	strace s2  }
0x97: {  	_ =	strace $0x8FFFFFFF  }
0x98: {  	s18 =	sld [smem:$0x3FDB];
	_ =	sdelay $0x1  }
0x99: {  	s19 =	simm.s32 $_scs_section_size  }
0x9a: {  	s4 =	simm.s32 $_size__tile_overlayer_lowered;
	s5 =	simm.s32 $_tile_overlayer_lowered  }
0x9b: {  	s22 =	simm.s32 $0x1BFF;
	s21 =	sshll.u32 s5, $0x1;
	s2 =	sadd.s32 s19, s18  }
0x9c: {  	s6 =	simm.s32 $0x0;
	s20 =	sshll.u32 s4, $0x1;
	s4 =	sadd.s32 s21, s2  }
0x9d: {  	[timem:s6], [sflag:s22] =	dma.local [hbm:s4], s20  }
0x9e: {  	_ =	swait.ge [sflag:s22], s20  }
0x9f: {  	s3 =	ssub.s32 $0x0, s20;
	[sflag:s22] =	ssyncset.done $0x0  }
0xa0: {  	[sflag:s22] =	ssyncadd.s32 s3;
	_ =	sdelay $0x1  }
0xa1: {  	s23 =	simm.s32 $0x1B8B  }
0xa2: {  	_ =	swait.ge [sflag:s23], $0x1  }
0xa3: {  	[sflag:s23] =	ssyncset.done $0x0  }
0xa4: {  	s25 =	simm.s32 $0x1B8E;
	s24 =	sld [smem:$0x3FFE];
	[sflag:s23] =	ssyncadd.s32 $0xFFFFFFFF  }
0xa5: {  	s26 =	simm.s32 $execute0_lowered;
	[smem:$0x3FD2] =	sst s25  }
0xa6: {  	s4 =	sshll.u32 s26, $0x1;
	_ =	strace $0x80000049;
	[dreg:$0x1] =	wrdreg $0xFFFFFFFF  }
0xa7: {  	s28 =	simm.s32 $_size_execute0_lowered;
	s2 =	sadd.s32 s2, s4;
	[dreg:$0x0] =	wrdreg $0x0  }
0xa8: {  	s4 =	sshll.u32 s28, $0x1;
	[dreg:$0x2] =	wrdreg s2  }
0xa9: {  	[dreg:$0x3] =	wrdreg s4  }
0xaa: {  	[dreg:$0x4] =	wrdreg $0xC0  }
0xab: {  	_ =	task [dreg:s6], $0x5FFFF  }
0xac: {  	[dreg:$0x1] =	wrdreg $0xFFFFFFFF  }
0xad: {  	[dreg:$0x0] =	wrdreg $0x60  }
0xae: {  	[dreg:$0x2] =	wrdreg s24  }
0xaf: {  	[dreg:$0x3] =	wrdreg $0x9  }
0xb0: {  	_ =	task.clear_ibuf [dreg:s6], $0x4FFFF;
	_ =	strace $0x90000049  }
0xb1: {  	s29 =	simm.s32 $0x9;
	_ =	strace $0x8000004B  }
0xb2: {  	_ =	swait.ge [sflag:s29], $0x1  }
0xb3: {  	[sflag:s29] =	ssyncadd.s32 $0xFFFFFFFF  }
0xb4: {  	_ =	strace $0x9000004B  }
0xb5: {  	_ =	sfence  }
0xb6: {  	s30 =	sld [smem:$0x0];
	_ =	sdelay $0x2  }
0xb7: {  	s31 =	sshll.u32 s1, $0xD;
	s1 =	sshrl.u32 s1, $0x2  }
0xb8: {  	s3 =	sand.u32 $0x4000, s31;
	s1 =	sadd.s32 s1, s30  }
0xb9: {  	s0 =	sor.u32 s3, s0;
	s1 =	sshll.u32 s1, $0x11  }
0xba: {  	s0 =	sor.u32 s1, s0  }
0xbb: {  	s0 =	sadd.s32 $0x8F2B, s0  }
0xbc: {  	[sflag:s0] =	ssyncadd.remote.s32 $0x1  }
0xbd: {  	_ =	sfence.sel $0xFFFF  }
0xbe: {  	[dreg:$0x0] =	wrdreg $0xFFFFFFFF;
	(pc) =	sbr.abs _section_cstart, $3  }
0xbf: {  	[dreg:$0x1] =	wrdreg $0xFFFFFFFF  }
0xc0: {  	_ =	task.clear_ibuf [dreg:s6], $0x2FFFF;
	_ =	strace $0x9FFFFFFF  }
0xc1: {  	(tm) =	ssettm $0x7FFFFFFF  }
tec
execute0_lowered:
.L_overlay_start_1:
0x0: {  	(tag) =	ssettag $0x1  }
0x1: {  	s5 =	rddreg [dreg:$0x0]  }
0x2: {  	s0 =	rddreg [dreg:$0x1];
	s3 =	srdreg.scid  }
0x3: {  	s1 =	stileid.u32;
	s2 =	simm.s32 $0x0;
	s13 =	simm.s32 $0x6000  }
0x4: {  	s14 =	simm.s32 $0x1;
	s15 =	simm.s32 $0xC000;
	s16 =	simm.s32 $0x2  }
0x5: {  	s17 =	simm.s32 $0x0;
	s6 =	sand.u32 $0x1, s3;
	s31 =	sshll.u32 s1, $0x1  }
0x6: {  	[smem:$0x7FF] =	sst s2;
	s3 =	sadd.s32 $0x2000, s5;
	s7 =	sor.u32 s6, s31  }
0x7: {  	s4 =	sadd.s32 $0x362000, s5;
	s6 =	ssub.s32 $0x2, s6;
	s8 =	smul.u32 $0xD8000, s7  }
.Ltmp0:
0x8: {  	s7 =	sshll.u32 s7, $0x9;
	s9 =	sshrl.u32 s6, $0x1;
	(pc) =	sbr.rel .LBB2_1-.Ltmp0, $4  }
0x9: {  	_ =	strace $0x8000004A;
	s11 =	sadd.s32 s7, s5;
	s12 =	ssub.s32 s6, s9  }
0xa: {  	s10 =	sshrl.u32 s8, $0x3;
	s7 =	sadd.s32 $0xC000, s8;
	s8 =	sadd.s32 $0x12000, s8  }
0xb: {  	s9 =	sadd.s32 $0x362200, s11;
	s11 =	simm.s32 $0xD000;
	s5 =	sadd.s32 s3, s10  }
0xc: {  	v0 =	vimm.f32 $0.0e+00;
	v1 =	vlaneseq.u32;
	v2 =	vimm.f32 $1.000000000e+00;
	s10 =	smax.u32 s12, $0x1;
	s12 =	simm.s32 $0x3;
	s6 =	sadd.s32 $0xC00, s5  }
.LBB2_10:
0xd: {  	s17 =	sadd.s32 $0x1, s17  }
0xe: {  	p0 =	sne.s32 s17, s10  }
.Ltmp1:
0xf: {  	_ = 	snop;
	(pc) =	sbr.rel @!p0 .LBB2_11-.Ltmp1, $4  }
0x10: {  	[hbm4b:s9+s2] =	stream.linear.scatter [tilespmem:s15], [sflag:$0x3], $0x1000, $0x38;
	[tilespmem:$0xD020] =	vst v63  }
0x11: {  	_ =	swait.ge [sflag:s12], $0x1000  }
0x12: {  	[sflag:s12] =	ssyncset.done $0x0  }
0x13: {  	[sflag:s12] =	ssyncadd.s32 $0xFFFFF000  }
.LBB2_1:
0x14: {  	s18 =	simm.s32 $0x40;
	s19 =	simm.s32 $0x0  }
.LBB2_2:
0x15: {  	p0 =	sne.s32 s18, $0x3FC0;
	[tilespmem:s19+$0xC000] =	vst v0;
	s19 =	smov.u32 s18;
	s18 =	sadd.s32 $0x40, s18  }
.Ltmp2:
0x16: {  	(pc) =	sbr.rel @p0 .LBB2_2-.Ltmp2, $2  }
0x17: {  	_ =	sdelay $0x2  }
0x18: {  	s19 =	sshra.s32 s19, $0x2  }
0x19: {  	[tilespmem:s19+$0xC000] =	vst v0;
	s18 =	simm.s32 $0x0  }
0x1a: {  	[tilespmem:s11], [sflag:$0x3] =	stream.linear.gather [hbm4b:s4+s18], $0x20, $0x38;
	[tilespmem:$0xD020] =	vst v63  }
0x1b: {  	_ =	swait.ge [sflag:s12], $0x20  }
0x1c: {  	[sflag:s12] =	ssyncset.done $0x0  }
0x1d: {  	[sflag:s12] =	ssyncadd.s32 $0xFFFFFFE0  }
0x1e: {  	v3 =	vld [tilespmem:$0xD000]  }
0x1f: {  	v4 =	vld [tilespmem:$0xD010];
	[tilespmem:s18], [sflag:$0x1] =	stream.linear.gather [hbm4b:s5+s18], $0x6000, $0x38  }
0x20: {  	_ = 	snop  }
0x21: {  	[tilespmem:s13], [sflag:$0x2] =	stream.linear.gather [hbm4b:s6+s18], $0x6000, $0x38;
	[tilespmem:$0xD020] =	vst v63  }
.LBB2_4:
0x22: {  	_ =	swait.ge [sflag:s14], $0x6000  }
0x23: {  	[sflag:s14] =	ssyncset.done $0x0  }
0x24: {  	s19 =	simm.s32 $0x40;
	[sflag:s14] =	ssyncadd.s32 $0xFFFFA000  }
0x25: {  	v5 =	vld [tilespmem:s19+$0x30]  }
0x26: {  	v6 =	vld [tilespmem:s19+$0xFFFFFFD0]  }
0x27: {  	v7 =	vld [tilespmem:s19+$0xFFFFFFE0]  }
0x28: {  	v8 =	vld [tilespmem:s19+$0xFFFFFFF0]  }
0x29: {  	v9 =	vld [tilespmem:s19+$0x0]  }
0x2a: {  	v10 =	vld [tilespmem:s19+$0x10]  }
0x2b: {  	v11 =	vld [tilespmem:s19+$0x20]  }
0x2c: {  	v12 =	vld [tilespmem:s19+$0xFFFFFFC0];
	v5 =	vsub.f32 v5, v3  }
0x2d: {  	v6 =	vsub.f32 v6, v3;
	v7 =	vsub.f32 v7, v3  }
0x2e: {  	v8 =	vsub.f32 v8, v3;
	v9 =	vsub.f32 v9, v3  }
0x2f: {  	v10 =	vsub.f32 v10, v3;
	v5 =	vmul.f32 v5, v4;
	v6 =	vmul.f32 v6, v4  }
0x30: {  	v11 =	vsub.f32 v11, v3;
	v7 =	vmul.f32 v7, v4;
	v8 =	vmul.f32 v8, v4  }
0x31: {  	v12 =	vsub.f32 v12, v3;
	v9 =	vmul.f32 v9, v4;
	v5 =	vtrunc.f32 v5  }
0x32: {  	v10 =	vmul.f32 v10, v4;
	v5 =	vcvt.f32.s32 v5  }
0x33: {  	v11 =	vmul.f32 v11, v4;
	v12 =	vmul.f32 v12, v4  }
0x34: {  	v6 =	vtrunc.f32 v6;
	v7 =	vtrunc.f32 v7;
	vm0 =	vlt.s32 v5, $0xFF  }
0x35: {  	v8 =	vtrunc.f32 v8;
	v13 =	vtrunc.f32 v9;
	v5 =	vnsel vm0, $0xFF, v5  }
0x36: {  	v14 =	vtrunc.f32 v10;
	v63 =	vtrunc.f32 v11;
	v5 =	vshll.u32 v5, $0x4  }
0x37: {  	v11 =	vcvt.f32.s32 v6;
	v9 =	vcvt.f32.s32 v7;
	v15 =	vor.u32 v1, v5  }
0x38: {  	v7 =	vcvt.f32.s32 v8;
	v8 =	vcvt.f32.s32 v13  }
0x39: {  	v6 =	vcvt.f32.s32 v63;
	v5 =	vtrunc.f32 v12  }
0x3a: {  	v10 =	vcvt.f32.s32 v5;
	v5 =	vcvt.f32.s32 v14  }
0x3b: {  	vm5 =	vlt.s32 v11, $0xFF;
	vm1 =	vlt.s32 v9, $0xFF;
	vm4 =	vlt.s32 v7, $0xFF  }
0x3c: {  	s20 =	simm.s32 $0xC0;
	s19 =	simm.s32 $0x0;
	vm3 =	vlt.s32 v8, $0xFF;
	vm2 =	vlt.s32 v10, $0xFF;
	vm0 =	vlt.s32 v5, $0xFF;
	[tilespmem:v15+s15+$0x0] =	vst.idx.add.f32.msk $0xffff, v2  }
.LBB2_5:
0x3d: {  	v12 =	vld [tilespmem:s20+$0x30];
	s19 =	sadd.s32 $0x8, s19;
	v10 =	vnsel vm2, $0xFF, v10;
	v11 =	vnsel vm5, $0xFF, v11;
	vm2 =	vlt.s32 v6, $0xFF  }
0x3e: {  	v9 =	vnsel vm1, $0xFF, v9;
	v7 =	vnsel vm4, $0xFF, v7;
	v8 =	vnsel vm3, $0xFF, v8;
	v13 =	vld [tilespmem:s20+$0xFFFFFFD0];
	p0 =	slt.u32 s19, $0x5F8  }
0x3f: {  	v5 =	vnsel vm0, $0xFF, v5;
	v10 =	vshll.u32 v10, $0x4;
	v6 =	vnsel vm2, $0xFF, v6;
	v14 =	vld [tilespmem:s20+$0xFFFFFFE0]  }
0x40: {  	v11 =	vshll.u32 v11, $0x4;
	v9 =	vshll.u32 v9, $0x4;
	v7 =	vshll.u32 v7, $0x4;
	v15 =	vld [tilespmem:s20+$0xFFFFFFF0]  }
0x41: {  	v8 =	vshll.u32 v8, $0x4;
	v5 =	vshll.u32 v5, $0x4;
	v6 =	vshll.u32 v6, $0x4;
	v16 =	vld [tilespmem:s20+$0x0]  }
0x42: {  	v10 =	vor.u32 v1, v10;
	v11 =	vor.u32 v1, v11;
	v17 =	vld [tilespmem:s20+$0x10];
	v12 =	vsub.f32 v12, v3  }
0x43: {  	v9 =	vor.u32 v1, v9;
	v7 =	vor.u32 v1, v7;
	v13 =	vsub.f32 v13, v3;
	v18 =	vld [tilespmem:s20+$0x20]  }
0x44: {  	v8 =	vor.u32 v1, v8;
	v19 =	vld [tilespmem:s20+$0xFFFFFFC0];
	v14 =	vsub.f32 v14, v3;
	v12 =	vmul.f32 v12, v4  }
0x45: {  	v5 =	vor.u32 v1, v5;
	v13 =	vmul.f32 v13, v4;
	v15 =	vsub.f32 v15, v3  }
0x46: {  	v14 =	vmul.f32 v14, v4;
	v16 =	vsub.f32 v16, v3;
	v12 =	vtrunc.f32 v12  }
0x47: {  	v15 =	vmul.f32 v15, v4;
	v17 =	vsub.f32 v17, v3;
	v12 =	vcvt.f32.s32 v12;
	[tilespmem:v10+s15+$0x0] =	vst.idx.add.f32.msk $0xffff, v2  }
0x48: {  	v13 =	vtrunc.f32 v13;
	v10 =	vmul.f32 v16, v4;
	v16 =	vsub.f32 v18, v3;
	[tilespmem:v11+s15+$0x0] =	vst.idx.add.f32.msk $0xffff, v2  }
0x49: {  	v11 =	vsub.f32 v19, v3;
	v17 =	vmul.f32 v17, v4;
	vm0 =	vlt.s32 v12, $0xFF;
	[tilespmem:v9+s15+$0x0] =	vst.idx.add.f32.msk $0xffff, v2  }
0x4a: {  	v9 =	vtrunc.f32 v14;
	v14 =	vmul.f32 v16, v4;
	v12 =	vnsel vm0, $0xFF, v12;
	[tilespmem:v7+s15+$0x0] =	vst.idx.add.f32.msk $0xffff, v2  }
0x4b: {  	v15 =	vtrunc.f32 v15;
	v7 =	vmul.f32 v11, v4;
	v11 =	vshll.u32 v12, $0x4;
	[tilespmem:v8+s15+$0x0] =	vst.idx.add.f32.msk $0xffff, v2  }
0x4c: {  	v8 =	vtrunc.f32 v10;
	v12 =	vtrunc.f32 v17;
	v16 =	vor.u32 v1, v11;
	[tilespmem:v5+s15+$0x0] =	vst.idx.add.f32.msk $0xffff, v2  }
0x4d: {  	v17 =	vor.u32 v1, v6;
	v14 =	vtrunc.f32 v14;
	v5 =	vtrunc.f32 v7  }
.Ltmp3:
0x4e: {  	v11 =	vcvt.f32.s32 v13;
	v10 =	vcvt.f32.s32 v5;
	(pc) =	sbr.rel @p0 .LBB2_5-.Ltmp3, $4  }
0x4f: {  	v9 =	vcvt.f32.s32 v9;
	v7 =	vcvt.f32.s32 v15  }
0x50: {  	v8 =	vcvt.f32.s32 v8;
	v5 =	vcvt.f32.s32 v12;
	vm2 =	vlt.s32 v10, $0xFF  }
0x51: {  	vm1 =	vlt.s32 v9, $0xFF;
	v6 =	vcvt.f32.s32 v14;
	vm5 =	vlt.s32 v11, $0xFF;
	[tilespmem:v16+s15+$0x0] =	vst.idx.add.f32.msk $0xffff, v2  }
0x52: {  	s20 =	sadd.s32 $0x80, s20;
	vm3 =	vlt.s32 v8, $0xFF;
	vm4 =	vlt.s32 v7, $0xFF;
	vm0 =	vlt.s32 v5, $0xFF;
	[tilespmem:v17+s15+$0x0] =	vst.idx.add.f32.msk $0xffff, v2  }
0x53: {  	v10 =	vnsel vm2, $0xFF, v10  }
0x54: {  	v11 =	vnsel vm5, $0xFF, v11;
	vm2 =	vlt.s32 v6, $0xFF;
	v10 =	vshll.u32 v10, $0x4  }
0x55: {  	v9 =	vnsel vm1, $0xFF, v9;
	v11 =	vshll.u32 v11, $0x4;
	v10 =	vor.u32 v1, v10  }
0x56: {  	v7 =	vnsel vm4, $0xFF, v7;
	v9 =	vshll.u32 v9, $0x4;
	v11 =	vor.u32 v1, v11  }
0x57: {  	v8 =	vnsel vm3, $0xFF, v8;
	v7 =	vshll.u32 v7, $0x4;
	v9 =	vor.u32 v1, v9  }
0x58: {  	v5 =	vnsel vm0, $0xFF, v5;
	v8 =	vshll.u32 v8, $0x4;
	v7 =	vor.u32 v1, v7  }
0x59: {  	v6 =	vnsel vm2, $0xFF, v6;
	v5 =	vshll.u32 v5, $0x4;
	v8 =	vor.u32 v1, v8  }
0x5a: {  	v6 =	vshll.u32 v6, $0x4;
	v5 =	vor.u32 v1, v5;
	[tilespmem:v10+s15+$0x0] =	vst.idx.add.f32.msk $0xffff, v2  }
0x5b: {  	p0 =	seq.s32 s18, $0x11;
	v6 =	vor.u32 v1, v6;
	[tilespmem:v11+s15+$0x0] =	vst.idx.add.f32.msk $0xffff, v2  }
0x5c: {  	s19 =	smul.u32 @!p0 $0xC000, s18;
	[tilespmem:v9+s15+$0x0] =	vst.idx.add.f32.msk $0xffff, v2  }
0x5d: {  	[tilespmem:v7+s15+$0x0] =	vst.idx.add.f32.msk $0xffff, v2  }
0x5e: {  	s19 =	sadd.s32 @!p0 s19, s7;
	[tilespmem:v8+s15+$0x0] =	vst.idx.add.f32.msk $0xffff, v2  }
0x5f: {  	s19 =	sshrl.u32 @!p0 s19, $0x3;
	[tilespmem:v5+s15+$0x0] =	vst.idx.add.f32.msk $0xffff, v2  }
0x60: {  	s20 =	simm.s32 @!p0 $0x0;
	s19 =	sadd.s32 @!p0 s3, s19;
	[tilespmem:v6+s15+$0x0] =	vst.idx.add.f32.msk $0xffff, v2  }
0x61: {  	[tilespmem:s20], [sflag:$0x1] =	stream.linear.gather @!p0 [hbm4b:s19+s20], $0x6000, $0x38;
	[tilespmem:$0xD020] =	vst v63  }
0x62: {  	_ =	swait.ge [sflag:s16], $0x6000  }
0x63: {  	[sflag:s16] =	ssyncset.done $0x0  }
0x64: {  	s31 =	simm.s32 $0x6070;
	[sflag:s16] =	ssyncadd.s32 $0xFFFFA000  }
0x65: {  	v5 =	vld [tilespmem:s31+$0x0]  }
0x66: {  	v6 =	vld [tilespmem:s31+$0xFFFFFFA0]  }
0x67: {  	v7 =	vld [tilespmem:s31+$0xFFFFFFB0]  }
0x68: {  	v8 =	vld [tilespmem:s31+$0xFFFFFFC0]  }
0x69: {  	v9 =	vld [tilespmem:s31+$0xFFFFFFD0]  }
0x6a: {  	v10 =	vld [tilespmem:s31+$0xFFFFFFE0]  }
0x6b: {  	v11 =	vld [tilespmem:s31+$0xFFFFFFF0]  }
0x6c: {  	v12 =	vld [tilespmem:s31+$0xFFFFFF90];
	v5 =	vsub.f32 v5, v3  }
0x6d: {  	v6 =	vsub.f32 v6, v3;
	v7 =	vsub.f32 v7, v3  }
0x6e: {  	v8 =	vsub.f32 v8, v3;
	v9 =	vsub.f32 v9, v3  }
0x6f: {  	v10 =	vsub.f32 v10, v3;
	v5 =	vmul.f32 v5, v4;
	v6 =	vmul.f32 v6, v4  }
0x70: {  	v11 =	vsub.f32 v11, v3;
	v7 =	vmul.f32 v7, v4;
	v8 =	vmul.f32 v8, v4  }
0x71: {  	v12 =	vsub.f32 v12, v3;
	v9 =	vmul.f32 v9, v4;
	v5 =	vtrunc.f32 v5  }
0x72: {  	v10 =	vmul.f32 v10, v4;
	v5 =	vcvt.f32.s32 v5  }
0x73: {  	v11 =	vmul.f32 v11, v4;
	v12 =	vmul.f32 v12, v4  }
0x74: {  	v6 =	vtrunc.f32 v6;
	v7 =	vtrunc.f32 v7;
	vm0 =	vlt.s32 v5, $0xFF  }
0x75: {  	v8 =	vtrunc.f32 v8;
	v13 =	vtrunc.f32 v9;
	v5 =	vnsel vm0, $0xFF, v5  }
0x76: {  	v14 =	vtrunc.f32 v10;
	v63 =	vtrunc.f32 v11;
	v5 =	vshll.u32 v5, $0x4  }
0x77: {  	v11 =	vcvt.f32.s32 v6;
	v9 =	vcvt.f32.s32 v7;
	v15 =	vor.u32 v1, v5  }
0x78: {  	v7 =	vcvt.f32.s32 v8;
	v8 =	vcvt.f32.s32 v13  }
0x79: {  	v6 =	vcvt.f32.s32 v63;
	v5 =	vtrunc.f32 v12  }
0x7a: {  	v10 =	vcvt.f32.s32 v5;
	v5 =	vcvt.f32.s32 v14  }
0x7b: {  	vm5 =	vlt.s32 v11, $0xFF;
	vm1 =	vlt.s32 v9, $0xFF;
	vm4 =	vlt.s32 v7, $0xFF  }
0x7c: {  	s19 =	simm.s32 $0x0;
	s20 =	simm.s32 $0x60F0;
	vm3 =	vlt.s32 v8, $0xFF;
	vm2 =	vlt.s32 v10, $0xFF;
	vm0 =	vlt.s32 v5, $0xFF;
	[tilespmem:v15+s15+$0x0] =	vst.idx.add.f32.msk $0xffff, v2  }
.LBB2_7:
0x7d: {  	v12 =	vld [tilespmem:s20+$0x0];
	s19 =	sadd.s32 $0x8, s19;
	v10 =	vnsel vm2, $0xFF, v10;
	v11 =	vnsel vm5, $0xFF, v11;
	vm2 =	vlt.s32 v6, $0xFF  }
0x7e: {  	v9 =	vnsel vm1, $0xFF, v9;
	v7 =	vnsel vm4, $0xFF, v7;
	v8 =	vnsel vm3, $0xFF, v8;
	v13 =	vld [tilespmem:s20+$0xFFFFFFA0];
	p1 =	slt.u32 s19, $0x5F8  }
0x7f: {  	v5 =	vnsel vm0, $0xFF, v5;
	v10 =	vshll.u32 v10, $0x4;
	v6 =	vnsel vm2, $0xFF, v6;
	v14 =	vld [tilespmem:s20+$0xFFFFFFB0]  }
0x80: {  	v11 =	vshll.u32 v11, $0x4;
	v9 =	vshll.u32 v9, $0x4;
	v7 =	vshll.u32 v7, $0x4;
	v15 =	vld [tilespmem:s20+$0xFFFFFFC0]  }
0x81: {  	v8 =	vshll.u32 v8, $0x4;
	v5 =	vshll.u32 v5, $0x4;
	v6 =	vshll.u32 v6, $0x4;
	v16 =	vld [tilespmem:s20+$0xFFFFFFD0]  }
0x82: {  	v10 =	vor.u32 v1, v10;
	v11 =	vor.u32 v1, v11;
	v17 =	vld [tilespmem:s20+$0xFFFFFFE0];
	v12 =	vsub.f32 v12, v3  }
0x83: {  	v9 =	vor.u32 v1, v9;
	v7 =	vor.u32 v1, v7;
	v13 =	vsub.f32 v13, v3;
	v18 =	vld [tilespmem:s20+$0xFFFFFFF0]  }
0x84: {  	v8 =	vor.u32 v1, v8;
	v19 =	vld [tilespmem:s20+$0xFFFFFF90];
	v14 =	vsub.f32 v14, v3;
	v12 =	vmul.f32 v12, v4  }
0x85: {  	v5 =	vor.u32 v1, v5;
	v13 =	vmul.f32 v13, v4;
	v15 =	vsub.f32 v15, v3  }
0x86: {  	v14 =	vmul.f32 v14, v4;
	v16 =	vsub.f32 v16, v3;
	v12 =	vtrunc.f32 v12  }
0x87: {  	v15 =	vmul.f32 v15, v4;
	v17 =	vsub.f32 v17, v3;
	v12 =	vcvt.f32.s32 v12;
	[tilespmem:v10+s15+$0x0] =	vst.idx.add.f32.msk $0xffff, v2  }
0x88: {  	v13 =	vtrunc.f32 v13;
	v10 =	vmul.f32 v16, v4;
	v16 =	vsub.f32 v18, v3;
	[tilespmem:v11+s15+$0x0] =	vst.idx.add.f32.msk $0xffff, v2  }
0x89: {  	v11 =	vsub.f32 v19, v3;
	v17 =	vmul.f32 v17, v4;
	vm0 =	vlt.s32 v12, $0xFF;
	[tilespmem:v9+s15+$0x0] =	vst.idx.add.f32.msk $0xffff, v2  }
0x8a: {  	v9 =	vtrunc.f32 v14;
	v14 =	vmul.f32 v16, v4;
	v12 =	vnsel vm0, $0xFF, v12;
	[tilespmem:v7+s15+$0x0] =	vst.idx.add.f32.msk $0xffff, v2  }
0x8b: {  	v15 =	vtrunc.f32 v15;
	v7 =	vmul.f32 v11, v4;
	v11 =	vshll.u32 v12, $0x4;
	[tilespmem:v8+s15+$0x0] =	vst.idx.add.f32.msk $0xffff, v2  }
0x8c: {  	v8 =	vtrunc.f32 v10;
	v12 =	vtrunc.f32 v17;
	v16 =	vor.u32 v1, v11;
	[tilespmem:v5+s15+$0x0] =	vst.idx.add.f32.msk $0xffff, v2  }
0x8d: {  	v17 =	vor.u32 v1, v6;
	v14 =	vtrunc.f32 v14;
	v5 =	vtrunc.f32 v7  }
.Ltmp4:
0x8e: {  	v11 =	vcvt.f32.s32 v13;
	v10 =	vcvt.f32.s32 v5;
	(pc) =	sbr.rel @p1 .LBB2_7-.Ltmp4, $4  }
0x8f: {  	v9 =	vcvt.f32.s32 v9;
	v7 =	vcvt.f32.s32 v15  }
0x90: {  	v8 =	vcvt.f32.s32 v8;
	v5 =	vcvt.f32.s32 v12;
	vm2 =	vlt.s32 v10, $0xFF  }
0x91: {  	vm1 =	vlt.s32 v9, $0xFF;
	v6 =	vcvt.f32.s32 v14;
	vm5 =	vlt.s32 v11, $0xFF;
	[tilespmem:v16+s15+$0x0] =	vst.idx.add.f32.msk $0xffff, v2  }
0x92: {  	s20 =	sadd.s32 $0x80, s20;
	vm3 =	vlt.s32 v8, $0xFF;
	vm4 =	vlt.s32 v7, $0xFF;
	vm0 =	vlt.s32 v5, $0xFF;
	[tilespmem:v17+s15+$0x0] =	vst.idx.add.f32.msk $0xffff, v2  }
0x93: {  	v10 =	vnsel vm2, $0xFF, v10  }
0x94: {  	v11 =	vnsel vm5, $0xFF, v11;
	vm15 =	vlt.s32 v6, $0xFF;
	v10 =	vshll.u32 v10, $0x4  }
0x95: {  	v9 =	vnsel vm1, $0xFF, v9;
	v11 =	vshll.u32 v11, $0x4;
	v10 =	vor.u32 v1, v10  }
0x96: {  	v7 =	vnsel vm4, $0xFF, v7;
	v9 =	vshll.u32 v9, $0x4;
	v11 =	vor.u32 v1, v11  }
0x97: {  	v8 =	vnsel vm3, $0xFF, v8;
	v7 =	vshll.u32 v7, $0x4;
	v9 =	vor.u32 v1, v9  }
0x98: {  	v5 =	vnsel vm0, $0xFF, v5;
	v8 =	vshll.u32 v8, $0x4;
	v7 =	vor.u32 v1, v7  }
0x99: {  	v6 =	vnsel vm15, $0xFF, v6;
	v5 =	vshll.u32 v5, $0x4;
	v8 =	vor.u32 v1, v8  }
0x9a: {  	v6 =	vshll.u32 v6, $0x4;
	v5 =	vor.u32 v1, v5;
	[tilespmem:v10+s15+$0x0] =	vst.idx.add.f32.msk $0xffff, v2  }
0x9b: {  	v6 =	vor.u32 v1, v6;
	[tilespmem:v11+s15+$0x0] =	vst.idx.add.f32.msk $0xffff, v2  }
.Ltmp5:
0x9c: {  	[tilespmem:v9+s15+$0x0] =	vst.idx.add.f32.msk $0xffff, v2;
	(pc) =	sbr.rel @p0 .LBB2_10-.Ltmp5, $4  }
0x9d: {  	[tilespmem:v7+s15+$0x0] =	vst.idx.add.f32.msk $0xffff, v2  }
0x9e: {  	[tilespmem:v8+s15+$0x0] =	vst.idx.add.f32.msk $0xffff, v2  }
0x9f: {  	[tilespmem:v5+s15+$0x0] =	vst.idx.add.f32.msk $0xffff, v2  }
0xa0: {  	[tilespmem:v6+s15+$0x0] =	vst.idx.add.f32.msk $0xffff, v2  }
0xa1: {  	s19 =	smul.u32 $0xC000, s18  }
.Ltmp6:
0xa2: {  	_ = 	snop;
	(pc) =	sbr.rel .LBB2_4-.Ltmp6, $4  }
0xa3: {  	s19 =	sadd.s32 s19, s8  }
0xa4: {  	s19 =	sshrl.u32 s19, $0x3  }
0xa5: {  	s18 =	sadd.s32 $0x1, s18;
	s19 =	sadd.s32 s3, s19  }
0xa6: {  	[tilespmem:s13], [sflag:$0x2] =	stream.linear.gather [hbm4b:s19+s2], $0x6000, $0x38;
	[tilespmem:$0xD020] =	vst v63  }
.LBB2_11:
0xa7: {  	_ =	sfence.sel $0x180000  }
0xa8: {  	[bflag:$0x0] =	sbarrier.arrive $0xFFFF  }
0xa9: {  	p0 =	sne.s32 s1, $0x0;
	_ =	strace $0x9000004A  }
0xaa: {  	s0 =	sadd.s32 @!p0 $0x100000, s0;
	[bflag:$0x2] =	sbarrier.arrive $0xFFFF  }
0xab: {  	[sflag:s0] =	ssyncadd.tile.s32 @!p0 $0x1;
	_ =	shalt  }
.Lfunc_end2:
_tile_overlayer_lowered:
.L_overlay_start_2:
0xac: {  	(tag) =	ssettag $0x2  }
0xad: {  	s0 =	rddreg [dreg:$0x0];
	s2 =	stileid.u32  }
0xae: {  	s1 =	rddreg [dreg:$0x1];
	p0 =	sne.s32 s2, $0x0  }
0xaf: {  	s3 =	rddreg [dreg:$0x2];
	[bflag:$0x3] =	sbarrier.arrive $0xFFFF;
	s2 =	simm.s32 @!p0 $0x1C03  }
0xb0: {  	[timem:s3], [sflag:s2] =	dma.local @!p0 [hbm:s0], s1  }
0xb1: {  	s0 =	simm.s32 @!p0 $0x3  }
0xb2: {  	_ =	swait.ge @!p0 [sflag:s0], s1  }
0xb3: {  	s1 =	ssub.s32 @!p0 $0x0, s1;
	[sflag:s0] =	ssyncset.done @!p0 $0x0  }
0xb4: {  	[sflag:s0] =	ssyncadd.s32 @!p0 s1  }
0xb5: {  	[bflag:$0x3] =	sbarrier.arrive $0xFFFF  }
0xb6: {  	_ =	shalt  }

// kernel: kernel.14.cloned.1.call-start
scs
__scs_entry_jumppad:
0x0: {  	(pc) =	sbr.rel $0x88, $3  }
0x1: {  	(tag) =	ssettag $0x0;
	lr =	simm.s32 $0x1  }
0x2: {  	[smem:$0x3F9E] =	sst lr;
	_ =	strace $0xD0000000  }
0x3: {  	_ = 	snop  }
0x4: {  	_ = 	snop  }
0x5: {  	_ = 	snop  }
0x6: {  	_ = 	snop  }
0x7: {  	_ = 	snop  }
__scs_overlays_trampoline_lowered:
0x8: {  	[smem:$0x3FAD] =	sst s0  }
0x9: {  	[smem:$0x3FAE] =	sst s1  }
0xa: {  	[smem:$0x3FAF] =	sst s2  }
0xb: {  	[smem:$0x3FB0] =	sst s3  }
0xc: {  	[smem:$0x3FB1] =	sst s4  }
0xd: {  	[smem:$0x3FB2] =	sst s5  }
0xe: {  	[smem:$0x3FB3] =	sst s6  }
0xf: {  	[smem:$0x3FB4] =	sst s7  }
0x10: {  	[smem:$0x3FB5] =	sst s8  }
0x11: {  	[smem:$0x3FB6] =	sst s9;
	s0 =	simm.s32 @!p0 $0x0  }
0x12: {  	s1 =	sld [smem:$0x3F9C];
	s0 =	simm.s32 @p0 $0x1  }
0x13: {  	[smem:$0x3FB7] =	sst s0;
	s0 =	simm.s32 @!p1 $0x0  }
0x14: {  	s2 =	sld [smem:$0x3F9B];
	s0 =	simm.s32 @p1 $0x1  }
0x15: {  	[smem:$0x3FB8] =	sst s0;
	s0 =	simm.s32 @!p2 $0x0  }
0x16: {  	s3 =	sld [smem:$0x3FDB];
	s0 =	simm.s32 @p2 $0x1  }
0x17: {  	s4 =	simm.s32 $0x1BF5;
	[smem:$0x3FBA] =	sst s0  }
0x18: {  	s0 =	sld [smem:$0x3F9D];
	_ =	swait.ge [sflag:s4], $0x0  }
0x19: {  	s7 =	sld [smem:$0x3F9E]  }
0x1a: {  	s8 =	sadd.s32 $0xFFFFE003, lr  }
0x1b: {  	s9 =	sadd.s32 $0xFFFFFEF7, lr;
	s5 =	simm.s32 $0xFFFFFFFF;
	p2 =	slt.u32 s8, $0xFFFFF086  }
0x1c: {  	p1 =	slt.u32 s9, $0xF7A;
	s5 =	simm.s32 @!p2 $0x0  }
0x1d: {  	s5 =	simm.s32 @p1 $0x1;
	p0 =	seq.s32 s7, s2  }
0x1e: {  	s7 =	smul.u32 @!p0 $0xF7A, s2;
	p2 =	seq.s32 @!p0 s5, $0x0  }
0x1f: {  	s9 =	smul.u32 $0xF7A, s1;
	s8 =	simm.s32 @!p0 $0x1BF5;
	p2 =	por !p2, p0  }
0x20: {  	[sflag:s8] =	ssyncset.s32 @!p0 $0xFFFFF086;
	s6 =	sadd.s32 @!p0 s3, s7;
	s7 =	simm.s32 @!p0 $0x108  }
0x21: {  	s3 =	sadd.s32 s3, s9;
	s6 =	sadd.s32 @!p0 $0x88, s6;
	s7 =	simm.s32 @p2 $0x1082  }
0x22: {  	[simem:s7], [sflag:s8] =	dma.local @!p0 [hbm:s6], $0xF7A  }
0x23: {  	s9 =	sor.u32 $0xD0000000, s2;
	s6 =	simm.s32 $0x108;
	_ =	swait.ge @!p0 [sflag:s8], $0x0  }
0x24: {  	s3 =	sadd.s32 $0x88, s3;
	s6 =	simm.s32 @!p1 $0x1082;
	[sflag:s4] =	ssyncset.s32 $0xFFFFF086  }
0x25: {  	[simem:s6], [sflag:s4] =	dma.local [hbm:s3], $0xF7A  }
0x26: {  	[smem:$0x3F9E] =	sst s1;
	(tag) =	ssettag s2;
	_ =	strace s9  }
0x27: {  	s1 =	sld [smem:$0x3FAE]  }
0x28: {  	s2 =	sld [smem:$0x3FAF]  }
0x29: {  	s4 =	sld [smem:$0x3FB1]  }
0x2a: {  	p0 =	seq.s32 s5, $0x0;
	s5 =	sld [smem:$0x3FB2]  }
0x2b: {  	s6 =	sld [smem:$0x3FB3]  }
0x2c: {  	s7 =	sld [smem:$0x3FB4]  }
0x2d: {  	s3 =	simm.s32 $0x108;
	s8 =	sld [smem:$0x3FB5]  }
0x2e: {  	s3 =	simm.s32 @!p0 $0x1082;
	s9 =	sld [smem:$0x3FB6]  }
0x2f: {  	lr =	sadd.s32 s0, s3;
	s0 =	sld [smem:$0x3FAD]  }
0x30: {  	s3 =	sld [smem:$0x3FB0]  }
0x31: {  	[smem:$0x3FB9] =	sst s10  }
0x32: {  	s10 =	sld [smem:$0x3FB7];
	_ =	sdelay $0x3  }
0x33: {  	p0 =	seq.s32 s10, $0x1;
	s10 =	sld [smem:$0x3FB9];
	_ =	sdelay $0x3  }
0x34: {  	[smem:$0x3FB9] =	sst s10  }
0x35: {  	s10 =	sld [smem:$0x3FB8];
	_ =	sdelay $0x3  }
0x36: {  	p1 =	seq.s32 s10, $0x1;
	s10 =	sld [smem:$0x3FB9];
	_ =	sdelay $0x3  }
0x37: {  	[smem:$0x3FB9] =	sst s10  }
0x38: {  	s10 =	sld [smem:$0x3FBA]  }
0x39: {  	_ = 	snop;
	(pc) =	sbr.ind lr, $3  }
0x3a: {  	_ = 	snop  }
0x3b: {  	_ = 	snop  }
0x3c: {  	p2 =	seq.s32 s10, $0x1;
	s10 =	sld [smem:$0x3FB9]  }
0x3d: {  	_ =	shalt  }
0x3e: {  	_ =	shalt  }
0x3f: {  	_ =	shalt  }
0x40: {  	_ =	shalt  }
0x41: {  	_ =	shalt  }
0x42: {  	_ =	shalt  }
0x43: {  	_ =	shalt  }
0x44: {  	_ =	shalt  }
0x45: {  	_ =	shalt  }
0x46: {  	_ =	shalt  }
0x47: {  	_ =	shalt  }
0x48: {  	_ =	shalt  }
0x49: {  	_ =	shalt  }
0x4a: {  	_ =	shalt  }
0x4b: {  	_ =	shalt  }
0x4c: {  	_ =	shalt  }
0x4d: {  	_ =	shalt  }
0x4e: {  	_ =	shalt  }
0x4f: {  	_ =	shalt  }
0x50: {  	_ =	shalt  }
0x51: {  	_ =	shalt  }
0x52: {  	_ =	shalt  }
0x53: {  	_ =	shalt  }
0x54: {  	_ =	shalt  }
0x55: {  	_ =	shalt  }
0x56: {  	_ =	shalt  }
0x57: {  	_ =	shalt  }
0x58: {  	_ =	shalt  }
0x59: {  	_ =	shalt  }
0x5a: {  	_ =	shalt  }
0x5b: {  	_ =	shalt  }
0x5c: {  	_ =	shalt  }
0x5d: {  	_ =	shalt  }
0x5e: {  	_ =	shalt  }
0x5f: {  	_ =	shalt  }
0x60: {  	_ =	shalt  }
0x61: {  	_ =	shalt  }
0x62: {  	_ =	shalt  }
0x63: {  	_ =	shalt  }
0x64: {  	_ =	shalt  }
0x65: {  	_ =	shalt  }
0x66: {  	_ =	shalt  }
0x67: {  	_ =	shalt  }
0x68: {  	_ =	shalt  }
0x69: {  	_ =	shalt  }
0x6a: {  	_ =	shalt  }
0x6b: {  	_ =	shalt  }
0x6c: {  	_ =	shalt  }
0x6d: {  	_ =	shalt  }
0x6e: {  	_ =	shalt  }
0x6f: {  	_ =	shalt  }
0x70: {  	_ =	shalt  }
0x71: {  	_ =	shalt  }
0x72: {  	_ =	shalt  }
0x73: {  	_ =	shalt  }
0x74: {  	_ =	shalt  }
0x75: {  	_ =	shalt  }
0x76: {  	_ =	shalt  }
0x77: {  	_ =	shalt  }
0x78: {  	_ =	shalt  }
0x79: {  	_ =	shalt  }
0x7a: {  	_ =	shalt  }
0x7b: {  	_ =	shalt  }
0x7c: {  	_ =	shalt  }
0x7d: {  	_ =	shalt  }
0x7e: {  	_ =	shalt  }
0x7f: {  	_ =	shalt  }
0x80: {  	_ =	shalt  }
0x81: {  	_ =	shalt  }
0x82: {  	_ =	shalt  }
0x83: {  	_ =	shalt  }
0x84: {  	_ =	shalt  }
0x85: {  	_ =	shalt  }
0x86: {  	_ =	shalt  }
0x87: {  	_ =	shalt  }
.Lfunc_end0:
.L_simem_size_0:
called_computation.2_lowered:
.L_overlay_start_0:
0x88: {  	s2 =	sld [smem:$0x3FD9]  }
0x89: {  	s3 =	sld [smem:$0x3FFE];
	_ =	sdelay $0x1  }
0x8a: {  	s1 =	srdreg.scid  }
0x8b: {  	s0 =	sand.u32 $0x1, s1  }
0x8c: {  	s16 =	sshll.u32 s0, $0xA;
	s2 =	sadd.s32 s3, s2  }
0x8d: {  	s2 =	sadd.s32 s2, s16  }
0x8e: {  	[smem:$0x3FC5] =	sst s2  }
0x8f: {  	_ = 	snop  }
0x90: {  	(tm) =	ssettm $0x1  }
0x91: {  	s17 =	sld [smem:$0x3FFB];
	_ =	sdelay $0x3  }
0x92: {  	_ =	strace s17  }
0x93: {  	s2 =	sld [smem:$0x3FFC];
	_ =	sdelay $0x3  }
0x94: {  	_ =	strace s2  }
0x95: {  	s2 =	sld [smem:$0x3FFD];
	_ =	sdelay $0x3  }
0x96: {  	_ =	strace s2  }
0x97: {  	_ =	strace $0x8FFFFFFF  }
0x98: {  	s18 =	sld [smem:$0x3FDB];
	_ =	sdelay $0x1  }
0x99: {  	s19 =	simm.s32 $_scs_section_size  }
0x9a: {  	s4 =	simm.s32 $_size__tile_overlayer_lowered;
	s5 =	simm.s32 $_tile_overlayer_lowered  }
0x9b: {  	s22 =	simm.s32 $0x1BFF;
	s21 =	sshll.u32 s5, $0x1;
	s2 =	sadd.s32 s19, s18  }
0x9c: {  	s6 =	simm.s32 $0x0;
	s20 =	sshll.u32 s4, $0x1;
	s4 =	sadd.s32 s21, s2  }
0x9d: {  	[timem:s6], [sflag:s22] =	dma.local [hbm:s4], s20  }
0x9e: {  	_ =	swait.ge [sflag:s22], s20  }
0x9f: {  	s3 =	ssub.s32 $0x0, s20;
	[sflag:s22] =	ssyncset.done $0x0  }
0xa0: {  	[sflag:s22] =	ssyncadd.s32 s3;
	_ =	sdelay $0x1  }
0xa1: {  	s23 =	simm.s32 $0x1B8B  }
0xa2: {  	_ =	swait.ge [sflag:s23], $0x1  }
0xa3: {  	[sflag:s23] =	ssyncset.done $0x0  }
0xa4: {  	s25 =	simm.s32 $0x1B8E;
	s24 =	sld [smem:$0x3FFE];
	[sflag:s23] =	ssyncadd.s32 $0xFFFFFFFF  }
0xa5: {  	s26 =	simm.s32 $execute0_lowered;
	[smem:$0x3FD2] =	sst s25  }
0xa6: {  	s4 =	sshll.u32 s26, $0x1;
	_ =	strace $0x8000004C;
	[dreg:$0x1] =	wrdreg $0xFFFFFFFF  }
0xa7: {  	s28 =	simm.s32 $_size_execute0_lowered;
	s2 =	sadd.s32 s2, s4;
	[dreg:$0x0] =	wrdreg $0x0  }
0xa8: {  	s4 =	sshll.u32 s28, $0x1;
	[dreg:$0x2] =	wrdreg s2  }
0xa9: {  	[dreg:$0x3] =	wrdreg s4  }
0xaa: {  	[dreg:$0x4] =	wrdreg $0xC0  }
0xab: {  	_ =	task [dreg:s6], $0x5FFFF  }
0xac: {  	[dreg:$0x1] =	wrdreg $0xFFFFFFFF  }
0xad: {  	[dreg:$0x0] =	wrdreg $0x60  }
0xae: {  	[dreg:$0x2] =	wrdreg s24  }
0xaf: {  	[dreg:$0x3] =	wrdreg $0x9  }
0xb0: {  	_ =	task.clear_ibuf [dreg:s6], $0x4FFFF;
	_ =	strace $0x9000004C  }
0xb1: {  	s29 =	simm.s32 $0x9;
	_ =	strace $0x8000004E  }
0xb2: {  	_ =	swait.ge [sflag:s29], $0x1  }
0xb3: {  	[sflag:s29] =	ssyncadd.s32 $0xFFFFFFFF  }
0xb4: {  	_ =	strace $0x9000004E  }
0xb5: {  	_ =	sfence  }
0xb6: {  	s30 =	sld [smem:$0x0];
	_ =	sdelay $0x2  }
0xb7: {  	s31 =	sshll.u32 s1, $0xD;
	s1 =	sshrl.u32 s1, $0x2  }
0xb8: {  	s3 =	sand.u32 $0x4000, s31;
	s1 =	sadd.s32 s1, s30  }
0xb9: {  	s0 =	sor.u32 s3, s0;
	s1 =	sshll.u32 s1, $0x11  }
0xba: {  	s0 =	sor.u32 s1, s0  }
0xbb: {  	s0 =	sadd.s32 $0x8F2B, s0  }
0xbc: {  	[sflag:s0] =	ssyncadd.remote.s32 $0x1  }
0xbd: {  	_ =	sfence.sel $0xFFFF  }
0xbe: {  	[dreg:$0x0] =	wrdreg $0xFFFFFFFF;
	(pc) =	sbr.abs _section_cstart, $3  }
0xbf: {  	[dreg:$0x1] =	wrdreg $0xFFFFFFFF  }
0xc0: {  	_ =	task.clear_ibuf [dreg:s6], $0x2FFFF;
	_ =	strace $0x9FFFFFFF  }
0xc1: {  	(tm) =	ssettm $0x7FFFFFFF  }
tec
execute0_lowered:
.L_overlay_start_1:
0x0: {  	(tag) =	ssettag $0x1  }
0x1: {  	s6 =	rddreg [dreg:$0x0]  }
0x2: {  	s0 =	rddreg [dreg:$0x1];
	s2 =	simm.s32 $0x0  }
0x3: {  	s3 =	srdreg.scid;
	s1 =	stileid.u32;
	s17 =	simm.s32 $0xE000  }
0x4: {  	s18 =	simm.s32 $0x3;
	s19 =	simm.s32 $0x6000;
	s20 =	simm.s32 $0x1  }
0x5: {  	s21 =	simm.s32 $0xC000;
	s22 =	simm.s32 $0xD000;
	s23 =	simm.s32 $0x2  }
0x6: {  	s24 =	simm.s32 $0x0;
	[smem:$0x7FF] =	sst s2;
	s7 =	sand.u32 $0x1, s3  }
0x7: {  	s5 =	sshll.u32 s1, $0x1;
	s3 =	sadd.s32 $0x516E00, s6;
	s4 =	sadd.s32 $0x366E00, s6  }
0x8: {  	_ =	strace $0x8000004D;
	s8 =	sor.u32 s7, s5;
	s5 =	sadd.s32 $0x366800, s6  }
0x9: {  	s7 =	ssub.s32 $0x2, s7;
	s10 =	smul.u32 $0x36000, s8;
	s9 =	sshll.u32 s8, $0x9  }
0xa: {  	s13 =	smul.u32 $0x6C000, s8;
	s29 =	sshrl.u32 s7, $0x1;
	s15 =	sadd.s32 s9, s6  }
.Ltmp0:
0xb: {  	s16 =	ssub.s32 s7, s29;
	s30 =	sshrl.u32 s10, $0x3;
	(pc) =	sbr.rel .LBB2_1-.Ltmp0, $4  }
0xc: {  	s31 =	sshrl.u32 s13, $0x3;
	s8 =	sadd.s32 $0xC000, s10;
	s10 =	sadd.s32 $0x12000, s10  }
0xd: {  	s12 =	sadd.s32 $0xC000, s13;
	s13 =	sadd.s32 $0x12000, s13;
	s14 =	sadd.s32 $0x2000, s15  }
0xe: {  	s15 =	sadd.s32 $0x6000, s15;
	s6 =	sadd.s32 s3, s30;
	s9 =	sadd.s32 s4, s31  }
0xf: {  	v0 =	vimm.f32 $0.0e+00;
	v1 =	vlaneseq.u32;
	v2 =	vimm.f32 $1.000000000e+00;
	s16 =	smax.u32 s16, $0x1;
	s7 =	sadd.s32 $0xC00, s6;
	s11 =	sadd.s32 $0xC00, s9  }
.LBB2_17:
0x10: {  	[hbm4b:s14+s2] =	stream.linear.scatter [tilespmem:s21], [sflag:$0x3], $0x1000, $0x38;
	[tilespmem:$0xE040] =	vst v63  }
0x11: {  	s24 =	sadd.s32 $0x1, s24;
	_ =	swait.ge [sflag:s18], $0x1000  }
0x12: {  	p0 =	sne.s32 s24, s16;
	[sflag:s18] =	ssyncset.done $0x0  }
.Ltmp1:
0x13: {  	[sflag:s18] =	ssyncadd.s32 $0xFFFFF000;
	(pc) =	sbr.rel @!p0 .LBB2_18-.Ltmp1, $4  }
0x14: {  	[hbm4b:s15+s2] =	stream.linear.scatter [tilespmem:s22], [sflag:$0x3], $0x1000, $0x38;
	[tilespmem:$0xE040] =	vst v63  }
0x15: {  	_ =	swait.ge [sflag:s18], $0x1000  }
0x16: {  	[sflag:s18] =	ssyncset.done $0x0  }
0x17: {  	[sflag:s18] =	ssyncadd.s32 $0xFFFFF000  }
.LBB2_1:
0x18: {  	s25 =	simm.s32 $0x40;
	s26 =	simm.s32 $0x0  }
.LBB2_2:
0x19: {  	p0 =	sne.s32 s25, $0x3FC0;
	[tilespmem:s26+$0xC000] =	vst v0;
	s28 =	smov.u32 s25;
	s25 =	sadd.s32 $0x40, s25  }
.Ltmp2:
0x1a: {  	[tilespmem:s26+$0xD000] =	vst v0;
	(pc) =	sbr.rel @p0 .LBB2_2-.Ltmp2, $2  }
0x1b: {  	_ =	sdelay $0x2  }
0x1c: {  	s26 =	sshra.s32 s28, $0x2  }
0x1d: {  	[tilespmem:s26+$0xC000] =	vst v0  }
0x1e: {  	[tilespmem:s26+$0xD000] =	vst v0;
	s25 =	simm.s32 $0x0  }
0x1f: {  	[tilespmem:s17], [sflag:$0x3] =	stream.linear.gather [hbm4b:s5+s25], $0x40, $0x38;
	[tilespmem:$0xE040] =	vst v63  }
0x20: {  	_ =	swait.ge [sflag:s18], $0x40  }
0x21: {  	[sflag:s18] =	ssyncset.done $0x0  }
0x22: {  	[sflag:s18] =	ssyncadd.s32 $0xFFFFFFC0  }
0x23: {  	v3 =	vld [tilespmem:$0xE000]  }
0x24: {  	v4 =	vld [tilespmem:$0xE020];
	[tilespmem:s25], [sflag:$0x1] =	stream.linear.gather [hbm4b:s6+s25], $0x6000, $0x38  }
0x25: {  	_ = 	snop  }
0x26: {  	[tilespmem:s19], [sflag:$0x2] =	stream.linear.gather [hbm4b:s7+s25], $0x6000, $0x38;
	[tilespmem:$0xE040] =	vst v63  }
.LBB2_4:
0x27: {  	_ =	swait.ge [sflag:s20], $0x6000  }
0x28: {  	[sflag:s20] =	ssyncset.done $0x0  }
0x29: {  	s26 =	simm.s32 $0x40;
	[sflag:s20] =	ssyncadd.s32 $0xFFFFA000  }
0x2a: {  	v5 =	vld [tilespmem:s26+$0x30]  }
0x2b: {  	v6 =	vld [tilespmem:s26+$0xFFFFFFD0]  }
0x2c: {  	v7 =	vld [tilespmem:s26+$0xFFFFFFE0]  }
0x2d: {  	v8 =	vld [tilespmem:s26+$0xFFFFFFF0]  }
0x2e: {  	v9 =	vld [tilespmem:s26+$0x0]  }
0x2f: {  	v10 =	vld [tilespmem:s26+$0x10]  }
0x30: {  	v11 =	vld [tilespmem:s26+$0x20]  }
0x31: {  	v12 =	vld [tilespmem:s26+$0xFFFFFFC0];
	v5 =	vsub.f32 v5, v3  }
0x32: {  	v6 =	vsub.f32 v6, v3;
	v7 =	vsub.f32 v7, v3  }
0x33: {  	v8 =	vsub.f32 v8, v3;
	v9 =	vsub.f32 v9, v3  }
0x34: {  	v10 =	vsub.f32 v10, v3;
	v5 =	vmul.f32 v5, v4;
	v6 =	vmul.f32 v6, v4  }
0x35: {  	v11 =	vsub.f32 v11, v3;
	v7 =	vmul.f32 v7, v4;
	v8 =	vmul.f32 v8, v4  }
0x36: {  	v12 =	vsub.f32 v12, v3;
	v9 =	vmul.f32 v9, v4;
	v5 =	vtrunc.f32 v5  }
0x37: {  	v10 =	vmul.f32 v10, v4;
	v5 =	vcvt.f32.s32 v5  }
0x38: {  	v11 =	vmul.f32 v11, v4;
	v12 =	vmul.f32 v12, v4  }
0x39: {  	v6 =	vtrunc.f32 v6;
	v7 =	vtrunc.f32 v7;
	vm0 =	vlt.s32 v5, $0xFF  }
0x3a: {  	v8 =	vtrunc.f32 v8;
	v13 =	vtrunc.f32 v9;
	v5 =	vnsel vm0, $0xFF, v5  }
0x3b: {  	v14 =	vtrunc.f32 v10;
	v63 =	vtrunc.f32 v11;
	v5 =	vshll.u32 v5, $0x4  }
0x3c: {  	v11 =	vcvt.f32.s32 v6;
	v9 =	vcvt.f32.s32 v7;
	v15 =	vor.u32 v1, v5  }
0x3d: {  	v7 =	vcvt.f32.s32 v8;
	v8 =	vcvt.f32.s32 v13  }
0x3e: {  	v6 =	vcvt.f32.s32 v63;
	v5 =	vtrunc.f32 v12  }
0x3f: {  	v10 =	vcvt.f32.s32 v5;
	v5 =	vcvt.f32.s32 v14  }
0x40: {  	vm5 =	vlt.s32 v11, $0xFF;
	vm1 =	vlt.s32 v9, $0xFF;
	vm4 =	vlt.s32 v7, $0xFF  }
0x41: {  	s28 =	simm.s32 $0xC0;
	s26 =	simm.s32 $0x0;
	vm3 =	vlt.s32 v8, $0xFF;
	vm2 =	vlt.s32 v10, $0xFF;
	vm0 =	vlt.s32 v5, $0xFF;
	[tilespmem:v15+s21+$0x0] =	vst.idx.add.f32.msk $0xffff, v2  }
.LBB2_5:
0x42: {  	v12 =	vld [tilespmem:s28+$0x30];
	s26 =	sadd.s32 $0x8, s26;
	v10 =	vnsel vm2, $0xFF, v10;
	v11 =	vnsel vm5, $0xFF, v11;
	vm2 =	vlt.s32 v6, $0xFF  }
0x43: {  	v9 =	vnsel vm1, $0xFF, v9;
	v7 =	vnsel vm4, $0xFF, v7;
	v8 =	vnsel vm3, $0xFF, v8;
	v13 =	vld [tilespmem:s28+$0xFFFFFFD0];
	p0 =	slt.u32 s26, $0x5F8  }
0x44: {  	v5 =	vnsel vm0, $0xFF, v5;
	v10 =	vshll.u32 v10, $0x4;
	v6 =	vnsel vm2, $0xFF, v6;
	v14 =	vld [tilespmem:s28+$0xFFFFFFE0]  }
0x45: {  	v11 =	vshll.u32 v11, $0x4;
	v9 =	vshll.u32 v9, $0x4;
	v7 =	vshll.u32 v7, $0x4;
	v15 =	vld [tilespmem:s28+$0xFFFFFFF0]  }
0x46: {  	v8 =	vshll.u32 v8, $0x4;
	v5 =	vshll.u32 v5, $0x4;
	v6 =	vshll.u32 v6, $0x4;
	v16 =	vld [tilespmem:s28+$0x0]  }
0x47: {  	v10 =	vor.u32 v1, v10;
	v11 =	vor.u32 v1, v11;
	v17 =	vld [tilespmem:s28+$0x10];
	v12 =	vsub.f32 v12, v3  }
0x48: {  	v9 =	vor.u32 v1, v9;
	v7 =	vor.u32 v1, v7;
	v13 =	vsub.f32 v13, v3;
	v18 =	vld [tilespmem:s28+$0x20]  }
0x49: {  	v8 =	vor.u32 v1, v8;
	v19 =	vld [tilespmem:s28+$0xFFFFFFC0];
	v14 =	vsub.f32 v14, v3;
	v12 =	vmul.f32 v12, v4  }
0x4a: {  	v5 =	vor.u32 v1, v5;
	v13 =	vmul.f32 v13, v4;
	v15 =	vsub.f32 v15, v3  }
0x4b: {  	v14 =	vmul.f32 v14, v4;
	v16 =	vsub.f32 v16, v3;
	v12 =	vtrunc.f32 v12  }
0x4c: {  	v15 =	vmul.f32 v15, v4;
	v17 =	vsub.f32 v17, v3;
	v12 =	vcvt.f32.s32 v12;
	[tilespmem:v10+s21+$0x0] =	vst.idx.add.f32.msk $0xffff, v2  }
0x4d: {  	v13 =	vtrunc.f32 v13;
	v10 =	vmul.f32 v16, v4;
	v16 =	vsub.f32 v18, v3;
	[tilespmem:v11+s21+$0x0] =	vst.idx.add.f32.msk $0xffff, v2  }
0x4e: {  	v11 =	vsub.f32 v19, v3;
	v17 =	vmul.f32 v17, v4;
	vm0 =	vlt.s32 v12, $0xFF;
	[tilespmem:v9+s21+$0x0] =	vst.idx.add.f32.msk $0xffff, v2  }
0x4f: {  	v9 =	vtrunc.f32 v14;
	v14 =	vmul.f32 v16, v4;
	v12 =	vnsel vm0, $0xFF, v12;
	[tilespmem:v7+s21+$0x0] =	vst.idx.add.f32.msk $0xffff, v2  }
0x50: {  	v15 =	vtrunc.f32 v15;
	v7 =	vmul.f32 v11, v4;
	v11 =	vshll.u32 v12, $0x4;
	[tilespmem:v8+s21+$0x0] =	vst.idx.add.f32.msk $0xffff, v2  }
0x51: {  	v8 =	vtrunc.f32 v10;
	v12 =	vtrunc.f32 v17;
	v16 =	vor.u32 v1, v11;
	[tilespmem:v5+s21+$0x0] =	vst.idx.add.f32.msk $0xffff, v2  }
0x52: {  	v17 =	vor.u32 v1, v6;
	v14 =	vtrunc.f32 v14;
	v5 =	vtrunc.f32 v7  }
.Ltmp3:
0x53: {  	v11 =	vcvt.f32.s32 v13;
	v10 =	vcvt.f32.s32 v5;
	(pc) =	sbr.rel @p0 .LBB2_5-.Ltmp3, $4  }
0x54: {  	v9 =	vcvt.f32.s32 v9;
	v7 =	vcvt.f32.s32 v15  }
0x55: {  	v8 =	vcvt.f32.s32 v8;
	v5 =	vcvt.f32.s32 v12;
	vm2 =	vlt.s32 v10, $0xFF  }
0x56: {  	vm1 =	vlt.s32 v9, $0xFF;
	v6 =	vcvt.f32.s32 v14;
	vm5 =	vlt.s32 v11, $0xFF;
	[tilespmem:v16+s21+$0x0] =	vst.idx.add.f32.msk $0xffff, v2  }
0x57: {  	s28 =	sadd.s32 $0x80, s28;
	vm3 =	vlt.s32 v8, $0xFF;
	vm4 =	vlt.s32 v7, $0xFF;
	vm0 =	vlt.s32 v5, $0xFF;
	[tilespmem:v17+s21+$0x0] =	vst.idx.add.f32.msk $0xffff, v2  }
0x58: {  	v10 =	vnsel vm2, $0xFF, v10  }
0x59: {  	v11 =	vnsel vm5, $0xFF, v11;
	vm15 =	vlt.s32 v6, $0xFF;
	v10 =	vshll.u32 v10, $0x4  }
0x5a: {  	v9 =	vnsel vm1, $0xFF, v9;
	v11 =	vshll.u32 v11, $0x4;
	v10 =	vor.u32 v1, v10  }
0x5b: {  	v7 =	vnsel vm4, $0xFF, v7;
	v9 =	vshll.u32 v9, $0x4;
	v11 =	vor.u32 v1, v11  }
0x5c: {  	v8 =	vnsel vm3, $0xFF, v8;
	v7 =	vshll.u32 v7, $0x4;
	v9 =	vor.u32 v1, v9  }
0x5d: {  	v5 =	vnsel vm0, $0xFF, v5;
	v8 =	vshll.u32 v8, $0x4;
	v7 =	vor.u32 v1, v7  }
0x5e: {  	v6 =	vnsel vm15, $0xFF, v6;
	v5 =	vshll.u32 v5, $0x4;
	v8 =	vor.u32 v1, v8  }
0x5f: {  	v6 =	vshll.u32 v6, $0x4;
	v5 =	vor.u32 v1, v5;
	[tilespmem:v10+s21+$0x0] =	vst.idx.add.f32.msk $0xffff, v2  }
0x60: {  	p0 =	seq.s32 s25, $0x4;
	v6 =	vor.u32 v1, v6;
	[tilespmem:v11+s21+$0x0] =	vst.idx.add.f32.msk $0xffff, v2  }
.Ltmp4:
0x61: {  	[tilespmem:v9+s21+$0x0] =	vst.idx.add.f32.msk $0xffff, v2;
	(pc) =	sbr.rel @p0 .LBB2_10-.Ltmp4, $4  }
0x62: {  	[tilespmem:v7+s21+$0x0] =	vst.idx.add.f32.msk $0xffff, v2  }
0x63: {  	[tilespmem:v8+s21+$0x0] =	vst.idx.add.f32.msk $0xffff, v2  }
0x64: {  	[tilespmem:v5+s21+$0x0] =	vst.idx.add.f32.msk $0xffff, v2  }
0x65: {  	[tilespmem:v6+s21+$0x0] =	vst.idx.add.f32.msk $0xffff, v2  }
0x66: {  	s26 =	smul.u32 $0xC000, s25;
	_ =	sdelay $0x1  }
0x67: {  	s28 =	sadd.s32 s26, s8  }
0x68: {  	s28 =	sshrl.u32 s28, $0x3  }
0x69: {  	s28 =	sadd.s32 s3, s28  }
0x6a: {  	[tilespmem:s2], [sflag:$0x1] =	stream.linear.gather [hbm4b:s28+s2], $0x6000, $0x38;
	[tilespmem:$0xE040] =	vst v63  }
0x6b: {  	_ =	swait.ge [sflag:s23], $0x6000  }
0x6c: {  	[sflag:s23] =	ssyncset.done $0x0  }
0x6d: {  	s28 =	simm.s32 $0x6070;
	[sflag:s23] =	ssyncadd.s32 $0xFFFFA000  }
0x6e: {  	v5 =	vld [tilespmem:s28+$0x0]  }
0x6f: {  	v6 =	vld [tilespmem:s28+$0xFFFFFFA0]  }
0x70: {  	v7 =	vld [tilespmem:s28+$0xFFFFFFB0]  }
0x71: {  	v8 =	vld [tilespmem:s28+$0xFFFFFFC0]  }
0x72: {  	v9 =	vld [tilespmem:s28+$0xFFFFFFD0]  }
0x73: {  	v10 =	vld [tilespmem:s28+$0xFFFFFFE0]  }
0x74: {  	v11 =	vld [tilespmem:s28+$0xFFFFFFF0]  }
0x75: {  	v12 =	vld [tilespmem:s28+$0xFFFFFF90];
	v5 =	vsub.f32 v5, v3  }
0x76: {  	v6 =	vsub.f32 v6, v3;
	v7 =	vsub.f32 v7, v3  }
0x77: {  	v8 =	vsub.f32 v8, v3;
	v9 =	vsub.f32 v9, v3  }
0x78: {  	v10 =	vsub.f32 v10, v3;
	v5 =	vmul.f32 v5, v4;
	v6 =	vmul.f32 v6, v4  }
0x79: {  	v11 =	vsub.f32 v11, v3;
	v7 =	vmul.f32 v7, v4;
	v8 =	vmul.f32 v8, v4  }
0x7a: {  	v12 =	vsub.f32 v12, v3;
	v9 =	vmul.f32 v9, v4;
	v5 =	vtrunc.f32 v5  }
0x7b: {  	v10 =	vmul.f32 v10, v4;
	v5 =	vcvt.f32.s32 v5  }
0x7c: {  	v11 =	vmul.f32 v11, v4;
	v12 =	vmul.f32 v12, v4  }
0x7d: {  	v6 =	vtrunc.f32 v6;
	v7 =	vtrunc.f32 v7;
	vm0 =	vlt.s32 v5, $0xFF  }
0x7e: {  	v8 =	vtrunc.f32 v8;
	v13 =	vtrunc.f32 v9;
	v5 =	vnsel vm0, $0xFF, v5  }
0x7f: {  	v14 =	vtrunc.f32 v10;
	v63 =	vtrunc.f32 v11;
	v5 =	vshll.u32 v5, $0x4  }
0x80: {  	v11 =	vcvt.f32.s32 v6;
	v9 =	vcvt.f32.s32 v7;
	v15 =	vor.u32 v1, v5  }
0x81: {  	v7 =	vcvt.f32.s32 v8;
	v8 =	vcvt.f32.s32 v13  }
0x82: {  	v6 =	vcvt.f32.s32 v63;
	v5 =	vtrunc.f32 v12  }
0x83: {  	v10 =	vcvt.f32.s32 v5;
	v5 =	vcvt.f32.s32 v14  }
0x84: {  	vm5 =	vlt.s32 v11, $0xFF;
	vm1 =	vlt.s32 v9, $0xFF;
	vm4 =	vlt.s32 v7, $0xFF  }
0x85: {  	s29 =	simm.s32 $0x60F0;
	s28 =	simm.s32 $0x0;
	vm3 =	vlt.s32 v8, $0xFF;
	vm2 =	vlt.s32 v10, $0xFF;
	vm0 =	vlt.s32 v5, $0xFF;
	[tilespmem:v15+s21+$0x0] =	vst.idx.add.f32.msk $0xffff, v2  }
.LBB2_8:
0x86: {  	v12 =	vld [tilespmem:s29+$0x0];
	s28 =	sadd.s32 $0x8, s28;
	v10 =	vnsel vm2, $0xFF, v10;
	v11 =	vnsel vm5, $0xFF, v11;
	vm2 =	vlt.s32 v6, $0xFF  }
0x87: {  	v9 =	vnsel vm1, $0xFF, v9;
	v7 =	vnsel vm4, $0xFF, v7;
	v8 =	vnsel vm3, $0xFF, v8;
	v13 =	vld [tilespmem:s29+$0xFFFFFFA0];
	p0 =	slt.u32 s28, $0x5F8  }
0x88: {  	v5 =	vnsel vm0, $0xFF, v5;
	v10 =	vshll.u32 v10, $0x4;
	v6 =	vnsel vm2, $0xFF, v6;
	v14 =	vld [tilespmem:s29+$0xFFFFFFB0]  }
0x89: {  	v11 =	vshll.u32 v11, $0x4;
	v9 =	vshll.u32 v9, $0x4;
	v7 =	vshll.u32 v7, $0x4;
	v15 =	vld [tilespmem:s29+$0xFFFFFFC0]  }
0x8a: {  	v8 =	vshll.u32 v8, $0x4;
	v5 =	vshll.u32 v5, $0x4;
	v6 =	vshll.u32 v6, $0x4;
	v16 =	vld [tilespmem:s29+$0xFFFFFFD0]  }
0x8b: {  	v10 =	vor.u32 v1, v10;
	v11 =	vor.u32 v1, v11;
	v17 =	vld [tilespmem:s29+$0xFFFFFFE0];
	v12 =	vsub.f32 v12, v3  }
0x8c: {  	v9 =	vor.u32 v1, v9;
	v7 =	vor.u32 v1, v7;
	v13 =	vsub.f32 v13, v3;
	v18 =	vld [tilespmem:s29+$0xFFFFFFF0]  }
0x8d: {  	v8 =	vor.u32 v1, v8;
	v19 =	vld [tilespmem:s29+$0xFFFFFF90];
	v14 =	vsub.f32 v14, v3;
	v12 =	vmul.f32 v12, v4  }
0x8e: {  	v5 =	vor.u32 v1, v5;
	v13 =	vmul.f32 v13, v4;
	v15 =	vsub.f32 v15, v3  }
0x8f: {  	v14 =	vmul.f32 v14, v4;
	v16 =	vsub.f32 v16, v3;
	v12 =	vtrunc.f32 v12  }
0x90: {  	v15 =	vmul.f32 v15, v4;
	v17 =	vsub.f32 v17, v3;
	v12 =	vcvt.f32.s32 v12;
	[tilespmem:v10+s21+$0x0] =	vst.idx.add.f32.msk $0xffff, v2  }
0x91: {  	v13 =	vtrunc.f32 v13;
	v10 =	vmul.f32 v16, v4;
	v16 =	vsub.f32 v18, v3;
	[tilespmem:v11+s21+$0x0] =	vst.idx.add.f32.msk $0xffff, v2  }
0x92: {  	v11 =	vsub.f32 v19, v3;
	v17 =	vmul.f32 v17, v4;
	vm0 =	vlt.s32 v12, $0xFF;
	[tilespmem:v9+s21+$0x0] =	vst.idx.add.f32.msk $0xffff, v2  }
0x93: {  	v9 =	vtrunc.f32 v14;
	v14 =	vmul.f32 v16, v4;
	v12 =	vnsel vm0, $0xFF, v12;
	[tilespmem:v7+s21+$0x0] =	vst.idx.add.f32.msk $0xffff, v2  }
0x94: {  	v15 =	vtrunc.f32 v15;
	v7 =	vmul.f32 v11, v4;
	v11 =	vshll.u32 v12, $0x4;
	[tilespmem:v8+s21+$0x0] =	vst.idx.add.f32.msk $0xffff, v2  }
0x95: {  	v8 =	vtrunc.f32 v10;
	v12 =	vtrunc.f32 v17;
	v16 =	vor.u32 v1, v11;
	[tilespmem:v5+s21+$0x0] =	vst.idx.add.f32.msk $0xffff, v2  }
0x96: {  	v17 =	vor.u32 v1, v6;
	v14 =	vtrunc.f32 v14;
	v5 =	vtrunc.f32 v7  }
.Ltmp5:
0x97: {  	v11 =	vcvt.f32.s32 v13;
	v10 =	vcvt.f32.s32 v5;
	(pc) =	sbr.rel @p0 .LBB2_8-.Ltmp5, $4  }
0x98: {  	v9 =	vcvt.f32.s32 v9;
	v7 =	vcvt.f32.s32 v15  }
0x99: {  	v8 =	vcvt.f32.s32 v8;
	v5 =	vcvt.f32.s32 v12;
	vm2 =	vlt.s32 v10, $0xFF  }
0x9a: {  	vm1 =	vlt.s32 v9, $0xFF;
	v6 =	vcvt.f32.s32 v14;
	vm5 =	vlt.s32 v11, $0xFF;
	[tilespmem:v16+s21+$0x0] =	vst.idx.add.f32.msk $0xffff, v2  }
0x9b: {  	s29 =	sadd.s32 $0x80, s29;
	vm3 =	vlt.s32 v8, $0xFF;
	vm4 =	vlt.s32 v7, $0xFF;
	vm0 =	vlt.s32 v5, $0xFF;
	[tilespmem:v17+s21+$0x0] =	vst.idx.add.f32.msk $0xffff, v2  }
0x9c: {  	v10 =	vnsel vm2, $0xFF, v10  }
0x9d: {  	v11 =	vnsel vm5, $0xFF, v11;
	vm15 =	vlt.s32 v6, $0xFF;
	v10 =	vshll.u32 v10, $0x4  }
0x9e: {  	v9 =	vnsel vm1, $0xFF, v9;
	v11 =	vshll.u32 v11, $0x4;
	v10 =	vor.u32 v1, v10  }
0x9f: {  	v7 =	vnsel vm4, $0xFF, v7;
	v9 =	vshll.u32 v9, $0x4;
	v11 =	vor.u32 v1, v11  }
0xa0: {  	v8 =	vnsel vm3, $0xFF, v8;
	v7 =	vshll.u32 v7, $0x4;
	v9 =	vor.u32 v1, v9  }
0xa1: {  	v5 =	vnsel vm0, $0xFF, v5;
	v8 =	vshll.u32 v8, $0x4;
	v7 =	vor.u32 v1, v7  }
0xa2: {  	v6 =	vnsel vm15, $0xFF, v6;
	v5 =	vshll.u32 v5, $0x4;
	v8 =	vor.u32 v1, v8  }
0xa3: {  	v6 =	vshll.u32 v6, $0x4;
	v5 =	vor.u32 v1, v5;
	[tilespmem:v10+s21+$0x0] =	vst.idx.add.f32.msk $0xffff, v2  }
0xa4: {  	v6 =	vor.u32 v1, v6;
	[tilespmem:v11+s21+$0x0] =	vst.idx.add.f32.msk $0xffff, v2  }
0xa5: {  	[tilespmem:v9+s21+$0x0] =	vst.idx.add.f32.msk $0xffff, v2  }
.Ltmp6:
0xa6: {  	p0 =	seq.s32 s25, $0x3;
	[tilespmem:v7+s21+$0x0] =	vst.idx.add.f32.msk $0xffff, v2;
	(pc) =	sbr.rel .LBB2_4-.Ltmp6, $4  }
0xa7: {  	s26 =	sadd.s32 @!p0 s26, s10;
	[tilespmem:v8+s21+$0x0] =	vst.idx.add.f32.msk $0xffff, v2  }
0xa8: {  	s25 =	sadd.s32 $0x1, s25;
	s26 =	sshrl.u32 @!p0 s26, $0x3;
	[tilespmem:v5+s21+$0x0] =	vst.idx.add.f32.msk $0xffff, v2  }
0xa9: {  	s28 =	simm.s32 @!p0 $0x0;
	s29 =	simm.s32 @!p0 $0x6000;
	s26 =	sadd.s32 @!p0 s3, s26;
	[tilespmem:v6+s21+$0x0] =	vst.idx.add.f32.msk $0xffff, v2  }
0xaa: {  	[tilespmem:s29], [sflag:$0x2] =	stream.linear.gather @!p0 [hbm4b:s26+s28], $0x6000, $0x38;
	[tilespmem:$0xE040] =	vst v63  }
.LBB2_10:
0xab: {  	v3 =	vld [tilespmem:$0xE010];
	s25 =	simm.s32 $0x0  }
0xac: {  	v4 =	vld [tilespmem:$0xE030];
	[tilespmem:s25], [sflag:$0x1] =	stream.linear.gather [hbm4b:s9+s25], $0x6000, $0x38  }
0xad: {  	_ = 	snop  }
0xae: {  	[tilespmem:s19], [sflag:$0x2] =	stream.linear.gather [hbm4b:s11+s25], $0x6000, $0x38;
	[tilespmem:$0xE040] =	vst v63  }
.LBB2_11:
0xaf: {  	_ =	swait.ge [sflag:s20], $0x6000  }
0xb0: {  	[sflag:s20] =	ssyncset.done $0x0  }
0xb1: {  	s26 =	simm.s32 $0x40;
	[sflag:s20] =	ssyncadd.s32 $0xFFFFA000  }
0xb2: {  	v5 =	vld [tilespmem:s26+$0x30]  }
0xb3: {  	v6 =	vld [tilespmem:s26+$0xFFFFFFD0]  }
0xb4: {  	v7 =	vld [tilespmem:s26+$0xFFFFFFE0]  }
0xb5: {  	v8 =	vld [tilespmem:s26+$0xFFFFFFF0]  }
0xb6: {  	v9 =	vld [tilespmem:s26+$0x0]  }
0xb7: {  	v10 =	vld [tilespmem:s26+$0x10]  }
0xb8: {  	v11 =	vld [tilespmem:s26+$0x20]  }
0xb9: {  	v12 =	vld [tilespmem:s26+$0xFFFFFFC0];
	v5 =	vsub.f32 v5, v3  }
0xba: {  	v6 =	vsub.f32 v6, v3;
	v7 =	vsub.f32 v7, v3  }
0xbb: {  	v8 =	vsub.f32 v8, v3;
	v9 =	vsub.f32 v9, v3  }
0xbc: {  	v10 =	vsub.f32 v10, v3;
	v5 =	vmul.f32 v5, v4;
	v6 =	vmul.f32 v6, v4  }
0xbd: {  	v11 =	vsub.f32 v11, v3;
	v7 =	vmul.f32 v7, v4;
	v8 =	vmul.f32 v8, v4  }
0xbe: {  	v12 =	vsub.f32 v12, v3;
	v9 =	vmul.f32 v9, v4;
	v5 =	vtrunc.f32 v5  }
0xbf: {  	v10 =	vmul.f32 v10, v4;
	v5 =	vcvt.f32.s32 v5  }
0xc0: {  	v11 =	vmul.f32 v11, v4;
	v12 =	vmul.f32 v12, v4  }
0xc1: {  	v6 =	vtrunc.f32 v6;
	v7 =	vtrunc.f32 v7;
	vm0 =	vlt.s32 v5, $0xFF  }
0xc2: {  	v8 =	vtrunc.f32 v8;
	v13 =	vtrunc.f32 v9;
	v5 =	vnsel vm0, $0xFF, v5  }
0xc3: {  	v14 =	vtrunc.f32 v10;
	v63 =	vtrunc.f32 v11;
	v5 =	vshll.u32 v5, $0x4  }
0xc4: {  	v11 =	vcvt.f32.s32 v6;
	v9 =	vcvt.f32.s32 v7;
	v15 =	vor.u32 v1, v5  }
0xc5: {  	v7 =	vcvt.f32.s32 v8;
	v8 =	vcvt.f32.s32 v13  }
0xc6: {  	v6 =	vcvt.f32.s32 v63;
	v5 =	vtrunc.f32 v12  }
0xc7: {  	v10 =	vcvt.f32.s32 v5;
	v5 =	vcvt.f32.s32 v14  }
0xc8: {  	vm5 =	vlt.s32 v11, $0xFF;
	vm1 =	vlt.s32 v9, $0xFF;
	vm4 =	vlt.s32 v7, $0xFF  }
0xc9: {  	s28 =	simm.s32 $0xC0;
	s26 =	simm.s32 $0x0;
	vm3 =	vlt.s32 v8, $0xFF;
	vm2 =	vlt.s32 v10, $0xFF;
	vm0 =	vlt.s32 v5, $0xFF;
	[tilespmem:v15+s22+$0x0] =	vst.idx.add.f32.msk $0xffff, v2  }
.LBB2_12:
0xca: {  	v12 =	vld [tilespmem:s28+$0x30];
	s26 =	sadd.s32 $0x8, s26;
	v10 =	vnsel vm2, $0xFF, v10;
	v11 =	vnsel vm5, $0xFF, v11;
	vm2 =	vlt.s32 v6, $0xFF  }
0xcb: {  	v9 =	vnsel vm1, $0xFF, v9;
	v7 =	vnsel vm4, $0xFF, v7;
	v8 =	vnsel vm3, $0xFF, v8;
	v13 =	vld [tilespmem:s28+$0xFFFFFFD0];
	p0 =	slt.u32 s26, $0x5F8  }
0xcc: {  	v5 =	vnsel vm0, $0xFF, v5;
	v10 =	vshll.u32 v10, $0x4;
	v6 =	vnsel vm2, $0xFF, v6;
	v14 =	vld [tilespmem:s28+$0xFFFFFFE0]  }
0xcd: {  	v11 =	vshll.u32 v11, $0x4;
	v9 =	vshll.u32 v9, $0x4;
	v7 =	vshll.u32 v7, $0x4;
	v15 =	vld [tilespmem:s28+$0xFFFFFFF0]  }
0xce: {  	v8 =	vshll.u32 v8, $0x4;
	v5 =	vshll.u32 v5, $0x4;
	v6 =	vshll.u32 v6, $0x4;
	v16 =	vld [tilespmem:s28+$0x0]  }
0xcf: {  	v10 =	vor.u32 v1, v10;
	v11 =	vor.u32 v1, v11;
	v17 =	vld [tilespmem:s28+$0x10];
	v12 =	vsub.f32 v12, v3  }
0xd0: {  	v9 =	vor.u32 v1, v9;
	v7 =	vor.u32 v1, v7;
	v13 =	vsub.f32 v13, v3;
	v18 =	vld [tilespmem:s28+$0x20]  }
0xd1: {  	v8 =	vor.u32 v1, v8;
	v19 =	vld [tilespmem:s28+$0xFFFFFFC0];
	v14 =	vsub.f32 v14, v3;
	v12 =	vmul.f32 v12, v4  }
0xd2: {  	v5 =	vor.u32 v1, v5;
	v13 =	vmul.f32 v13, v4;
	v15 =	vsub.f32 v15, v3  }
0xd3: {  	v14 =	vmul.f32 v14, v4;
	v16 =	vsub.f32 v16, v3;
	v12 =	vtrunc.f32 v12  }
0xd4: {  	v15 =	vmul.f32 v15, v4;
	v17 =	vsub.f32 v17, v3;
	v12 =	vcvt.f32.s32 v12;
	[tilespmem:v10+s22+$0x0] =	vst.idx.add.f32.msk $0xffff, v2  }
0xd5: {  	v13 =	vtrunc.f32 v13;
	v10 =	vmul.f32 v16, v4;
	v16 =	vsub.f32 v18, v3;
	[tilespmem:v11+s22+$0x0] =	vst.idx.add.f32.msk $0xffff, v2  }
0xd6: {  	v11 =	vsub.f32 v19, v3;
	v17 =	vmul.f32 v17, v4;
	vm0 =	vlt.s32 v12, $0xFF;
	[tilespmem:v9+s22+$0x0] =	vst.idx.add.f32.msk $0xffff, v2  }
0xd7: {  	v9 =	vtrunc.f32 v14;
	v14 =	vmul.f32 v16, v4;
	v12 =	vnsel vm0, $0xFF, v12;
	[tilespmem:v7+s22+$0x0] =	vst.idx.add.f32.msk $0xffff, v2  }
0xd8: {  	v15 =	vtrunc.f32 v15;
	v7 =	vmul.f32 v11, v4;
	v11 =	vshll.u32 v12, $0x4;
	[tilespmem:v8+s22+$0x0] =	vst.idx.add.f32.msk $0xffff, v2  }
0xd9: {  	v8 =	vtrunc.f32 v10;
	v12 =	vtrunc.f32 v17;
	v16 =	vor.u32 v1, v11;
	[tilespmem:v5+s22+$0x0] =	vst.idx.add.f32.msk $0xffff, v2  }
0xda: {  	v17 =	vor.u32 v1, v6;
	v14 =	vtrunc.f32 v14;
	v5 =	vtrunc.f32 v7  }
.Ltmp7:
0xdb: {  	v11 =	vcvt.f32.s32 v13;
	v10 =	vcvt.f32.s32 v5;
	(pc) =	sbr.rel @p0 .LBB2_12-.Ltmp7, $4  }
0xdc: {  	v9 =	vcvt.f32.s32 v9;
	v7 =	vcvt.f32.s32 v15  }
0xdd: {  	v8 =	vcvt.f32.s32 v8;
	v5 =	vcvt.f32.s32 v12;
	vm2 =	vlt.s32 v10, $0xFF  }
0xde: {  	vm1 =	vlt.s32 v9, $0xFF;
	v6 =	vcvt.f32.s32 v14;
	vm5 =	vlt.s32 v11, $0xFF;
	[tilespmem:v16+s22+$0x0] =	vst.idx.add.f32.msk $0xffff, v2  }
0xdf: {  	s28 =	sadd.s32 $0x80, s28;
	vm3 =	vlt.s32 v8, $0xFF;
	vm4 =	vlt.s32 v7, $0xFF;
	vm0 =	vlt.s32 v5, $0xFF;
	[tilespmem:v17+s22+$0x0] =	vst.idx.add.f32.msk $0xffff, v2  }
0xe0: {  	v10 =	vnsel vm2, $0xFF, v10  }
0xe1: {  	v11 =	vnsel vm5, $0xFF, v11;
	vm2 =	vlt.s32 v6, $0xFF;
	v10 =	vshll.u32 v10, $0x4  }
0xe2: {  	v9 =	vnsel vm1, $0xFF, v9;
	v11 =	vshll.u32 v11, $0x4;
	v10 =	vor.u32 v1, v10  }
0xe3: {  	v7 =	vnsel vm4, $0xFF, v7;
	v9 =	vshll.u32 v9, $0x4;
	v11 =	vor.u32 v1, v11  }
0xe4: {  	v8 =	vnsel vm3, $0xFF, v8;
	v7 =	vshll.u32 v7, $0x4;
	v9 =	vor.u32 v1, v9  }
0xe5: {  	v5 =	vnsel vm0, $0xFF, v5;
	v8 =	vshll.u32 v8, $0x4;
	v7 =	vor.u32 v1, v7  }
0xe6: {  	v6 =	vnsel vm2, $0xFF, v6;
	v5 =	vshll.u32 v5, $0x4;
	v8 =	vor.u32 v1, v8  }
0xe7: {  	v6 =	vshll.u32 v6, $0x4;
	v5 =	vor.u32 v1, v5;
	[tilespmem:v10+s22+$0x0] =	vst.idx.add.f32.msk $0xffff, v2  }
0xe8: {  	p0 =	seq.s32 s25, $0x8;
	v6 =	vor.u32 v1, v6;
	[tilespmem:v11+s22+$0x0] =	vst.idx.add.f32.msk $0xffff, v2  }
0xe9: {  	s26 =	smul.u32 @!p0 $0xC000, s25;
	[tilespmem:v9+s22+$0x0] =	vst.idx.add.f32.msk $0xffff, v2  }
0xea: {  	[tilespmem:v7+s22+$0x0] =	vst.idx.add.f32.msk $0xffff, v2  }
0xeb: {  	s26 =	sadd.s32 @!p0 s26, s12;
	[tilespmem:v8+s22+$0x0] =	vst.idx.add.f32.msk $0xffff, v2  }
0xec: {  	s26 =	sshrl.u32 @!p0 s26, $0x3;
	[tilespmem:v5+s22+$0x0] =	vst.idx.add.f32.msk $0xffff, v2  }
0xed: {  	s28 =	simm.s32 @!p0 $0x0;
	s26 =	sadd.s32 @!p0 s4, s26;
	[tilespmem:v6+s22+$0x0] =	vst.idx.add.f32.msk $0xffff, v2  }
0xee: {  	[tilespmem:s28], [sflag:$0x1] =	stream.linear.gather @!p0 [hbm4b:s26+s28], $0x6000, $0x38;
	[tilespmem:$0xE040] =	vst v63  }
0xef: {  	_ =	swait.ge [sflag:s23], $0x6000  }
0xf0: {  	[sflag:s23] =	ssyncset.done $0x0  }
0xf1: {  	s31 =	simm.s32 $0x6070;
	[sflag:s23] =	ssyncadd.s32 $0xFFFFA000  }
0xf2: {  	v5 =	vld [tilespmem:s31+$0x0]  }
0xf3: {  	v6 =	vld [tilespmem:s31+$0xFFFFFFA0]  }
0xf4: {  	v7 =	vld [tilespmem:s31+$0xFFFFFFB0]  }
0xf5: {  	v8 =	vld [tilespmem:s31+$0xFFFFFFC0]  }
0xf6: {  	v9 =	vld [tilespmem:s31+$0xFFFFFFD0]  }
0xf7: {  	v10 =	vld [tilespmem:s31+$0xFFFFFFE0]  }
0xf8: {  	v11 =	vld [tilespmem:s31+$0xFFFFFFF0]  }
0xf9: {  	v12 =	vld [tilespmem:s31+$0xFFFFFF90];
	v5 =	vsub.f32 v5, v3  }
0xfa: {  	v6 =	vsub.f32 v6, v3;
	v7 =	vsub.f32 v7, v3  }
0xfb: {  	v8 =	vsub.f32 v8, v3;
	v9 =	vsub.f32 v9, v3  }
0xfc: {  	v10 =	vsub.f32 v10, v3;
	v5 =	vmul.f32 v5, v4;
	v6 =	vmul.f32 v6, v4  }
0xfd: {  	v11 =	vsub.f32 v11, v3;
	v7 =	vmul.f32 v7, v4;
	v8 =	vmul.f32 v8, v4  }
0xfe: {  	v12 =	vsub.f32 v12, v3;
	v9 =	vmul.f32 v9, v4;
	v5 =	vtrunc.f32 v5  }
0xff: {  	v10 =	vmul.f32 v10, v4;
	v5 =	vcvt.f32.s32 v5  }
0x100: {  	v11 =	vmul.f32 v11, v4;
	v12 =	vmul.f32 v12, v4  }
0x101: {  	v6 =	vtrunc.f32 v6;
	v7 =	vtrunc.f32 v7;
	vm0 =	vlt.s32 v5, $0xFF  }
0x102: {  	v8 =	vtrunc.f32 v8;
	v13 =	vtrunc.f32 v9;
	v5 =	vnsel vm0, $0xFF, v5  }
0x103: {  	v14 =	vtrunc.f32 v10;
	v63 =	vtrunc.f32 v11;
	v5 =	vshll.u32 v5, $0x4  }
0x104: {  	v11 =	vcvt.f32.s32 v6;
	v9 =	vcvt.f32.s32 v7;
	v15 =	vor.u32 v1, v5  }
0x105: {  	v7 =	vcvt.f32.s32 v8;
	v8 =	vcvt.f32.s32 v13  }
0x106: {  	v6 =	vcvt.f32.s32 v63;
	v5 =	vtrunc.f32 v12  }
0x107: {  	v10 =	vcvt.f32.s32 v5;
	v5 =	vcvt.f32.s32 v14  }
0x108: {  	vm5 =	vlt.s32 v11, $0xFF;
	vm1 =	vlt.s32 v9, $0xFF;
	vm4 =	vlt.s32 v7, $0xFF  }
0x109: {  	s26 =	simm.s32 $0x0;
	s28 =	simm.s32 $0x60F0;
	vm3 =	vlt.s32 v8, $0xFF;
	vm2 =	vlt.s32 v10, $0xFF;
	vm0 =	vlt.s32 v5, $0xFF;
	[tilespmem:v15+s22+$0x0] =	vst.idx.add.f32.msk $0xffff, v2  }
.LBB2_14:
0x10a: {  	v12 =	vld [tilespmem:s28+$0x0];
	s26 =	sadd.s32 $0x8, s26;
	v10 =	vnsel vm2, $0xFF, v10;
	v11 =	vnsel vm5, $0xFF, v11;
	vm2 =	vlt.s32 v6, $0xFF  }
0x10b: {  	v9 =	vnsel vm1, $0xFF, v9;
	v7 =	vnsel vm4, $0xFF, v7;
	v8 =	vnsel vm3, $0xFF, v8;
	v13 =	vld [tilespmem:s28+$0xFFFFFFA0];
	p1 =	slt.u32 s26, $0x5F8  }
0x10c: {  	v5 =	vnsel vm0, $0xFF, v5;
	v10 =	vshll.u32 v10, $0x4;
	v6 =	vnsel vm2, $0xFF, v6;
	v14 =	vld [tilespmem:s28+$0xFFFFFFB0]  }
0x10d: {  	v11 =	vshll.u32 v11, $0x4;
	v9 =	vshll.u32 v9, $0x4;
	v7 =	vshll.u32 v7, $0x4;
	v15 =	vld [tilespmem:s28+$0xFFFFFFC0]  }
0x10e: {  	v8 =	vshll.u32 v8, $0x4;
	v5 =	vshll.u32 v5, $0x4;
	v6 =	vshll.u32 v6, $0x4;
	v16 =	vld [tilespmem:s28+$0xFFFFFFD0]  }
0x10f: {  	v10 =	vor.u32 v1, v10;
	v11 =	vor.u32 v1, v11;
	v17 =	vld [tilespmem:s28+$0xFFFFFFE0];
	v12 =	vsub.f32 v12, v3  }
0x110: {  	v9 =	vor.u32 v1, v9;
	v7 =	vor.u32 v1, v7;
	v13 =	vsub.f32 v13, v3;
	v18 =	vld [tilespmem:s28+$0xFFFFFFF0]  }
0x111: {  	v8 =	vor.u32 v1, v8;
	v19 =	vld [tilespmem:s28+$0xFFFFFF90];
	v14 =	vsub.f32 v14, v3;
	v12 =	vmul.f32 v12, v4  }
0x112: {  	v5 =	vor.u32 v1, v5;
	v13 =	vmul.f32 v13, v4;
	v15 =	vsub.f32 v15, v3  }
0x113: {  	v14 =	vmul.f32 v14, v4;
	v16 =	vsub.f32 v16, v3;
	v12 =	vtrunc.f32 v12  }
0x114: {  	v15 =	vmul.f32 v15, v4;
	v17 =	vsub.f32 v17, v3;
	v12 =	vcvt.f32.s32 v12;
	[tilespmem:v10+s22+$0x0] =	vst.idx.add.f32.msk $0xffff, v2  }
0x115: {  	v13 =	vtrunc.f32 v13;
	v10 =	vmul.f32 v16, v4;
	v16 =	vsub.f32 v18, v3;
	[tilespmem:v11+s22+$0x0] =	vst.idx.add.f32.msk $0xffff, v2  }
0x116: {  	v11 =	vsub.f32 v19, v3;
	v17 =	vmul.f32 v17, v4;
	vm0 =	vlt.s32 v12, $0xFF;
	[tilespmem:v9+s22+$0x0] =	vst.idx.add.f32.msk $0xffff, v2  }
0x117: {  	v9 =	vtrunc.f32 v14;
	v14 =	vmul.f32 v16, v4;
	v12 =	vnsel vm0, $0xFF, v12;
	[tilespmem:v7+s22+$0x0] =	vst.idx.add.f32.msk $0xffff, v2  }
0x118: {  	v15 =	vtrunc.f32 v15;
	v7 =	vmul.f32 v11, v4;
	v11 =	vshll.u32 v12, $0x4;
	[tilespmem:v8+s22+$0x0] =	vst.idx.add.f32.msk $0xffff, v2  }
0x119: {  	v8 =	vtrunc.f32 v10;
	v12 =	vtrunc.f32 v17;
	v16 =	vor.u32 v1, v11;
	[tilespmem:v5+s22+$0x0] =	vst.idx.add.f32.msk $0xffff, v2  }
0x11a: {  	v17 =	vor.u32 v1, v6;
	v14 =	vtrunc.f32 v14;
	v5 =	vtrunc.f32 v7  }
.Ltmp8:
0x11b: {  	v11 =	vcvt.f32.s32 v13;
	v10 =	vcvt.f32.s32 v5;
	(pc) =	sbr.rel @p1 .LBB2_14-.Ltmp8, $4  }
0x11c: {  	v9 =	vcvt.f32.s32 v9;
	v7 =	vcvt.f32.s32 v15  }
0x11d: {  	v8 =	vcvt.f32.s32 v8;
	v5 =	vcvt.f32.s32 v12;
	vm2 =	vlt.s32 v10, $0xFF  }
0x11e: {  	vm1 =	vlt.s32 v9, $0xFF;
	v6 =	vcvt.f32.s32 v14;
	vm5 =	vlt.s32 v11, $0xFF;
	[tilespmem:v16+s22+$0x0] =	vst.idx.add.f32.msk $0xffff, v2  }
0x11f: {  	s28 =	sadd.s32 $0x80, s28;
	vm3 =	vlt.s32 v8, $0xFF;
	vm4 =	vlt.s32 v7, $0xFF;
	vm0 =	vlt.s32 v5, $0xFF;
	[tilespmem:v17+s22+$0x0] =	vst.idx.add.f32.msk $0xffff, v2  }
0x120: {  	v10 =	vnsel vm2, $0xFF, v10  }
0x121: {  	v11 =	vnsel vm5, $0xFF, v11;
	vm15 =	vlt.s32 v6, $0xFF;
	v10 =	vshll.u32 v10, $0x4  }
0x122: {  	v9 =	vnsel vm1, $0xFF, v9;
	v11 =	vshll.u32 v11, $0x4;
	v10 =	vor.u32 v1, v10  }
0x123: {  	v7 =	vnsel vm4, $0xFF, v7;
	v9 =	vshll.u32 v9, $0x4;
	v11 =	vor.u32 v1, v11  }
0x124: {  	v8 =	vnsel vm3, $0xFF, v8;
	v7 =	vshll.u32 v7, $0x4;
	v9 =	vor.u32 v1, v9  }
0x125: {  	v5 =	vnsel vm0, $0xFF, v5;
	v8 =	vshll.u32 v8, $0x4;
	v7 =	vor.u32 v1, v7  }
0x126: {  	v6 =	vnsel vm15, $0xFF, v6;
	v5 =	vshll.u32 v5, $0x4;
	v8 =	vor.u32 v1, v8  }
0x127: {  	v6 =	vshll.u32 v6, $0x4;
	v5 =	vor.u32 v1, v5;
	[tilespmem:v10+s22+$0x0] =	vst.idx.add.f32.msk $0xffff, v2  }
0x128: {  	v6 =	vor.u32 v1, v6;
	[tilespmem:v11+s22+$0x0] =	vst.idx.add.f32.msk $0xffff, v2  }
.Ltmp9:
0x129: {  	[tilespmem:v9+s22+$0x0] =	vst.idx.add.f32.msk $0xffff, v2;
	(pc) =	sbr.rel @p0 .LBB2_17-.Ltmp9, $4  }
0x12a: {  	[tilespmem:v7+s22+$0x0] =	vst.idx.add.f32.msk $0xffff, v2  }
0x12b: {  	[tilespmem:v8+s22+$0x0] =	vst.idx.add.f32.msk $0xffff, v2  }
0x12c: {  	[tilespmem:v5+s22+$0x0] =	vst.idx.add.f32.msk $0xffff, v2  }
0x12d: {  	[tilespmem:v6+s22+$0x0] =	vst.idx.add.f32.msk $0xffff, v2  }
0x12e: {  	s26 =	smul.u32 $0xC000, s25  }
.Ltmp10:
0x12f: {  	_ = 	snop;
	(pc) =	sbr.rel .LBB2_11-.Ltmp10, $4  }
0x130: {  	s26 =	sadd.s32 s26, s13  }
0x131: {  	s26 =	sshrl.u32 s26, $0x3  }
0x132: {  	s25 =	sadd.s32 $0x1, s25;
	s26 =	sadd.s32 s4, s26  }
0x133: {  	[tilespmem:s19], [sflag:$0x2] =	stream.linear.gather [hbm4b:s26+s2], $0x6000, $0x38;
	[tilespmem:$0xE040] =	vst v63  }
.LBB2_18:
0x134: {  	_ =	sfence.sel $0x180000  }
0x135: {  	[bflag:$0x0] =	sbarrier.arrive $0xFFFF  }
0x136: {  	p0 =	sne.s32 s1, $0x0;
	_ =	strace $0x9000004D  }
0x137: {  	s0 =	sadd.s32 @!p0 $0x100000, s0;
	[bflag:$0x2] =	sbarrier.arrive $0xFFFF  }
0x138: {  	[sflag:s0] =	ssyncadd.tile.s32 @!p0 $0x1;
	_ =	shalt  }
.Lfunc_end2:
_tile_overlayer_lowered:
.L_overlay_start_2:
0x139: {  	(tag) =	ssettag $0x2  }
0x13a: {  	s0 =	rddreg [dreg:$0x0];
	s2 =	stileid.u32  }
0x13b: {  	s1 =	rddreg [dreg:$0x1];
	p0 =	sne.s32 s2, $0x0  }
0x13c: {  	s3 =	rddreg [dreg:$0x2];
	[bflag:$0x3] =	sbarrier.arrive $0xFFFF;
	s2 =	simm.s32 @!p0 $0x1C03  }
0x13d: {  	[timem:s3], [sflag:s2] =	dma.local @!p0 [hbm:s0], s1  }
0x13e: {  	s0 =	simm.s32 @!p0 $0x3  }
0x13f: {  	_ =	swait.ge @!p0 [sflag:s0], s1  }
0x140: {  	s1 =	ssub.s32 @!p0 $0x0, s1;
	[sflag:s0] =	ssyncset.done @!p0 $0x0  }
0x141: {  	[sflag:s0] =	ssyncadd.s32 @!p0 s1  }
0x142: {  	[bflag:$0x3] =	sbarrier.arrive $0xFFFF  }
0x143: {  	_ =	shalt  }

// kernel: kernel.8.cloned.1.call-start
scs
__scs_entry_jumppad:
0x0: {  	(pc) =	sbr.rel $0x88, $3  }
0x1: {  	(tag) =	ssettag $0x0;
	lr =	simm.s32 $0x1  }
0x2: {  	[smem:$0x3F9E] =	sst lr;
	_ =	strace $0xD0000000  }
0x3: {  	_ = 	snop  }
0x4: {  	_ = 	snop  }
0x5: {  	_ = 	snop  }
0x6: {  	_ = 	snop  }
0x7: {  	_ = 	snop  }
__scs_overlays_trampoline_lowered:
0x8: {  	[smem:$0x3FAD] =	sst s0  }
0x9: {  	[smem:$0x3FAE] =	sst s1  }
0xa: {  	[smem:$0x3FAF] =	sst s2  }
0xb: {  	[smem:$0x3FB0] =	sst s3  }
0xc: {  	[smem:$0x3FB1] =	sst s4  }
0xd: {  	[smem:$0x3FB2] =	sst s5  }
0xe: {  	[smem:$0x3FB3] =	sst s6  }
0xf: {  	[smem:$0x3FB4] =	sst s7  }
0x10: {  	[smem:$0x3FB5] =	sst s8  }
0x11: {  	[smem:$0x3FB6] =	sst s9;
	s0 =	simm.s32 @!p0 $0x0  }
0x12: {  	s1 =	sld [smem:$0x3F9C];
	s0 =	simm.s32 @p0 $0x1  }
0x13: {  	[smem:$0x3FB7] =	sst s0;
	s0 =	simm.s32 @!p1 $0x0  }
0x14: {  	s2 =	sld [smem:$0x3F9B];
	s0 =	simm.s32 @p1 $0x1  }
0x15: {  	[smem:$0x3FB8] =	sst s0;
	s0 =	simm.s32 @!p2 $0x0  }
0x16: {  	s3 =	sld [smem:$0x3FDB];
	s0 =	simm.s32 @p2 $0x1  }
0x17: {  	s4 =	simm.s32 $0x1BF5;
	[smem:$0x3FBA] =	sst s0  }
0x18: {  	s0 =	sld [smem:$0x3F9D];
	_ =	swait.ge [sflag:s4], $0x0  }
0x19: {  	s7 =	sld [smem:$0x3F9E]  }
0x1a: {  	s8 =	sadd.s32 $0xFFFFE003, lr  }
0x1b: {  	s9 =	sadd.s32 $0xFFFFFEF7, lr;
	s5 =	simm.s32 $0xFFFFFFFF;
	p2 =	slt.u32 s8, $0xFFFFF086  }
0x1c: {  	p1 =	slt.u32 s9, $0xF7A;
	s5 =	simm.s32 @!p2 $0x0  }
0x1d: {  	s5 =	simm.s32 @p1 $0x1;
	p0 =	seq.s32 s7, s2  }
0x1e: {  	s7 =	smul.u32 @!p0 $0xF7A, s2;
	p2 =	seq.s32 @!p0 s5, $0x0  }
0x1f: {  	s9 =	smul.u32 $0xF7A, s1;
	s8 =	simm.s32 @!p0 $0x1BF5;
	p2 =	por !p2, p0  }
0x20: {  	[sflag:s8] =	ssyncset.s32 @!p0 $0xFFFFF086;
	s6 =	sadd.s32 @!p0 s3, s7;
	s7 =	simm.s32 @!p0 $0x108  }
0x21: {  	s3 =	sadd.s32 s3, s9;
	s6 =	sadd.s32 @!p0 $0x88, s6;
	s7 =	simm.s32 @p2 $0x1082  }
0x22: {  	[simem:s7], [sflag:s8] =	dma.local @!p0 [hbm:s6], $0xF7A  }
0x23: {  	s9 =	sor.u32 $0xD0000000, s2;
	s6 =	simm.s32 $0x108;
	_ =	swait.ge @!p0 [sflag:s8], $0x0  }
0x24: {  	s3 =	sadd.s32 $0x88, s3;
	s6 =	simm.s32 @!p1 $0x1082;
	[sflag:s4] =	ssyncset.s32 $0xFFFFF086  }
0x25: {  	[simem:s6], [sflag:s4] =	dma.local [hbm:s3], $0xF7A  }
0x26: {  	[smem:$0x3F9E] =	sst s1;
	(tag) =	ssettag s2;
	_ =	strace s9  }
0x27: {  	s1 =	sld [smem:$0x3FAE]  }
0x28: {  	s2 =	sld [smem:$0x3FAF]  }
0x29: {  	s4 =	sld [smem:$0x3FB1]  }
0x2a: {  	p0 =	seq.s32 s5, $0x0;
	s5 =	sld [smem:$0x3FB2]  }
0x2b: {  	s6 =	sld [smem:$0x3FB3]  }
0x2c: {  	s7 =	sld [smem:$0x3FB4]  }
0x2d: {  	s3 =	simm.s32 $0x108;
	s8 =	sld [smem:$0x3FB5]  }
0x2e: {  	s3 =	simm.s32 @!p0 $0x1082;
	s9 =	sld [smem:$0x3FB6]  }
0x2f: {  	lr =	sadd.s32 s0, s3;
	s0 =	sld [smem:$0x3FAD]  }
0x30: {  	s3 =	sld [smem:$0x3FB0]  }
0x31: {  	[smem:$0x3FB9] =	sst s10  }
0x32: {  	s10 =	sld [smem:$0x3FB7];
	_ =	sdelay $0x3  }
0x33: {  	p0 =	seq.s32 s10, $0x1;
	s10 =	sld [smem:$0x3FB9];
	_ =	sdelay $0x3  }
0x34: {  	[smem:$0x3FB9] =	sst s10  }
0x35: {  	s10 =	sld [smem:$0x3FB8];
	_ =	sdelay $0x3  }
0x36: {  	p1 =	seq.s32 s10, $0x1;
	s10 =	sld [smem:$0x3FB9];
	_ =	sdelay $0x3  }
0x37: {  	[smem:$0x3FB9] =	sst s10  }
0x38: {  	s10 =	sld [smem:$0x3FBA]  }
0x39: {  	_ = 	snop;
	(pc) =	sbr.ind lr, $3  }
0x3a: {  	_ = 	snop  }
0x3b: {  	_ = 	snop  }
0x3c: {  	p2 =	seq.s32 s10, $0x1;
	s10 =	sld [smem:$0x3FB9]  }
0x3d: {  	_ =	shalt  }
0x3e: {  	_ =	shalt  }
0x3f: {  	_ =	shalt  }
0x40: {  	_ =	shalt  }
0x41: {  	_ =	shalt  }
0x42: {  	_ =	shalt  }
0x43: {  	_ =	shalt  }
0x44: {  	_ =	shalt  }
0x45: {  	_ =	shalt  }
0x46: {  	_ =	shalt  }
0x47: {  	_ =	shalt  }
0x48: {  	_ =	shalt  }
0x49: {  	_ =	shalt  }
0x4a: {  	_ =	shalt  }
0x4b: {  	_ =	shalt  }
0x4c: {  	_ =	shalt  }
0x4d: {  	_ =	shalt  }
0x4e: {  	_ =	shalt  }
0x4f: {  	_ =	shalt  }
0x50: {  	_ =	shalt  }
0x51: {  	_ =	shalt  }
0x52: {  	_ =	shalt  }
0x53: {  	_ =	shalt  }
0x54: {  	_ =	shalt  }
0x55: {  	_ =	shalt  }
0x56: {  	_ =	shalt  }
0x57: {  	_ =	shalt  }
0x58: {  	_ =	shalt  }
0x59: {  	_ =	shalt  }
0x5a: {  	_ =	shalt  }
0x5b: {  	_ =	shalt  }
0x5c: {  	_ =	shalt  }
0x5d: {  	_ =	shalt  }
0x5e: {  	_ =	shalt  }
0x5f: {  	_ =	shalt  }
0x60: {  	_ =	shalt  }
0x61: {  	_ =	shalt  }
0x62: {  	_ =	shalt  }
0x63: {  	_ =	shalt  }
0x64: {  	_ =	shalt  }
0x65: {  	_ =	shalt  }
0x66: {  	_ =	shalt  }
0x67: {  	_ =	shalt  }
0x68: {  	_ =	shalt  }
0x69: {  	_ =	shalt  }
0x6a: {  	_ =	shalt  }
0x6b: {  	_ =	shalt  }
0x6c: {  	_ =	shalt  }
0x6d: {  	_ =	shalt  }
0x6e: {  	_ =	shalt  }
0x6f: {  	_ =	shalt  }
0x70: {  	_ =	shalt  }
0x71: {  	_ =	shalt  }
0x72: {  	_ =	shalt  }
0x73: {  	_ =	shalt  }
0x74: {  	_ =	shalt  }
0x75: {  	_ =	shalt  }
0x76: {  	_ =	shalt  }
0x77: {  	_ =	shalt  }
0x78: {  	_ =	shalt  }
0x79: {  	_ =	shalt  }
0x7a: {  	_ =	shalt  }
0x7b: {  	_ =	shalt  }
0x7c: {  	_ =	shalt  }
0x7d: {  	_ =	shalt  }
0x7e: {  	_ =	shalt  }
0x7f: {  	_ =	shalt  }
0x80: {  	_ =	shalt  }
0x81: {  	_ =	shalt  }
0x82: {  	_ =	shalt  }
0x83: {  	_ =	shalt  }
0x84: {  	_ =	shalt  }
0x85: {  	_ =	shalt  }
0x86: {  	_ =	shalt  }
0x87: {  	_ =	shalt  }
.Lfunc_end0:
.L_simem_size_0:
called_computation_lowered:
.L_overlay_start_0:
0x88: {  	s2 =	sld [smem:$0x3FD9]  }
0x89: {  	s3 =	sld [smem:$0x3FFE];
	_ =	sdelay $0x1  }
0x8a: {  	s1 =	srdreg.scid  }
0x8b: {  	s0 =	sand.u32 $0x1, s1  }
0x8c: {  	s16 =	sshll.u32 s0, $0xA;
	s2 =	sadd.s32 s3, s2  }
0x8d: {  	s2 =	sadd.s32 s2, s16  }
0x8e: {  	[smem:$0x3FC5] =	sst s2  }
0x8f: {  	_ = 	snop  }
0x90: {  	(tm) =	ssettm $0x1  }
0x91: {  	s17 =	sld [smem:$0x3FFB];
	_ =	sdelay $0x3  }
0x92: {  	_ =	strace s17  }
0x93: {  	s2 =	sld [smem:$0x3FFC];
	_ =	sdelay $0x3  }
0x94: {  	_ =	strace s2  }
0x95: {  	s2 =	sld [smem:$0x3FFD];
	_ =	sdelay $0x3  }
0x96: {  	_ =	strace s2  }
0x97: {  	_ =	strace $0x8FFFFFFF  }
0x98: {  	s18 =	sld [smem:$0x3FDB];
	_ =	sdelay $0x1  }
0x99: {  	s19 =	simm.s32 $_scs_section_size  }
0x9a: {  	s4 =	simm.s32 $_size__tile_overlayer_lowered;
	s5 =	simm.s32 $_tile_overlayer_lowered  }
0x9b: {  	s22 =	simm.s32 $0x1BFF;
	s21 =	sshll.u32 s5, $0x1;
	s2 =	sadd.s32 s19, s18  }
0x9c: {  	s6 =	simm.s32 $0x0;
	s20 =	sshll.u32 s4, $0x1;
	s4 =	sadd.s32 s21, s2  }
0x9d: {  	[timem:s6], [sflag:s22] =	dma.local [hbm:s4], s20  }
0x9e: {  	_ =	swait.ge [sflag:s22], s20  }
0x9f: {  	s3 =	ssub.s32 $0x0, s20;
	[sflag:s22] =	ssyncset.done $0x0  }
0xa0: {  	[sflag:s22] =	ssyncadd.s32 s3;
	_ =	sdelay $0x1  }
0xa1: {  	s23 =	simm.s32 $0x1B8B  }
0xa2: {  	_ =	swait.ge [sflag:s23], $0x1  }
0xa3: {  	[sflag:s23] =	ssyncset.done $0x0  }
0xa4: {  	s25 =	simm.s32 $0x1B8E;
	s24 =	sld [smem:$0x3FFE];
	[sflag:s23] =	ssyncadd.s32 $0xFFFFFFFF  }
0xa5: {  	s26 =	simm.s32 $execute0_lowered;
	[smem:$0x3FD2] =	sst s25  }
0xa6: {  	s4 =	sshll.u32 s26, $0x1;
	_ =	strace $0x80000046;
	[dreg:$0x1] =	wrdreg $0xFFFFFFFF  }
0xa7: {  	s28 =	simm.s32 $_size_execute0_lowered;
	s2 =	sadd.s32 s2, s4;
	[dreg:$0x0] =	wrdreg $0x0  }
0xa8: {  	s4 =	sshll.u32 s28, $0x1;
	[dreg:$0x2] =	wrdreg s2  }
0xa9: {  	[dreg:$0x3] =	wrdreg s4  }
0xaa: {  	[dreg:$0x4] =	wrdreg $0xC0  }
0xab: {  	_ =	task [dreg:s6], $0x5FFFF  }
0xac: {  	[dreg:$0x1] =	wrdreg $0xFFFFFFFF  }
0xad: {  	[dreg:$0x0] =	wrdreg $0x60  }
0xae: {  	[dreg:$0x2] =	wrdreg s24  }
0xaf: {  	[dreg:$0x3] =	wrdreg $0x9  }
0xb0: {  	_ =	task.clear_ibuf [dreg:s6], $0x4FFFF;
	_ =	strace $0x90000046  }
0xb1: {  	s29 =	simm.s32 $0x9;
	_ =	strace $0x80000048  }
0xb2: {  	_ =	swait.ge [sflag:s29], $0x1  }
0xb3: {  	[sflag:s29] =	ssyncadd.s32 $0xFFFFFFFF  }
0xb4: {  	_ =	strace $0x90000048  }
0xb5: {  	_ =	sfence  }
0xb6: {  	s30 =	sld [smem:$0x0];
	_ =	sdelay $0x2  }
0xb7: {  	s31 =	sshll.u32 s1, $0xD;
	s1 =	sshrl.u32 s1, $0x2  }
0xb8: {  	s3 =	sand.u32 $0x4000, s31;
	s1 =	sadd.s32 s1, s30  }
0xb9: {  	s0 =	sor.u32 s3, s0;
	s1 =	sshll.u32 s1, $0x11  }
0xba: {  	s0 =	sor.u32 s1, s0  }
0xbb: {  	s0 =	sadd.s32 $0x8F2B, s0  }
0xbc: {  	[sflag:s0] =	ssyncadd.remote.s32 $0x1  }
0xbd: {  	_ =	sfence.sel $0xFFFF  }
0xbe: {  	[dreg:$0x0] =	wrdreg $0xFFFFFFFF;
	(pc) =	sbr.abs _section_cstart, $3  }
0xbf: {  	[dreg:$0x1] =	wrdreg $0xFFFFFFFF  }
0xc0: {  	_ =	task.clear_ibuf [dreg:s6], $0x2FFFF;
	_ =	strace $0x9FFFFFFF  }
0xc1: {  	(tm) =	ssettm $0x7FFFFFFF  }
tec
execute0_lowered:
.L_overlay_start_1:
0x0: {  	(tag) =	ssettag $0x1  }
0x1: {  	s1 =	srdreg.scid  }
0x2: {  	s0 =	stileid.u32;
	s4 =	rddreg [dreg:$0x0];
	s2 =	simm.s32 $0x0  }
0x3: {  	s11 =	simm.s32 $0x1;
	s5 =	sand.u32 $0x1, s1;
	s3 =	sshll.u32 s0, $0x1  }
0x4: {  	s12 =	simm.s32 $0x2;
	s13 =	simm.s32 $0xC000;
	s3 =	sor.u32 s5, s3  }
0x5: {  	s14 =	simm.s32 $0x3;
	s15 =	simm.s32 $0x0;
	s7 =	smul.u32 $0xD8000, s3  }
0x6: {  	s1 =	rddreg [dreg:$0x1];
	s5 =	ssub.s32 $0x2, s5;
	s6 =	smul.u32 $0x6, s3  }
.Ltmp0:
0x7: {  	[smem:$0x7FF] =	sst s2;
	s31 =	sshrl.u32 s5, $0x1;
	(pc) =	sbr.rel .LBB2_1-.Ltmp0, $4  }
0x8: {  	_ =	strace $0x80000047;
	s3 =	sadd.s32 $0x2000, s4;
	s10 =	ssub.s32 s5, s31  }
0x9: {  	s8 =	sshrl.u32 s7, $0x3;
	s9 =	sadd.s32 s6, s4;
	s6 =	sadd.s32 $0xC000, s7  }
0xa: {  	s7 =	sadd.s32 $0x12000, s7;
	s4 =	sadd.s32 s3, s8;
	s8 =	sadd.s32 $0x362000, s9  }
0xb: {  	s9 =	smax.u32 s10, $0x1;
	s10 =	simm.s32 $0x6000;
	s5 =	sadd.s32 $0xC00, s4  }
.LBB2_8:
0xc: {  	v15 =	vadd.f32 v15, v26;
	_ =	sdelay $0x1  }
0xd: {  	v15 =	vadd.f32 v18, v15;
	_ =	sdelay $0x1  }
0xe: {  	v15 =	vadd.f32 v19, v15  }
0xf: {  	v59 =	vmin.f32 v21, v27  }
0x10: {  	v16 =	vmax.f32 v17, v16;
	v60 =	vmin.f32 v59, v29;
	v6 =	vadd.f32 v6, v15  }
0x11: {  	v10 =	vmax.f32 v16, v10;
	v11 =	vmin.f32 v60, v11  }
0x12: {  	v8 =	vmax.f32 v10, v8;
	v9 =	vmin.f32 v11, v9;
	v2 =	vadd.f32 v2, v6  }
0x13: {  	v4 =	vmax.f32 v8, v4;
	v61 =	vmin.f32 v9, v7  }
0x14: {  	v3 =	vmax.f32 v4, v3;
	v62 =	vmin.f32 v61, v5;
	v0 =	vadd.f32 v0, v2  }
0x15: {  	v1 =	vmax.f32 v3, v1;
	v63 =	vmin.f32 v62, v13  }
0x16: {  	s15 =	sadd.s32 $0x1, s15;
	v1 =	vmax.f32 v1, v12;
	[tilespmem:$0xC000] =	vst v63;
	v0 =	vadd.f32 v14, v0  }
0x17: {  	p0 =	sne.s32 s15, s9;
	[tilespmem:$0xC010] =	vst v1  }
.Ltmp1:
0x18: {  	[tilespmem:$0xC020] =	vst v0;
	(pc) =	sbr.rel @!p0 .LBB2_9-.Ltmp1, $4  }
0x19: {  	[hbm4b:s8+s2] =	stream.linear.scatter [tilespmem:s13], [sflag:$0x3], $0x30, $0x38;
	[tilespmem:$0xC030] =	vst v63  }
0x1a: {  	_ =	swait.ge [sflag:s14], $0x30  }
0x1b: {  	[sflag:s14] =	ssyncset.done $0x0  }
0x1c: {  	[sflag:s14] =	ssyncadd.s32 $0xFFFFFFD0  }
.LBB2_1:
0x1d: {  	v13 =	vimm.f32 $3.402823470e+38;
	v12 =	vimm.f32 $-3.402823470e+38;
	v14 =	vimm.f32 $0.0e+00  }
0x1e: {  	v0 =	vimm.f32 $0.0e+00;
	v2 =	vimm.f32 $0.0e+00;
	v6 =	vimm.f32 $0.0e+00  }
0x1f: {  	v19 =	vimm.f32 $0.0e+00;
	v18 =	vimm.f32 $0.0e+00;
	v15 =	vimm.f32 $0.0e+00  }
0x20: {  	v26 =	vimm.f32 $0.0e+00;
	v1 =	vimm.f32 $-3.402823470e+38;
	v3 =	vimm.f32 $-3.402823470e+38  }
0x21: {  	[tilespmem:s2], [sflag:$0x1] =	stream.linear.gather [hbm4b:s4+s2], $0x6000, $0x38;
	v4 =	vimm.f32 $-3.402823470e+38;
	v8 =	vimm.f32 $-3.402823470e+38;
	v10 =	vimm.f32 $-3.402823470e+38;
	[tilespmem:$0xC030] =	vst v63  }
0x22: {  	v16 =	vimm.f32 $-3.402823470e+38;
	v17 =	vimm.f32 $-3.402823470e+38;
	v5 =	vimm.f32 $3.402823470e+38  }
0x23: {  	v7 =	vimm.f32 $3.402823470e+38;
	v9 =	vimm.f32 $3.402823470e+38;
	v11 =	vimm.f32 $3.402823470e+38;
	s16 =	simm.s32 $0x0  }
0x24: {  	v29 =	vimm.f32 $3.402823470e+38;
	v27 =	vimm.f32 $3.402823470e+38;
	v21 =	vimm.f32 $3.402823470e+38;
	[tilespmem:s10], [sflag:$0x2] =	stream.linear.gather [hbm4b:s5+s2], $0x6000, $0x38;
	[tilespmem:$0xC030] =	vst v63  }
.LBB2_2:
0x25: {  	_ =	swait.ge [sflag:s11], $0x6000  }
0x26: {  	[sflag:s11] =	ssyncset.done $0x0  }
0x27: {  	s17 =	simm.s32 $0x0;
	[sflag:s11] =	ssyncadd.s32 $0xFFFFA000  }
0x28: {  	v22 =	vld [tilespmem:s17+$0x70]  }
0x29: {  	v30 =	vld [tilespmem:s17+$0x0];
	_ =	sdelay $0x1  }
0x2a: {  	v31 =	vld [tilespmem:s17+$0x10]  }
0x2b: {  	v25 =	vld [tilespmem:s17+$0x30]  }
0x2c: {  	v28 =	vld [tilespmem:s17+$0x20]  }
0x2d: {  	v24 =	vld [tilespmem:s17+$0x40];
	v23 =	vmin.f32 v13, v22;
	v20 =	vmax.f32 v12, v22;
	v13 =	vand.u32 $0x7FFFFFFF, v30  }
0x2e: {  	v12 =	vand.u32 $0x7FFFFFFF, v22;
	v21 =	vmin.f32 v21, v30;
	v13 =	vadd.f32 v13, v26;
	v26 =	vld [tilespmem:s17+$0x50]  }
0x2f: {  	v17 =	vmax.f32 v17, v30;
	v22 =	vadd.f32 v12, v14;
	v14 =	vmin.f32 v27, v31;
	v27 =	vld [tilespmem:s17+$0x60]  }
0x30: {  	v16 =	vmax.f32 v16, v31;
	v30 =	vand.u32 $0x7FFFFFFF, v25;
	v12 =	vand.u32 $0x7FFFFFFF, v31  }
0x31: {  	v19 =	vadd.f32 v30, v19;
	v15 =	vadd.f32 v12, v15;
	v12 =	vand.u32 $0x7FFFFFFF, v28  }
0x32: {  	s18 =	simm.s32 $0x400;
	s17 =	simm.s32 $0x80;
	v12 =	vadd.f32 v12, v18;
	v18 =	vmin.f32 v29, v28;
	v29 =	vand.u32 $0x7FFFFFFF, v24  }
.LBB2_3:
0x33: {  	p0 =	sne.s32 s18, $0x17E00;
	v30 =	vld [tilespmem:s17+$0x70];
	v10 =	vmax.f32 v10, v28;
	v6 =	vadd.f32 v29, v6;
	v28 =	vand.u32 $0x7FFFFFFF, v26  }
0x34: {  	v11 =	vmin.f32 v11, v25;
	v29 =	vld [tilespmem:s17+$0x0];
	v2 =	vadd.f32 v28, v2;
	v28 =	vand.u32 $0x7FFFFFFF, v27  }
0x35: {  	v8 =	vmax.f32 v8, v25;
	v9 =	vmin.f32 v9, v24;
	v31 =	vld [tilespmem:s17+$0x10];
	v0 =	vadd.f32 v28, v0  }
0x36: {  	v4 =	vmax.f32 v4, v24;
	v7 =	vmin.f32 v7, v26;
	v3 =	vmax.f32 v3, v26;
	v28 =	vld [tilespmem:s17+$0x20]  }
0x37: {  	v5 =	vmin.f32 v5, v27;
	v1 =	vmax.f32 v1, v27;
	v25 =	vld [tilespmem:s17+$0x30]  }
0x38: {  	v24 =	vld [tilespmem:s17+$0x40];
	v23 =	vmin.f32 v23, v30;
	v20 =	vmax.f32 v20, v30;
	v27 =	vand.u32 $0x7FFFFFFF, v30  }
.Ltmp2:
0x39: {  	v21 =	vmin.f32 v21, v29;
	v30 =	vand.u32 $0x7FFFFFFF, v29;
	v26 =	vld [tilespmem:s17+$0x50];
	v22 =	vadd.f32 v27, v22;
	(pc) =	sbr.rel @p0 .LBB2_3-.Ltmp2, $4  }
0x3a: {  	v17 =	vmax.f32 v17, v29;
	v13 =	vadd.f32 v30, v13;
	v29 =	vand.u32 $0x7FFFFFFF, v31;
	v27 =	vld [tilespmem:s17+$0x60]  }
0x3b: {  	v14 =	vmin.f32 v14, v31;
	v15 =	vadd.f32 v29, v15;
	v29 =	vand.u32 $0x7FFFFFFF, v28  }
0x3c: {  	v16 =	vmax.f32 v16, v31;
	v12 =	vadd.f32 v29, v12;
	v29 =	vand.u32 $0x7FFFFFFF, v25  }
0x3d: {  	s17 =	sshra.s32 s18, $0x2;
	s18 =	sadd.s32 $0x200, s18;
	v18 =	vmin.f32 v18, v28;
	v19 =	vadd.f32 v29, v19;
	v29 =	vand.u32 $0x7FFFFFFF, v24  }
0x3e: {  	v30 =	vld [tilespmem:s17+$0x70]  }
0x3f: {  	v10 =	vmax.f32 v10, v28;
	v28 =	vld [tilespmem:s17+$0x0]  }
0x40: {  	v6 =	vadd.f32 v29, v6;
	v31 =	vld [tilespmem:s17+$0x10];
	p0 =	seq.s32 s16, $0x11  }
0x41: {  	v29 =	vand.u32 $0x7FFFFFFF, v26;
	v11 =	vmin.f32 v11, v25;
	v8 =	vmax.f32 v8, v25;
	v25 =	vld [tilespmem:s17+$0x20];
	s18 =	smul.u32 @!p0 $0xC000, s16  }
0x42: {  	v32 =	vmin.f32 v7, v26;
	v3 =	vmax.f32 v3, v26;
	v26 =	vld [tilespmem:s17+$0x40];
	v2 =	vadd.f32 v29, v2  }
0x43: {  	v29 =	vand.u32 $0x7FFFFFFF, v27;
	v33 =	vmin.f32 v5, v27;
	v1 =	vmax.f32 v1, v27;
	v27 =	vld [tilespmem:s17+$0x50];
	s18 =	sadd.s32 @!p0 s18, s6  }
0x44: {  	v9 =	vmin.f32 v9, v24;
	v0 =	vadd.f32 v29, v0;
	v29 =	vld [tilespmem:s17+$0x30];
	s18 =	sshrl.u32 @!p0 s18, $0x3  }
0x45: {  	v24 =	vmax.f32 v4, v24;
	v34 =	vld [tilespmem:s17+$0x60];
	v23 =	vmin.f32 v23, v30;
	v4 =	vand.u32 $0x7FFFFFFF, v30;
	s17 =	sadd.s32 @!p0 s3, s18;
	s18 =	simm.s32 @!p0 $0x0  }
0x46: {  	v20 =	vmax.f32 v20, v30;
	v30 =	vmin.f32 v21, v28;
	v5 =	vand.u32 $0x7FFFFFFF, v31;
	[tilespmem:s18], [sflag:$0x1] =	stream.linear.gather @!p0 [hbm4b:s17+s18], $0x6000, $0x38;
	[tilespmem:$0xC030] =	vst v63  }
0x47: {  	v36 =	vmin.f32 v14, v31;
	v16 =	vmax.f32 v16, v31;
	v38 =	vmin.f32 v18, v25;
	_ =	swait.ge [sflag:s12], $0x6000  }
0x48: {  	v22 =	vadd.f32 v4, v22;
	v4 =	vand.u32 $0x7FFFFFFF, v28;
	v28 =	vmax.f32 v17, v28;
	[sflag:s12] =	ssyncset.done $0x0  }
0x49: {  	s31 =	simm.s32 $0x0;
	v37 =	vadd.f32 v5, v15;
	v7 =	vand.u32 $0x7FFFFFFF, v27;
	v5 =	vand.u32 $0x7FFFFFFF, v29;
	[sflag:s12] =	ssyncadd.s32 $0xFFFFA000  }
0x4a: {  	v35 =	vadd.f32 v4, v13;
	v39 =	vadd.f32 v5, v19;
	v5 =	vand.u32 $0x7FFFFFFF, v26;
	v14 =	vld [tilespmem:s31+$0x6070]  }
0x4b: {  	v17 =	vmax.f32 v3, v27;
	v21 =	vadd.f32 v5, v6;
	v6 =	vadd.f32 v7, v2;
	v2 =	vld [tilespmem:s31+$0x6000]  }
0x4c: {  	v4 =	vand.u32 $0x7FFFFFFF, v25;
	v5 =	vmin.f32 v11, v29;
	v7 =	vmax.f32 v8, v29;
	v29 =	vld [tilespmem:s31+$0x6010]  }
0x4d: {  	v31 =	vadd.f32 v4, v12;
	v8 =	vmin.f32 v9, v26;
	v9 =	vmax.f32 v24, v26;
	v26 =	vld [tilespmem:s31+$0x6020]  }
0x4e: {  	v4 =	vmax.f32 v10, v25;
	v10 =	vand.u32 $0x7FFFFFFF, v34;
	v12 =	vmax.f32 v1, v34;
	v25 =	vld [tilespmem:s31+$0x6030]  }
0x4f: {  	v13 =	vadd.f32 v10, v0;
	v10 =	vmin.f32 v32, v27;
	v11 =	vmin.f32 v33, v34  }
0x50: {  	v24 =	vld [tilespmem:s31+$0x6040];
	v18 =	vmin.f32 v23, v14;
	v19 =	vmax.f32 v20, v14;
	v0 =	vand.u32 $0x7FFFFFFF, v14  }
0x51: {  	v27 =	vld [tilespmem:s31+$0x6050];
	v20 =	vmin.f32 v30, v2;
	v1 =	vand.u32 $0x7FFFFFFF, v2;
	v15 =	vmax.f32 v28, v2  }
0x52: {  	v2 =	vand.u32 $0x7FFFFFFF, v29;
	v3 =	vand.u32 $0x7FFFFFFF, v26;
	v16 =	vmax.f32 v16, v29;
	v28 =	vld [tilespmem:s31+$0x6060]  }
0x53: {  	v23 =	vand.u32 $0x7FFFFFFF, v25;
	v14 =	vadd.f32 v0, v22;
	v0 =	vadd.f32 v1, v35  }
0x54: {  	v1 =	vmin.f32 v36, v29;
	v2 =	vadd.f32 v2, v37;
	v3 =	vadd.f32 v3, v31  }
0x55: {  	s17 =	simm.s32 $0x80;
	s18 =	simm.s32 $0x400;
	v22 =	vmin.f32 v38, v26;
	v23 =	vadd.f32 v23, v39;
	v29 =	vand.u32 $0x7FFFFFFF, v24  }
.LBB2_5:
0x56: {  	p1 =	sne.s32 s18, $0x17E00;
	v30 =	vld [tilespmem:s17+$0x6070];
	v4 =	vmax.f32 v4, v26;
	v21 =	vadd.f32 v29, v21;
	v26 =	vand.u32 $0x7FFFFFFF, v27  }
0x57: {  	v5 =	vmin.f32 v5, v25;
	v29 =	vld [tilespmem:s17+$0x6000];
	v6 =	vadd.f32 v26, v6;
	v26 =	vand.u32 $0x7FFFFFFF, v28  }
0x58: {  	v7 =	vmax.f32 v7, v25;
	v8 =	vmin.f32 v8, v24;
	v31 =	vld [tilespmem:s17+$0x6010];
	v13 =	vadd.f32 v26, v13  }
0x59: {  	v9 =	vmax.f32 v9, v24;
	v10 =	vmin.f32 v10, v27;
	v17 =	vmax.f32 v17, v27;
	v26 =	vld [tilespmem:s17+$0x6020]  }
0x5a: {  	v11 =	vmin.f32 v11, v28;
	v12 =	vmax.f32 v12, v28;
	v25 =	vld [tilespmem:s17+$0x6030]  }
0x5b: {  	v24 =	vld [tilespmem:s17+$0x6040];
	v18 =	vmin.f32 v18, v30;
	v19 =	vmax.f32 v19, v30;
	v28 =	vand.u32 $0x7FFFFFFF, v30  }
.Ltmp3:
0x5c: {  	v20 =	vmin.f32 v20, v29;
	v30 =	vand.u32 $0x7FFFFFFF, v29;
	v27 =	vld [tilespmem:s17+$0x6050];
	v14 =	vadd.f32 v28, v14;
	(pc) =	sbr.rel @p1 .LBB2_5-.Ltmp3, $4  }
0x5d: {  	v15 =	vmax.f32 v15, v29;
	v0 =	vadd.f32 v30, v0;
	v29 =	vand.u32 $0x7FFFFFFF, v31;
	v28 =	vld [tilespmem:s17+$0x6060]  }
0x5e: {  	v1 =	vmin.f32 v1, v31;
	v2 =	vadd.f32 v29, v2;
	v29 =	vand.u32 $0x7FFFFFFF, v26  }
0x5f: {  	v16 =	vmax.f32 v16, v31;
	v3 =	vadd.f32 v29, v3;
	v29 =	vand.u32 $0x7FFFFFFF, v25  }
0x60: {  	s17 =	sshra.s32 s18, $0x2;
	s18 =	sadd.s32 $0x200, s18;
	v22 =	vmin.f32 v22, v26;
	v23 =	vadd.f32 v29, v23;
	v29 =	vand.u32 $0x7FFFFFFF, v24  }
0x61: {  	v30 =	vld [tilespmem:s17+$0x6070];
	v4 =	vmax.f32 v4, v26  }
0x62: {  	v31 =	vadd.f32 v29, v21;
	v21 =	vand.u32 $0x7FFFFFFF, v27;
	v26 =	vld [tilespmem:s17+$0x6000];
	v5 =	vmin.f32 v5, v25  }
0x63: {  	v29 =	vld [tilespmem:s17+$0x6010];
	v7 =	vmax.f32 v7, v25;
	v25 =	vmin.f32 v8, v24;
	v24 =	vmax.f32 v9, v24  }
0x64: {  	v34 =	vmin.f32 v10, v27;
	v35 =	vmax.f32 v17, v27;
	v8 =	vld [tilespmem:s17+$0x6030];
	v32 =	vadd.f32 v21, v6  }
0x65: {  	v6 =	vand.u32 $0x7FFFFFFF, v28;
	v36 =	vmin.f32 v11, v28;
	v28 =	vmax.f32 v12, v28  }
0x66: {  	v33 =	vadd.f32 v6, v13;
	v6 =	vld [tilespmem:s17+$0x6020];
	v13 =	vmin.f32 v18, v30;
	v12 =	vmax.f32 v19, v30  }
0x67: {  	v37 =	vld [tilespmem:s17+$0x6040];
	v9 =	vand.u32 $0x7FFFFFFF, v30;
	v21 =	vmin.f32 v20, v26;
	v10 =	vand.u32 $0x7FFFFFFF, v26  }
0x68: {  	v20 =	vld [tilespmem:s17+$0x6050];
	v17 =	vmax.f32 v15, v26;
	v27 =	vmin.f32 v1, v29;
	v16 =	vmax.f32 v16, v29  }
0x69: {  	v30 =	vld [tilespmem:s17+$0x6060];
	v1 =	vand.u32 $0x7FFFFFFF, v8;
	v11 =	vmin.f32 v5, v8;
	v8 =	vmax.f32 v7, v8  }
0x6a: {  	v14 =	vadd.f32 v9, v14;
	v9 =	vand.u32 $0x7FFFFFFF, v29;
	v26 =	vadd.f32 v10, v0  }
0x6b: {  	v19 =	vadd.f32 v1, v23;
	v15 =	vadd.f32 v9, v2;
	v0 =	vand.u32 $0x7FFFFFFF, v6  }
.Ltmp4:
0x6c: {  	v29 =	vmin.f32 v22, v6;
	v10 =	vmax.f32 v4, v6;
	v9 =	vmin.f32 v25, v37;
	(pc) =	sbr.rel @p0 .LBB2_8-.Ltmp4, $4  }
0x6d: {  	v4 =	vmax.f32 v24, v37;
	v18 =	vadd.f32 v0, v3;
	v0 =	vand.u32 $0x7FFFFFFF, v37  }
0x6e: {  	v6 =	vadd.f32 v0, v31;
	v1 =	vand.u32 $0x7FFFFFFF, v20;
	v0 =	vand.u32 $0x7FFFFFFF, v30  }
0x6f: {  	v7 =	vmin.f32 v34, v20;
	v3 =	vmax.f32 v35, v20;
	v5 =	vmin.f32 v36, v30  }
0x70: {  	v2 =	vadd.f32 v1, v32;
	v0 =	vadd.f32 v0, v33;
	v1 =	vmax.f32 v28, v30  }
0x71: {  	s17 =	smul.u32 $0xC000, s16  }
.Ltmp5:
0x72: {  	_ = 	snop;
	(pc) =	sbr.rel .LBB2_2-.Ltmp5, $4  }
0x73: {  	s17 =	sadd.s32 s17, s7  }
0x74: {  	s17 =	sshrl.u32 s17, $0x3  }
0x75: {  	s16 =	sadd.s32 $0x1, s16;
	s17 =	sadd.s32 s3, s17  }
0x76: {  	[tilespmem:s10], [sflag:$0x2] =	stream.linear.gather [hbm4b:s17+s2], $0x6000, $0x38;
	[tilespmem:$0xC030] =	vst v63  }
.LBB2_9:
0x77: {  	_ =	sfence.sel $0x180000  }
0x78: {  	[bflag:$0x0] =	sbarrier.arrive $0xFFFF  }
0x79: {  	p0 =	sne.s32 s0, $0x0;
	_ =	strace $0x90000047  }
0x7a: {  	s0 =	sadd.s32 @!p0 $0x100000, s1;
	[bflag:$0x2] =	sbarrier.arrive $0xFFFF  }
0x7b: {  	[sflag:s0] =	ssyncadd.tile.s32 @!p0 $0x1;
	_ =	shalt  }
.Lfunc_end2:
_tile_overlayer_lowered:
.L_overlay_start_2:
0x7c: {  	(tag) =	ssettag $0x2  }
0x7d: {  	s0 =	rddreg [dreg:$0x0];
	s2 =	stileid.u32  }
0x7e: {  	s1 =	rddreg [dreg:$0x1];
	p0 =	sne.s32 s2, $0x0  }
0x7f: {  	s3 =	rddreg [dreg:$0x2];
	[bflag:$0x3] =	sbarrier.arrive $0xFFFF;
	s2 =	simm.s32 @!p0 $0x1C03  }
0x80: {  	[timem:s3], [sflag:s2] =	dma.local @!p0 [hbm:s0], s1  }
0x81: {  	s0 =	simm.s32 @!p0 $0x3  }
0x82: {  	_ =	swait.ge @!p0 [sflag:s0], s1  }
0x83: {  	s1 =	ssub.s32 @!p0 $0x0, s1;
	[sflag:s0] =	ssyncset.done @!p0 $0x0  }
0x84: {  	[sflag:s0] =	ssyncadd.s32 @!p0 s1  }
0x85: {  	[bflag:$0x3] =	sbarrier.arrive $0xFFFF  }
0x86: {  	_ =	shalt  }

</sc_bundles>
